<compile_context>
chip_gen: v7x
topology: tpu7x:2x2x1
jax: 0.10.2.dev20260603
libtpu: 0.0.44.dev20260713+nightly
codegen_flags: <defaults>
</compile_context>

<pallas_src>
import functools

import jax
import jax.numpy as jnp
from jax import lax
from jax.experimental import pallas as pl
from jax.experimental.pallas import tpu as pltpu
from jax.experimental.pallas import tpu_sc as plsc

NUM_ROWS = 1000000
DIM = 32
BATCH = 16384
HIST = 50

_info = plsc.get_sparse_core_info()
NC = _info.num_cores
NS = _info.num_subcores
NW = NC * NS

BLK = BATCH // NW
NBT = BLK // 128
NDT = DIM // 8

CH = 128
NFULL = NUM_ROWS // CH
TAIL = NUM_ROWS - NFULL * CH
NKP = (-(-NFULL // NW) + 1) // 2

_mesh = plsc.VectorSubcoreMesh(core_axis_name="c", subcore_axis_name="s")


def _make_repack():
    @functools.partial(
        pl.kernel,
        mesh=_mesh,
        out_type=jax.ShapeDtypeStruct((NUM_ROWS * DIM,), jnp.float32),
        scratch_types=[
            pltpu.VMEM((32, CH + 8), jnp.float32),
            pltpu.VMEM((32, CH + 8), jnp.float32),
            pltpu.VMEM((CH * DIM,), jnp.float32),
            pltpu.VMEM((CH * DIM,), jnp.float32),
            pltpu.VMEM((CH * 33,), jnp.float32),
            pltpu.VMEM((CH * 33,), jnp.float32),
            pltpu.SemaphoreType.DMA,
            pltpu.SemaphoreType.DMA,
            pltpu.SemaphoreType.DMA,
            pltpu.SemaphoreType.DMA,
        ],
        compiler_params=pltpu.CompilerParams(
            use_tc_tiling_on_sc=True, needs_layout_passes=False
        ),
    )
    def repack_kernel(wt_hbm, tail_hbm, wlin, Sa, Sb, Ta, Tb, Pa, Pb,
                      is0, is1, os0, os1):
        wid = lax.axis_index("s") * NC + lax.axis_index("c")

        iota16 = lax.iota(jnp.int32, 16)
        iota33 = iota16 * 33

        def chunk_of(k):
            return wid + k * NW

        def fire_in(k, S, isem):
            @pl.when(chunk_of(k) < NFULL)
            def _():
                pltpu.async_copy(
                    wt_hbm.at[:, pl.ds(chunk_of(k) * CH, CH)],
                    S.at[:, pl.ds(0, CH)],
                    isem,
                )

        def drain_in(S, isem):
            pltpu.make_async_copy(
                wt_hbm.at[:, pl.ds(0, CH)], S.at[:, pl.ds(0, CH)], isem
            ).wait()

        def drain_out(T, osem):
            pltpu.make_async_copy(T, wlin.at[pl.ds(0, CH * DIM)], osem).wait()

        def work(k, S, T, P, isem, osem, t):
            @pl.when(chunk_of(k) < NFULL)
            def _():
                drain_in(S, isem)

                @pl.when(t > 0)
                def _():
                    drain_out(T, osem)

                @plsc.parallel_loop(0, 2 * CH, 1, unroll=8)
                def _body(j):
                    d = lax.shift_right_logical(j, 3)
                    bq = lax.bitwise_and(j, 7)
                    v = S[d, pl.ds(bq * 16, 16)]
                    plsc.store_scatter(P, [iota33 + (bq * 528 + d)], v)

                @plsc.parallel_loop(0, 2 * CH, 1, unroll=8)
                def _body2(j):
                    bc = lax.shift_right_logical(j, 1)
                    d0 = lax.bitwise_and(j, 1) * 16
                    v = P[pl.ds(bc * 33 + d0, 16)]
                    T[pl.ds(bc * 32 + d0, 16)] = v

                pltpu.async_copy(
                    T, wlin.at[pl.ds(chunk_of(k) * CH * DIM, CH * DIM)], osem
                )
                fire_in(k + 2, S, isem)

        fire_in(0, Sa, is0)
        fire_in(1, Sb, is1)

        def pair(t, carry):
            work(2 * t, Sa, Ta, Pa, is0, os0, t)
            work(2 * t + 1, Sb, Tb, Pb, is1, os1, t)
            return carry

        lax.fori_loop(0, NKP, pair, 0)

        drain_out(Ta, os0)
        drain_out(Tb, os1)

        @pl.when(wid == 0)
        def _():
            pltpu.sync_copy(tail_hbm, Ta.at[pl.ds(0, TAIL * DIM)])
            pltpu.sync_copy(
                Ta.at[pl.ds(0, TAIL * DIM)],
                wlin.at[pl.ds(NFULL * CH * DIM, TAIL * DIM)],
            )

    return repack_kernel


def _make_gather():
    @functools.partial(
        pl.kernel,
        mesh=_mesh,
        out_type=jax.ShapeDtypeStruct((HIST, NDT, BATCH // 128, 8, 128),
                                      jnp.float32),
        scratch_types=[
            pltpu.VMEM((HIST, NBT, 128), jnp.int32),
            pltpu.VMEM((2, BLK, DIM), jnp.float32),
            pltpu.VMEM((2, NBT, NDT, 8, 131), jnp.float32),
            pltpu.SemaphoreType.DMA,
            pltpu.SemaphoreType.DMA,
            pltpu.SemaphoreType.DMA,
            pltpu.SemaphoreType.DMA,
        ],
        compiler_params=pltpu.CompilerParams(
            use_tc_tiling_on_sc=False, needs_layout_passes=False
        ),
    )
    def gather_kernel(x_hbm, w_hbm, o5, idx_v, G, T, gs0, gs1, os0, os1):
        wid = lax.axis_index("s") * NC + lax.axis_index("c")
        pltpu.sync_copy(x_hbm.at[:, pl.ds(wid * NBT, NBT), :], idx_v)

        def fire(h, buf, gsem):
            for q in range(NBT):
                pltpu.async_copy(
                    w_hbm.at[idx_v.at[h, q]],
                    G.at[buf, pl.ds(q * 128, 128)],
                    gsem,
                )

        def drain_g(buf, gsem):
            pltpu.make_async_copy(
                w_hbm.at[pl.ds(0, BLK)], G.at[buf], gsem
            ).wait()

        def drain_o(buf, osem):
            pltpu.make_async_copy(
                T.at[buf, :, :, :, pl.ds(0, 128)],
                o5.at[0, :, pl.ds(wid * NBT, NBT), :, :],
                osem,
            ).wait()

        iota16 = lax.iota(jnp.int32, 16)
        iota33 = iota16 * 33
        dt_lo = lax.shift_right_logical(iota16, 3)
        dt_hi = dt_lo + 2
        dr_v = lax.bitwise_and(iota16, 7)

        def transpose(buf):
            @plsc.parallel_loop(0, BLK, 1, unroll=8)
            def _body(r):
                q = lax.shift_right_logical(r, 7)
                bc = lax.bitwise_and(r, 127)
                qv = jnp.full((16,), q, jnp.int32)
                bcv = jnp.full((16,), bc, jnp.int32)
                v0 = G[buf, r, pl.ds(0, 16)]
                v1 = G[buf, r, pl.ds(16, 16)]
                plsc.store_scatter(T.at[buf], [qv, dt_lo, dr_v, bcv], v0)
                plsc.store_scatter(T.at[buf], [qv, dt_hi, dr_v, bcv], v1)

        def step(h, buf, gsem, osem, t):
            drain_g(buf, gsem)

            @pl.when(t > 0)
            def _():
                drain_o(buf, osem)

            transpose(buf)
            for q in range(NBT):
                pltpu.async_copy(
                    T.at[buf, q, :, :, pl.ds(0, 128)],
                    o5.at[h, :, wid * NBT + q, :, :],
                    osem,
                )

            @pl.when(h + 2 < HIST)
            def _():
                fire(h + 2, buf, gsem)

        fire(0, 0, gs0)
        fire(1, 1, gs1)

        def pair(t, carry):
            step(2 * t, 0, gs0, os0, t)
            step(2 * t + 1, 1, gs1, os1, t)
            return carry

        lax.fori_loop(0, HIST // 2, pair, 0)
        drain_o(0, os0)
        drain_o(1, os1)

    return gather_kernel


_repack = _make_repack()
_gather = _make_gather()


@jax.jit
def kernel(x, weight):
    xv = x.T.reshape(HIST, BATCH // 128, 128).astype(jnp.int32)
    tail = lax.slice(weight, (NFULL * CH, 0), (NUM_ROWS, DIM)).reshape(-1)
    wlin = _repack(weight.T, tail)
    o5 = _gather(xv, wlin.reshape(NUM_ROWS, DIM))
    out = (
        o5.transpose(0, 1, 3, 2, 4)
        .reshape(HIST, DIM, BATCH)
        .transpose(2, 0, 1)
    )
    return out

# --- scband reference (transcript-rebuilt; emitter-appended) ---
"""Pipeline reference for scband-meta-embedding-25563645345861 (READ-ONLY COPY).

The authoritative reference and input builder live on the scoring server;
editing this copy changes nothing except your own understanding.
"""

import jax, jax.numpy as jnp
import numpy as np

NUM_ROWS = 1000000
DIM = 32
BATCH = 16384
HIST = 50

def setup_inputs(seed: int = 0) -> dict:
    key = jax.random.key(seed)
    k1, k2 = jax.random.split(key)
    x = jax.random.randint(k1, (BATCH, HIST), 0, NUM_ROWS, dtype=jnp.int64 if jax.config.jax_enable_x64 else jnp.int32)
    weight = jax.random.normal(k2, (NUM_ROWS, DIM), dtype=jnp.float32)
    return {"x": x, "weight": weight}

def reference(x, weight):
    # F.embedding with padding_idx=None is a pure row gather
    return jnp.take(weight, x, axis=0)

if __name__ == "__main__":
    import jax
    _d = setup_inputs()
    print(jax.jit(kernel)(*tuple(_d.values())))

</pallas_src>

<mosaic_0001>
#map = affine_map<(d0, d1) -> (0, 0)>
#map1 = affine_map<(d0, d1) -> (0)>
module attributes {stable_mosaic.version = 14 : i64} {
  func.func @repack_kernel(%arg0: i32, %arg1: i32, %arg2: memref<32x1000000xf32, #tpu.memory_space<hbm>>, %arg3: memref<2048xf32, #tpu.memory_space<hbm>>, %arg4: memref<32000000xf32, #tpu.memory_space<hbm>>, %arg5: memref<32x136xf32, #tpu.memory_space<vmem>>, %arg6: memref<32x136xf32, #tpu.memory_space<vmem>>, %arg7: memref<4096xf32, #tpu.memory_space<vmem>>, %arg8: memref<4096xf32, #tpu.memory_space<vmem>>, %arg9: memref<4224xf32, #tpu.memory_space<vmem>>, %arg10: memref<4224xf32, #tpu.memory_space<vmem>>, %arg11: memref<!tpu.dma_semaphore, #tpu.memory_space<semaphore_mem>>, %arg12: memref<!tpu.dma_semaphore, #tpu.memory_space<semaphore_mem>>, %arg13: memref<!tpu.dma_semaphore, #tpu.memory_space<semaphore_mem>>, %arg14: memref<!tpu.dma_semaphore, #tpu.memory_space<semaphore_mem>>) attributes {dimension_semantics = [#tpu.dimension_semantics<core_parallel>, #tpu.dimension_semantics<subcore_parallel>], iteration_bounds = array<i64: 2, 16>, scalar_prefetch = 0 : i64, scratch_operands = 10 : i64, tpu.core_type = #tpu.core_type<sc_vector_subcore>, window_params = [{transform_indices = #map}, {transform_indices = #map1}, {transform_indices = #map1}]} {
    %mul3A = arith.constant 2 : i32
    %mul3A_0 = arith.muli %arg1, %mul3A : i32
    %add3A = arith.addi %mul3A_0, %arg0 : i32
    %iota3A = tpu.iota {dimensions = array<i32: 0>} : vector<16xi32>
    %mul3A_1 = arith.constant 33 : i32
    %mul3A_2 = vector.broadcast %mul3A_1 : i32 to vector<16xi32>
    %mul3A_3 = arith.muli %iota3A, %mul3A_2 : vector<16xi32>
    %add3A_4 = arith.constant 0 : i32
    %add3A_5 = arith.addi %add3A, %add3A_4 : i32
    %lt3A = arith.constant 7812 : i32
    %lt3A_6 = arith.cmpi slt, %add3A_5, %lt3A : i32
    %convert_element_type3A = arith.extui %lt3A_6 : i1 to i32
    %cond3A = arith.constant 0 : i32
    %cond3A_7 = arith.cmpi ne, %convert_element_type3A, %cond3A : i32
    scf.if %cond3A_7 {
      %add3A_31 = arith.constant 0 : i32
      %add3A_32 = arith.addi %add3A, %add3A_31 : i32
      %mul3A_33 = arith.constant 128 : i32
      %mul3A_34 = arith.muli %add3A_32, %mul3A_33 : i32
      %dma_start3A = arith.constant 0 : i32
      %dma_start3A_35 = arith.constant 0 : i32
      %dma_start3A_36 = tpu.memref_slice %arg5[%dma_start3A, %dma_start3A_35] : memref<32x136xf32, #tpu.memory_space<vmem>> -> memref<32x128xf32, #tpu.memory_space<vmem>>
      %dma_start3A_37 = arith.constant 0 : i32
      %dma_start3A_38 = tpu.memref_slice %arg2[%dma_start3A_37, %mul3A_34] : memref<32x1000000xf32, #tpu.memory_space<hbm>> -> memref<32x128xf32, #tpu.memory_space<hbm>>
      %dma_start3A_39 = arith.constant 0 : i32
      %dma_start3A_40 = arith.constant 0 : i32
      %dma_start3A_41 = tpu.memref_slice %arg5[%dma_start3A_39, %dma_start3A_40] : memref<32x136xf32, #tpu.memory_space<vmem>> -> memref<32x128xf32, #tpu.memory_space<vmem>>
      %dma_start3A_42 = arith.constant 0 : i32
      %dma_start3A_43 = tpu.memref_slice %arg2[%dma_start3A_42, %mul3A_34] : memref<32x1000000xf32, #tpu.memory_space<hbm>> -> memref<32x128xf32, #tpu.memory_space<hbm>>
      tpu.enqueue_dma source(%dma_start3A_43 : memref<32x128xf32, #tpu.memory_space<hbm>>) target(%dma_start3A_41 : memref<32x128xf32, #tpu.memory_space<vmem>>) target_semaphore(%arg11 : memref<!tpu.dma_semaphore, #tpu.memory_space<semaphore_mem>>)
    } else {
    }
    %add3A_8 = arith.constant 32 : i32
    %add3A_9 = arith.addi %add3A, %add3A_8 : i32
    %lt3A_10 = arith.constant 7812 : i32
    %lt3A_11 = arith.cmpi slt, %add3A_9, %lt3A_10 : i32
    %convert_element_type3A_12 = arith.extui %lt3A_11 : i1 to i32
    %cond3A_13 = arith.constant 0 : i32
    %cond3A_14 = arith.cmpi ne, %convert_element_type3A_12, %cond3A_13 : i32
    scf.if %cond3A_14 {
      %add3A_31 = arith.constant 32 : i32
      %add3A_32 = arith.addi %add3A, %add3A_31 : i32
      %mul3A_33 = arith.constant 128 : i32
      %mul3A_34 = arith.muli %add3A_32, %mul3A_33 : i32
      %dma_start3A = arith.constant 0 : i32
      %dma_start3A_35 = arith.constant 0 : i32
      %dma_start3A_36 = tpu.memref_slice %arg6[%dma_start3A, %dma_start3A_35] : memref<32x136xf32, #tpu.memory_space<vmem>> -> memref<32x128xf32, #tpu.memory_space<vmem>>
      %dma_start3A_37 = arith.constant 0 : i32
      %dma_start3A_38 = tpu.memref_slice %arg2[%dma_start3A_37, %mul3A_34] : memref<32x1000000xf32, #tpu.memory_space<hbm>> -> memref<32x128xf32, #tpu.memory_space<hbm>>
      %dma_start3A_39 = arith.constant 0 : i32
      %dma_start3A_40 = arith.constant 0 : i32
      %dma_start3A_41 = tpu.memref_slice %arg6[%dma_start3A_39, %dma_start3A_40] : memref<32x136xf32, #tpu.memory_space<vmem>> -> memref<32x128xf32, #tpu.memory_space<vmem>>
      %dma_start3A_42 = arith.constant 0 : i32
      %dma_start3A_43 = tpu.memref_slice %arg2[%dma_start3A_42, %mul3A_34] : memref<32x1000000xf32, #tpu.memory_space<hbm>> -> memref<32x128xf32, #tpu.memory_space<hbm>>
      tpu.enqueue_dma source(%dma_start3A_43 : memref<32x128xf32, #tpu.memory_space<hbm>>) target(%dma_start3A_41 : memref<32x128xf32, #tpu.memory_space<vmem>>) target_semaphore(%arg12 : memref<!tpu.dma_semaphore, #tpu.memory_space<semaphore_mem>>)
    } else {
    }
    %scan3A = arith.constant 0 : i32
    %scan3A_15 = arith.constant 0 : i32
    %scan3A_16 = arith.constant 123 : i32
    %scan3A_17 = arith.addi %scan3A_15, %scan3A_16 : i32
    %scan3A_18 = arith.constant 1 : i32
    scf.for %scan3A_31 = %scan3A_15 to %scan3A_17 step %scan3A_18  : i32 {
      %mul3A_32 = arith.constant 2 : i32
      %mul3A_33 = arith.muli %mul3A_32, %scan3A_31 : i32
      %mul3A_34 = arith.constant 32 : i32
      %mul3A_35 = arith.muli %mul3A_33, %mul3A_34 : i32
      %add3A_36 = arith.addi %add3A, %mul3A_35 : i32
      %lt3A_37 = arith.constant 7812 : i32
      %lt3A_38 = arith.cmpi slt, %add3A_36, %lt3A_37 : i32
      %convert_element_type3A_39 = arith.extui %lt3A_38 : i1 to i32
      %cond3A_40 = arith.constant 0 : i32
      %cond3A_41 = arith.cmpi ne, %convert_element_type3A_39, %cond3A_40 : i32
      scf.if %cond3A_41 {
        %dma_wait3A_54 = arith.constant 0 : i32
        %dma_wait3A_55 = arith.constant 0 : i32
        %dma_wait3A_56 = tpu.memref_slice %arg5[%dma_wait3A_54, %dma_wait3A_55] : memref<32x136xf32, #tpu.memory_space<vmem>> -> memref<32x128xf32, #tpu.memory_space<vmem>>
        %dma_wait3A_57 = arith.constant 0 : i32
        %dma_wait3A_58 = arith.constant 0 : i32
        %dma_wait3A_59 = tpu.memref_slice %arg2[%dma_wait3A_57, %dma_wait3A_58] : memref<32x1000000xf32, #tpu.memory_space<hbm>> -> memref<32x128xf32, #tpu.memory_space<hbm>>
        %dma_wait3A_60 = arith.constant 0 : i32
        %dma_wait3A_61 = arith.constant 0 : i32
        %dma_wait3A_62 = tpu.memref_slice %arg5[%dma_wait3A_60, %dma_wait3A_61] : memref<32x136xf32, #tpu.memory_space<vmem>> -> memref<32x128xf32, #tpu.memory_space<vmem>>
        %dma_wait3A_63 = arith.constant 0 : i32
        %dma_wait3A_64 = arith.constant 0 : i32
        %dma_wait3A_65 = tpu.memref_slice %arg2[%dma_wait3A_63, %dma_wait3A_64] : memref<32x1000000xf32, #tpu.memory_space<hbm>> -> memref<32x128xf32, #tpu.memory_space<hbm>>
        tpu.wait_dma2 semaphore(%arg11 : memref<!tpu.dma_semaphore, #tpu.memory_space<semaphore_mem>>) src(%dma_wait3A_65 : memref<32x128xf32, #tpu.memory_space<hbm>>) dst(%dma_wait3A_62 : memref<32x128xf32, #tpu.memory_space<vmem>>)
        %gt3A = arith.constant 0 : i32
        %gt3A_66 = arith.cmpi sgt, %scan3A_31, %gt3A : i32
        %convert_element_type3A_67 = arith.extui %gt3A_66 : i1 to i32
        %cond3A_68 = arith.constant 0 : i32
        %cond3A_69 = arith.cmpi ne, %convert_element_type3A_67, %cond3A_68 : i32
        scf.if %cond3A_69 {
          %dma_wait3A_93 = arith.constant 0 : i32
          %dma_wait3A_94 = tpu.memref_slice %arg4[%dma_wait3A_93] : memref<32000000xf32, #tpu.memory_space<hbm>> -> memref<4096xf32, #tpu.memory_space<hbm>>
          %dma_wait3A_95 = arith.constant 0 : i32
          %dma_wait3A_96 = tpu.memref_slice %arg4[%dma_wait3A_95] : memref<32000000xf32, #tpu.memory_space<hbm>> -> memref<4096xf32, #tpu.memory_space<hbm>>
          tpu.wait_dma2 semaphore(%arg13 : memref<!tpu.dma_semaphore, #tpu.memory_space<semaphore_mem>>) src(%arg7 : memref<4096xf32, #tpu.memory_space<vmem>>) dst(%dma_wait3A_96 : memref<4096xf32, #tpu.memory_space<hbm>>)
        } else {
        }
        %parallel_loop3A = arith.constant 0 : i32
        %parallel_loop3A_70 = arith.constant 256 : i32
        %parallel_loop3A_71 = arith.constant 1 : i32
        scf.for %parallel_loop3A_93 = %parallel_loop3A to %parallel_loop3A_70 step %parallel_loop3A_71  : i32 {
          %parallel_loop3A_94 = arith.constant 3 : i32
          %parallel_loop3A_95 = arith.shrui %parallel_loop3A_93, %parallel_loop3A_94 : i32
          %parallel_loop3A_96 = arith.constant 7 : i32
          %parallel_loop3A_97 = arith.andi %parallel_loop3A_93, %parallel_loop3A_96 : i32
          %parallel_loop3A_98 = arith.constant 16 : i32
          %parallel_loop3A_99 = arith.muli %parallel_loop3A_97, %parallel_loop3A_98 : i32
          %parallel_loop3A_100 = arith.index_cast %parallel_loop3A_95 : i32 to index
          %parallel_loop3A_101 = arith.index_cast %parallel_loop3A_99 : i32 to index
          %parallel_loop3A_102 = tpu.vector_load %arg5[%parallel_loop3A_100, %parallel_loop3A_101] {strides = array<i32>} : memref<32x136xf32, #tpu.memory_space<vmem>>, vector<16xf32>,
          %parallel_loop3A_103 = arith.constant 528 : i32
          %parallel_loop3A_104 = arith.muli %parallel_loop3A_97, %parallel_loop3A_103 : i32
          %parallel_loop3A_105 = arith.addi %parallel_loop3A_104, %parallel_loop3A_95 : i32
          %parallel_loop3A_106 = vector.broadcast %parallel_loop3A_105 : i32 to vector<16xi32>
          %parallel_loop3A_107 = arith.addi %mul3A_3, %parallel_loop3A_106 : vector<16xi32>
          tpu.vector_store_idx %arg9[%parallel_loop3A_107], %parallel_loop3A_102 : memref<4224xf32, #tpu.memory_space<vmem>>[vector<16xi32>], vector<16xf32>,
        } {sc.loop_unroll_factor = 8 : i64, sc.parallel_access}
        %parallel_loop3A_72 = arith.constant 0 : i32
        %parallel_loop3A_73 = arith.constant 256 : i32
        %parallel_loop3A_74 = arith.constant 1 : i32
        scf.for %parallel_loop3A_93 = %parallel_loop3A_72 to %parallel_loop3A_73 step %parallel_loop3A_74  : i32 {
          %parallel_loop3A_94 = arith.constant 1 : i32
          %parallel_loop3A_95 = arith.shrui %parallel_loop3A_93, %parallel_loop3A_94 : i32
          %parallel_loop3A_96 = arith.constant 1 : i32
          %parallel_loop3A_97 = arith.andi %parallel_loop3A_93, %parallel_loop3A_96 : i32
          %parallel_loop3A_98 = arith.constant 16 : i32
          %parallel_loop3A_99 = arith.muli %parallel_loop3A_97, %parallel_loop3A_98 : i32
          %parallel_loop3A_100 = arith.constant 33 : i32
          %parallel_loop3A_101 = arith.muli %parallel_loop3A_95, %parallel_loop3A_100 : i32
          %parallel_loop3A_102 = arith.addi %parallel_loop3A_101, %parallel_loop3A_99 : i32
          %parallel_loop3A_103 = arith.index_cast %parallel_loop3A_102 : i32 to index
          %parallel_loop3A_104 = tpu.vector_load %arg9[%parallel_loop3A_103] {strides = array<i32>} : memref<4224xf32, #tpu.memory_space<vmem>>, vector<16xf32>,
          %parallel_loop3A_105 = arith.constant 32 : i32
          %parallel_loop3A_106 = arith.muli %parallel_loop3A_95, %parallel_loop3A_105 : i32
          %parallel_loop3A_107 = arith.addi %parallel_loop3A_106, %parallel_loop3A_99 : i32
          %parallel_loop3A_108 = arith.index_cast %parallel_loop3A_107 : i32 to index
          %parallel_loop3A_109 = tpu.vector_load %arg7[%parallel_loop3A_108] {strides = array<i32>} : memref<4096xf32, #tpu.memory_space<vmem>>, vector<16xf32>,
          tpu.vector_store %arg7[%parallel_loop3A_108], %parallel_loop3A_104 {strides = array<i32>} : memref<4096xf32, #tpu.memory_space<vmem>>, vector<16xf32>,
        } {sc.loop_unroll_factor = 8 : i64, sc.parallel_access}
        %mul3A_75 = arith.constant 32 : i32
        %mul3A_76 = arith.muli %mul3A_33, %mul3A_75 : i32
        %add3A_77 = arith.addi %add3A, %mul3A_76 : i32
        %mul3A_78 = arith.constant 128 : i32
        %mul3A_79 = arith.muli %add3A_77, %mul3A_78 : i32
        %mul3A_80 = arith.constant 32 : i32
        %mul3A_81 = arith.muli %mul3A_79, %mul3A_80 : i32
        %dma_start3A = tpu.memref_slice %arg4[%mul3A_81] : memref<32000000xf32, #tpu.memory_space<hbm>> -> memref<4096xf32, #tpu.memory_space<hbm>>
        %dma_start3A_82 = tpu.memref_slice %arg4[%mul3A_81] : memref<32000000xf32, #tpu.memory_space<hbm>> -> memref<4096xf32, #tpu.memory_space<hbm>>
        tpu.enqueue_dma source(%arg7 : memref<4096xf32, #tpu.memory_space<vmem>>) target(%dma_start3A_82 : memref<4096xf32, #tpu.memory_space<hbm>>) target_semaphore(%arg13 : memref<!tpu.dma_semaphore, #tpu.memory_space<semaphore_mem>>)
        %add3A_83 = arith.constant 2 : i32
        %add3A_84 = arith.addi %mul3A_33, %add3A_83 : i32
        %mul3A_85 = arith.constant 32 : i32
        %mul3A_86 = arith.muli %add3A_84, %mul3A_85 : i32
        %add3A_87 = arith.addi %add3A, %mul3A_86 : i32
        %lt3A_88 = arith.constant 7812 : i32
        %lt3A_89 = arith.cmpi slt, %add3A_87, %lt3A_88 : i32
        %convert_element_type3A_90 = arith.extui %lt3A_89 : i1 to i32
        %cond3A_91 = arith.constant 0 : i32
        %cond3A_92 = arith.cmpi ne, %convert_element_type3A_90, %cond3A_91 : i32
        scf.if %cond3A_92 {
          %mul3A_93 = arith.constant 32 : i32
          %mul3A_94 = arith.muli %add3A_84, %mul3A_93 : i32
          %add3A_95 = arith.addi %add3A, %mul3A_94 : i32
          %mul3A_96 = arith.constant 128 : i32
          %mul3A_97 = arith.muli %add3A_95, %mul3A_96 : i32
          %dma_start3A_98 = arith.constant 0 : i32
          %dma_start3A_99 = arith.constant 0 : i32
          %dma_start3A_100 = tpu.memref_slice %arg5[%dma_start3A_98, %dma_start3A_99] : memref<32x136xf32, #tpu.memory_space<vmem>> -> memref<32x128xf32, #tpu.memory_space<vmem>>
          %dma_start3A_101 = arith.constant 0 : i32
          %dma_start3A_102 = tpu.memref_slice %arg2[%dma_start3A_101, %mul3A_97] : memref<32x1000000xf32, #tpu.memory_space<hbm>> -> memref<32x128xf32, #tpu.memory_space<hbm>>
          %dma_start3A_103 = arith.constant 0 : i32
          %dma_start3A_104 = arith.constant 0 : i32
          %dma_start3A_105 = tpu.memref_slice %arg5[%dma_start3A_103, %dma_start3A_104] : memref<32x136xf32, #tpu.memory_space<vmem>> -> memref<32x128xf32, #tpu.memory_space<vmem>>
          %dma_start3A_106 = arith.constant 0 : i32
          %dma_start3A_107 = tpu.memref_slice %arg2[%dma_start3A_106, %mul3A_97] : memref<32x1000000xf32, #tpu.memory_space<hbm>> -> memref<32x128xf32, #tpu.memory_space<hbm>>
          tpu.enqueue_dma source(%dma_start3A_107 : memref<32x128xf32, #tpu.memory_space<hbm>>) target(%dma_start3A_105 : memref<32x128xf32, #tpu.memory_space<vmem>>) target_semaphore(%arg11 : memref<!tpu.dma_semaphore, #tpu.memory_space<semaphore_mem>>)
        } else {
        }
      } else {
      }
      %mul3A_42 = arith.constant 2 : i32
      %mul3A_43 = arith.muli %mul3A_42, %scan3A_31 : i32
      %add3A_44 = arith.constant 1 : i32
      %add3A_45 = arith.addi %mul3A_43, %add3A_44 : i32
      %mul3A_46 = arith.constant 32 : i32
      %mul3A_47 = arith.muli %add3A_45, %mul3A_46 : i32
      %add3A_48 = arith.addi %add3A, %mul3A_47 : i32
      %lt3A_49 = arith.constant 7812 : i32
      %lt3A_50 = arith.cmpi slt, %add3A_48, %lt3A_49 : i32
      %convert_element_type3A_51 = arith.extui %lt3A_50 : i1 to i32
      %cond3A_52 = arith.constant 0 : i32
      %cond3A_53 = arith.cmpi ne, %convert_element_type3A_51, %cond3A_52 : i32
      scf.if %cond3A_53 {
        %dma_wait3A_54 = arith.constant 0 : i32
        %dma_wait3A_55 = arith.constant 0 : i32
        %dma_wait3A_56 = tpu.memref_slice %arg6[%dma_wait3A_54, %dma_wait3A_55] : memref<32x136xf32, #tpu.memory_space<vmem>> -> memref<32x128xf32, #tpu.memory_space<vmem>>
        %dma_wait3A_57 = arith.constant 0 : i32
        %dma_wait3A_58 = arith.constant 0 : i32
        %dma_wait3A_59 = tpu.memref_slice %arg2[%dma_wait3A_57, %dma_wait3A_58] : memref<32x1000000xf32, #tpu.memory_space<hbm>> -> memref<32x128xf32, #tpu.memory_space<hbm>>
        %dma_wait3A_60 = arith.constant 0 : i32
        %dma_wait3A_61 = arith.constant 0 : i32
        %dma_wait3A_62 = tpu.memref_slice %arg6[%dma_wait3A_60, %dma_wait3A_61] : memref<32x136xf32, #tpu.memory_space<vmem>> -> memref<32x128xf32, #tpu.memory_space<vmem>>
        %dma_wait3A_63 = arith.constant 0 : i32
        %dma_wait3A_64 = arith.constant 0 : i32
        %dma_wait3A_65 = tpu.memref_slice %arg2[%dma_wait3A_63, %dma_wait3A_64] : memref<32x1000000xf32, #tpu.memory_space<hbm>> -> memref<32x128xf32, #tpu.memory_space<hbm>>
        tpu.wait_dma2 semaphore(%arg12 : memref<!tpu.dma_semaphore, #tpu.memory_space<semaphore_mem>>) src(%dma_wait3A_65 : memref<32x128xf32, #tpu.memory_space<hbm>>) dst(%dma_wait3A_62 : memref<32x128xf32, #tpu.memory_space<vmem>>)
        %gt3A = arith.constant 0 : i32
        %gt3A_66 = arith.cmpi sgt, %scan3A_31, %gt3A : i32
        %convert_element_type3A_67 = arith.extui %gt3A_66 : i1 to i32
        %cond3A_68 = arith.constant 0 : i32
        %cond3A_69 = arith.cmpi ne, %convert_element_type3A_67, %cond3A_68 : i32
        scf.if %cond3A_69 {
          %dma_wait3A_93 = arith.constant 0 : i32
          %dma_wait3A_94 = tpu.memref_slice %arg4[%dma_wait3A_93] : memref<32000000xf32, #tpu.memory_space<hbm>> -> memref<4096xf32, #tpu.memory_space<hbm>>
          %dma_wait3A_95 = arith.constant 0 : i32
          %dma_wait3A_96 = tpu.memref_slice %arg4[%dma_wait3A_95] : memref<32000000xf32, #tpu.memory_space<hbm>> -> memref<4096xf32, #tpu.memory_space<hbm>>
          tpu.wait_dma2 semaphore(%arg14 : memref<!tpu.dma_semaphore, #tpu.memory_space<semaphore_mem>>) src(%arg8 : memref<4096xf32, #tpu.memory_space<vmem>>) dst(%dma_wait3A_96 : memref<4096xf32, #tpu.memory_space<hbm>>)
        } else {
        }
        %parallel_loop3A = arith.constant 0 : i32
        %parallel_loop3A_70 = arith.constant 256 : i32
        %parallel_loop3A_71 = arith.constant 1 : i32
        scf.for %parallel_loop3A_93 = %parallel_loop3A to %parallel_loop3A_70 step %parallel_loop3A_71  : i32 {
          %parallel_loop3A_94 = arith.constant 3 : i32
          %parallel_loop3A_95 = arith.shrui %parallel_loop3A_93, %parallel_loop3A_94 : i32
          %parallel_loop3A_96 = arith.constant 7 : i32
          %parallel_loop3A_97 = arith.andi %parallel_loop3A_93, %parallel_loop3A_96 : i32
          %parallel_loop3A_98 = arith.constant 16 : i32
          %parallel_loop3A_99 = arith.muli %parallel_loop3A_97, %parallel_loop3A_98 : i32
          %parallel_loop3A_100 = arith.index_cast %parallel_loop3A_95 : i32 to index
          %parallel_loop3A_101 = arith.index_cast %parallel_loop3A_99 : i32 to index
          %parallel_loop3A_102 = tpu.vector_load %arg6[%parallel_loop3A_100, %parallel_loop3A_101] {strides = array<i32>} : memref<32x136xf32, #tpu.memory_space<vmem>>, vector<16xf32>,
          %parallel_loop3A_103 = arith.constant 528 : i32
          %parallel_loop3A_104 = arith.muli %parallel_loop3A_97, %parallel_loop3A_103 : i32
          %parallel_loop3A_105 = arith.addi %parallel_loop3A_104, %parallel_loop3A_95 : i32
          %parallel_loop3A_106 = vector.broadcast %parallel_loop3A_105 : i32 to vector<16xi32>
          %parallel_loop3A_107 = arith.addi %mul3A_3, %parallel_loop3A_106 : vector<16xi32>
          tpu.vector_store_idx %arg10[%parallel_loop3A_107], %parallel_loop3A_102 : memref<4224xf32, #tpu.memory_space<vmem>>[vector<16xi32>], vector<16xf32>,
        } {sc.loop_unroll_factor = 8 : i64, sc.parallel_access}
        %parallel_loop3A_72 = arith.constant 0 : i32
        %parallel_loop3A_73 = arith.constant 256 : i32
        %parallel_loop3A_74 = arith.constant 1 : i32
        scf.for %parallel_loop3A_93 = %parallel_loop3A_72 to %parallel_loop3A_73 step %parallel_loop3A_74  : i32 {
          %parallel_loop3A_94 = arith.constant 1 : i32
          %parallel_loop3A_95 = arith.shrui %parallel_loop3A_93, %parallel_loop3A_94 : i32
          %parallel_loop3A_96 = arith.constant 1 : i32
          %parallel_loop3A_97 = arith.andi %parallel_loop3A_93, %parallel_loop3A_96 : i32
          %parallel_loop3A_98 = arith.constant 16 : i32
          %parallel_loop3A_99 = arith.muli %parallel_loop3A_97, %parallel_loop3A_98 : i32
          %parallel_loop3A_100 = arith.constant 33 : i32
          %parallel_loop3A_101 = arith.muli %parallel_loop3A_95, %parallel_loop3A_100 : i32
          %parallel_loop3A_102 = arith.addi %parallel_loop3A_101, %parallel_loop3A_99 : i32
          %parallel_loop3A_103 = arith.index_cast %parallel_loop3A_102 : i32 to index
          %parallel_loop3A_104 = tpu.vector_load %arg10[%parallel_loop3A_103] {strides = array<i32>} : memref<4224xf32, #tpu.memory_space<vmem>>, vector<16xf32>,
          %parallel_loop3A_105 = arith.constant 32 : i32
          %parallel_loop3A_106 = arith.muli %parallel_loop3A_95, %parallel_loop3A_105 : i32
          %parallel_loop3A_107 = arith.addi %parallel_loop3A_106, %parallel_loop3A_99 : i32
          %parallel_loop3A_108 = arith.index_cast %parallel_loop3A_107 : i32 to index
          %parallel_loop3A_109 = tpu.vector_load %arg8[%parallel_loop3A_108] {strides = array<i32>} : memref<4096xf32, #tpu.memory_space<vmem>>, vector<16xf32>,
          tpu.vector_store %arg8[%parallel_loop3A_108], %parallel_loop3A_104 {strides = array<i32>} : memref<4096xf32, #tpu.memory_space<vmem>>, vector<16xf32>,
        } {sc.loop_unroll_factor = 8 : i64, sc.parallel_access}
        %mul3A_75 = arith.constant 32 : i32
        %mul3A_76 = arith.muli %add3A_45, %mul3A_75 : i32
        %add3A_77 = arith.addi %add3A, %mul3A_76 : i32
        %mul3A_78 = arith.constant 128 : i32
        %mul3A_79 = arith.muli %add3A_77, %mul3A_78 : i32
        %mul3A_80 = arith.constant 32 : i32
        %mul3A_81 = arith.muli %mul3A_79, %mul3A_80 : i32
        %dma_start3A = tpu.memref_slice %arg4[%mul3A_81] : memref<32000000xf32, #tpu.memory_space<hbm>> -> memref<4096xf32, #tpu.memory_space<hbm>>
        %dma_start3A_82 = tpu.memref_slice %arg4[%mul3A_81] : memref<32000000xf32, #tpu.memory_space<hbm>> -> memref<4096xf32, #tpu.memory_space<hbm>>
        tpu.enqueue_dma source(%arg8 : memref<4096xf32, #tpu.memory_space<vmem>>) target(%dma_start3A_82 : memref<4096xf32, #tpu.memory_space<hbm>>) target_semaphore(%arg14 : memref<!tpu.dma_semaphore, #tpu.memory_space<semaphore_mem>>)
        %add3A_83 = arith.constant 2 : i32
        %add3A_84 = arith.addi %add3A_45, %add3A_83 : i32
        %mul3A_85 = arith.constant 32 : i32
        %mul3A_86 = arith.muli %add3A_84, %mul3A_85 : i32
        %add3A_87 = arith.addi %add3A, %mul3A_86 : i32
        %lt3A_88 = arith.constant 7812 : i32
        %lt3A_89 = arith.cmpi slt, %add3A_87, %lt3A_88 : i32
        %convert_element_type3A_90 = arith.extui %lt3A_89 : i1 to i32
        %cond3A_91 = arith.constant 0 : i32
        %cond3A_92 = arith.cmpi ne, %convert_element_type3A_90, %cond3A_91 : i32
        scf.if %cond3A_92 {
          %mul3A_93 = arith.constant 32 : i32
          %mul3A_94 = arith.muli %add3A_84, %mul3A_93 : i32
          %add3A_95 = arith.addi %add3A, %mul3A_94 : i32
          %mul3A_96 = arith.constant 128 : i32
          %mul3A_97 = arith.muli %add3A_95, %mul3A_96 : i32
          %dma_start3A_98 = arith.constant 0 : i32
          %dma_start3A_99 = arith.constant 0 : i32
          %dma_start3A_100 = tpu.memref_slice %arg6[%dma_start3A_98, %dma_start3A_99] : memref<32x136xf32, #tpu.memory_space<vmem>> -> memref<32x128xf32, #tpu.memory_space<vmem>>
          %dma_start3A_101 = arith.constant 0 : i32
          %dma_start3A_102 = tpu.memref_slice %arg2[%dma_start3A_101, %mul3A_97] : memref<32x1000000xf32, #tpu.memory_space<hbm>> -> memref<32x128xf32, #tpu.memory_space<hbm>>
          %dma_start3A_103 = arith.constant 0 : i32
          %dma_start3A_104 = arith.constant 0 : i32
          %dma_start3A_105 = tpu.memref_slice %arg6[%dma_start3A_103, %dma_start3A_104] : memref<32x136xf32, #tpu.memory_space<vmem>> -> memref<32x128xf32, #tpu.memory_space<vmem>>
          %dma_start3A_106 = arith.constant 0 : i32
          %dma_start3A_107 = tpu.memref_slice %arg2[%dma_start3A_106, %mul3A_97] : memref<32x1000000xf32, #tpu.memory_space<hbm>> -> memref<32x128xf32, #tpu.memory_space<hbm>>
          tpu.enqueue_dma source(%dma_start3A_107 : memref<32x128xf32, #tpu.memory_space<hbm>>) target(%dma_start3A_105 : memref<32x128xf32, #tpu.memory_space<vmem>>) target_semaphore(%arg12 : memref<!tpu.dma_semaphore, #tpu.memory_space<semaphore_mem>>)
        } else {
        }
      } else {
      }
    }
    %scan3A_19 = arith.constant 123 : i32
    %dma_wait3A = arith.constant 0 : i32
    %dma_wait3A_20 = tpu.memref_slice %arg4[%dma_wait3A] : memref<32000000xf32, #tpu.memory_space<hbm>> -> memref<4096xf32, #tpu.memory_space<hbm>>
    %dma_wait3A_21 = arith.constant 0 : i32
    %dma_wait3A_22 = tpu.memref_slice %arg4[%dma_wait3A_21] : memref<32000000xf32, #tpu.memory_space<hbm>> -> memref<4096xf32, #tpu.memory_space<hbm>>
    tpu.wait_dma2 semaphore(%arg13 : memref<!tpu.dma_semaphore, #tpu.memory_space<semaphore_mem>>) src(%arg7 : memref<4096xf32, #tpu.memory_space<vmem>>) dst(%dma_wait3A_22 : memref<4096xf32, #tpu.memory_space<hbm>>)
    %dma_wait3A_23 = arith.constant 0 : i32
    %dma_wait3A_24 = tpu.memref_slice %arg4[%dma_wait3A_23] : memref<32000000xf32, #tpu.memory_space<hbm>> -> memref<4096xf32, #tpu.memory_space<hbm>>
    %dma_wait3A_25 = arith.constant 0 : i32
    %dma_wait3A_26 = tpu.memref_slice %arg4[%dma_wait3A_25] : memref<32000000xf32, #tpu.memory_space<hbm>> -> memref<4096xf32, #tpu.memory_space<hbm>>
    tpu.wait_dma2 semaphore(%arg14 : memref<!tpu.dma_semaphore, #tpu.memory_space<semaphore_mem>>) src(%arg8 : memref<4096xf32, #tpu.memory_space<vmem>>) dst(%dma_wait3A_26 : memref<4096xf32, #tpu.memory_space<hbm>>)
    %eq3A = arith.constant 0 : i32
    %eq3A_27 = arith.cmpi eq, %add3A, %eq3A : i32
    %convert_element_type3A_28 = arith.extui %eq3A_27 : i1 to i32
    %cond3A_29 = arith.constant 0 : i32
    %cond3A_30 = arith.cmpi ne, %convert_element_type3A_28, %cond3A_29 : i32
    scf.if %cond3A_30 {
      "tpu.region"() ({
        %run_scoped3A = tpu.sem_alloc : memref<!tpu.dma_semaphore, #tpu.memory_space<semaphore_mem>>
        %dma_start3A = arith.constant 0 : i32
        %dma_start3A_31 = tpu.memref_slice %arg7[%dma_start3A] : memref<4096xf32, #tpu.memory_space<vmem>> -> memref<2048xf32, #tpu.memory_space<vmem>>
        %dma_start3A_32 = arith.constant 0 : i32
        %dma_start3A_33 = tpu.memref_slice %arg7[%dma_start3A_32] : memref<4096xf32, #tpu.memory_space<vmem>> -> memref<2048xf32, #tpu.memory_space<vmem>>
        tpu.enqueue_dma source(%arg3 : memref<2048xf32, #tpu.memory_space<hbm>>) target(%dma_start3A_33 : memref<2048xf32, #tpu.memory_space<vmem>>) target_semaphore(%run_scoped3A : memref<!tpu.dma_semaphore, #tpu.memory_space<semaphore_mem>>)
        %dma_wait3A_34 = arith.constant 0 : i32
        %dma_wait3A_35 = tpu.memref_slice %arg7[%dma_wait3A_34] : memref<4096xf32, #tpu.memory_space<vmem>> -> memref<2048xf32, #tpu.memory_space<vmem>>
        %dma_wait3A_36 = arith.constant 0 : i32
        %dma_wait3A_37 = tpu.memref_slice %arg7[%dma_wait3A_36] : memref<4096xf32, #tpu.memory_space<vmem>> -> memref<2048xf32, #tpu.memory_space<vmem>>
        tpu.wait_dma2 semaphore(%run_scoped3A : memref<!tpu.dma_semaphore, #tpu.memory_space<semaphore_mem>>) src(%arg3 : memref<2048xf32, #tpu.memory_space<hbm>>) dst(%dma_wait3A_37 : memref<2048xf32, #tpu.memory_space<vmem>>)
        tpu.yield
      }) : () -> ()
      "tpu.region"() ({
        %run_scoped3A = tpu.sem_alloc : memref<!tpu.dma_semaphore, #tpu.memory_space<semaphore_mem>>
        %dma_start3A = arith.constant 0 : i32
        %dma_start3A_31 = tpu.memref_slice %arg7[%dma_start3A] : memref<4096xf32, #tpu.memory_space<vmem>> -> memref<2048xf32, #tpu.memory_space<vmem>>
        %dma_start3A_32 = arith.constant 31997952 : i32
        %dma_start3A_33 = tpu.memref_slice %arg4[%dma_start3A_32] : memref<32000000xf32, #tpu.memory_space<hbm>> -> memref<2048xf32, #tpu.memory_space<hbm>>
        %dma_start3A_34 = arith.constant 31997952 : i32
        %dma_start3A_35 = tpu.memref_slice %arg4[%dma_start3A_34] : memref<32000000xf32, #tpu.memory_space<hbm>> -> memref<2048xf32, #tpu.memory_space<hbm>>
        %dma_start3A_36 = arith.constant 0 : i32
        %dma_start3A_37 = tpu.memref_slice %arg7[%dma_start3A_36] : memref<4096xf32, #tpu.memory_space<vmem>> -> memref<2048xf32, #tpu.memory_space<vmem>>
        tpu.enqueue_dma source(%dma_start3A_37 : memref<2048xf32, #tpu.memory_space<vmem>>) target(%dma_start3A_35 : memref<2048xf32, #tpu.memory_space<hbm>>) target_semaphore(%run_scoped3A : memref<!tpu.dma_semaphore, #tpu.memory_space<semaphore_mem>>)
        %dma_wait3A_38 = arith.constant 0 : i32
        %dma_wait3A_39 = tpu.memref_slice %arg7[%dma_wait3A_38] : memref<4096xf32, #tpu.memory_space<vmem>> -> memref<2048xf32, #tpu.memory_space<vmem>>
        %dma_wait3A_40 = arith.constant 31997952 : i32
        %dma_wait3A_41 = tpu.memref_slice %arg4[%dma_wait3A_40] : memref<32000000xf32, #tpu.memory_space<hbm>> -> memref<2048xf32, #tpu.memory_space<hbm>>
        %dma_wait3A_42 = arith.constant 31997952 : i32
        %dma_wait3A_43 = tpu.memref_slice %arg4[%dma_wait3A_42] : memref<32000000xf32, #tpu.memory_space<hbm>> -> memref<2048xf32, #tpu.memory_space<hbm>>
        %dma_wait3A_44 = arith.constant 0 : i32
        %dma_wait3A_45 = tpu.memref_slice %arg7[%dma_wait3A_44] : memref<4096xf32, #tpu.memory_space<vmem>> -> memref<2048xf32, #tpu.memory_space<vmem>>
        tpu.wait_dma2 semaphore(%run_scoped3A : memref<!tpu.dma_semaphore, #tpu.memory_space<semaphore_mem>>) src(%dma_wait3A_45 : memref<2048xf32, #tpu.memory_space<vmem>>) dst(%dma_wait3A_43 : memref<2048xf32, #tpu.memory_space<hbm>>)
        tpu.yield
      }) : () -> ()
    } else {
    }
    return
  }
}

#map = affine_map<(d0, d1) -> (0, 0, 0)>
#map1 = affine_map<(d0, d1) -> (0, 0)>
#map2 = affine_map<(d0, d1) -> (0, 0, 0, 0, 0)>
module attributes {stable_mosaic.version = 14 : i64} {
  func.func @gather_kernel(%arg0: i32, %arg1: i32, %arg2: memref<50x128x128xi32, #tpu.memory_space<hbm>>, %arg3: memref<1000000x32xf32, #tpu.memory_space<hbm>>, %arg4: memref<50x4x128x8x128xf32, #tpu.memory_space<hbm>>, %arg5: memref<50x4x128xi32, #tpu.memory_space<vmem>>, %arg6: memref<2x512x32xf32, #tpu.memory_space<vmem>>, %arg7: memref<2x4x4x8x131xf32, #tpu.memory_space<vmem>>, %arg8: memref<!tpu.dma_semaphore, #tpu.memory_space<semaphore_mem>>, %arg9: memref<!tpu.dma_semaphore, #tpu.memory_space<semaphore_mem>>, %arg10: memref<!tpu.dma_semaphore, #tpu.memory_space<semaphore_mem>>, %arg11: memref<!tpu.dma_semaphore, #tpu.memory_space<semaphore_mem>>) attributes {dimension_semantics = [#tpu.dimension_semantics<core_parallel>, #tpu.dimension_semantics<subcore_parallel>], iteration_bounds = array<i64: 2, 16>, scalar_prefetch = 0 : i64, scratch_operands = 7 : i64, tpu.core_type = #tpu.core_type<sc_vector_subcore>, window_params = [{transform_indices = #map}, {transform_indices = #map1}, {transform_indices = #map2}]} {
    %mul3A = arith.constant 2 : i32
    %mul3A_0 = arith.muli %arg1, %mul3A : i32
    %add3A = arith.addi %mul3A_0, %arg0 : i32
    %mul3A_1 = arith.constant 4 : i32
    %mul3A_2 = arith.muli %add3A, %mul3A_1 : i32
    "tpu.region"() ({
      %run_scoped3A = tpu.sem_alloc : memref<!tpu.dma_semaphore, #tpu.memory_space<semaphore_mem>>
      %dma_start3A_172 = arith.constant 0 : i32
      %dma_start3A_173 = arith.constant 0 : i32
      %dma_start3A_174 = tpu.memref_slice %arg2[%dma_start3A_172, %mul3A_2, %dma_start3A_173] : memref<50x128x128xi32, #tpu.memory_space<hbm>> -> memref<50x4x128xi32, #tpu.memory_space<hbm>>
      %dma_start3A_175 = arith.constant 0 : i32
      %dma_start3A_176 = arith.constant 0 : i32
      %dma_start3A_177 = tpu.memref_slice %arg2[%dma_start3A_175, %mul3A_2, %dma_start3A_176] : memref<50x128x128xi32, #tpu.memory_space<hbm>> -> memref<50x4x128xi32, #tpu.memory_space<hbm>>
      tpu.enqueue_dma source(%dma_start3A_177 : memref<50x4x128xi32, #tpu.memory_space<hbm>>) target(%arg5 : memref<50x4x128xi32, #tpu.memory_space<vmem>>) target_semaphore(%run_scoped3A : memref<!tpu.dma_semaphore, #tpu.memory_space<semaphore_mem>>)
      %dma_wait3A_178 = arith.constant 0 : i32
      %dma_wait3A_179 = arith.constant 0 : i32
      %dma_wait3A_180 = tpu.memref_slice %arg2[%dma_wait3A_178, %mul3A_2, %dma_wait3A_179] : memref<50x128x128xi32, #tpu.memory_space<hbm>> -> memref<50x4x128xi32, #tpu.memory_space<hbm>>
      %dma_wait3A_181 = arith.constant 0 : i32
      %dma_wait3A_182 = arith.constant 0 : i32
      %dma_wait3A_183 = tpu.memref_slice %arg2[%dma_wait3A_181, %mul3A_2, %dma_wait3A_182] : memref<50x128x128xi32, #tpu.memory_space<hbm>> -> memref<50x4x128xi32, #tpu.memory_space<hbm>>
      tpu.wait_dma2 semaphore(%run_scoped3A : memref<!tpu.dma_semaphore, #tpu.memory_space<semaphore_mem>>) src(%dma_wait3A_183 : memref<50x4x128xi32, #tpu.memory_space<hbm>>) dst(%arg5 : memref<50x4x128xi32, #tpu.memory_space<vmem>>)
      tpu.yield
    }) : () -> ()
    %iota3A = tpu.iota {dimensions = array<i32: 0>} : vector<16xi32>
    %mul3A_3 = arith.constant 33 : i32
    %mul3A_4 = vector.broadcast %mul3A_3 : i32 to vector<16xi32>
    %mul3A_5 = arith.muli %iota3A, %mul3A_4 : vector<16xi32>
    %shift_right_logical3A = arith.constant 3 : i32
    %shift_right_logical3A_6 = vector.broadcast %shift_right_logical3A : i32 to vector<16xi32>
    %shift_right_logical3A_7 = arith.shrui %iota3A, %shift_right_logical3A_6 : vector<16xi32>
    %add3A_8 = arith.constant 2 : i32
    %add3A_9 = vector.broadcast %add3A_8 : i32 to vector<16xi32>
    %add3A_10 = arith.addi %shift_right_logical3A_7, %add3A_9 : vector<16xi32>
    %and3A = arith.constant 7 : i32
    %and3A_11 = vector.broadcast %and3A : i32 to vector<16xi32>
    %and3A_12 = arith.andi %iota3A, %and3A_11 : vector<16xi32>
    %dma_start3A = arith.constant 0 : i32
    %dma_start3A_13 = arith.constant 0 : i32
    %dma_start3A_14 = arith.constant 0 : i32
    %dma_start3A_15 = arith.constant 0 : i32
    %dma_start3A_16 = arith.constant 0 : i32
    %dma_start3A_17 = tpu.memref_slice %arg6[%dma_start3A_14, %dma_start3A_15, %dma_start3A_16] : memref<2x512x32xf32, #tpu.memory_space<vmem>> -> memref<1x128x32xf32, #tpu.memory_space<vmem>>
    %dma_start3A_18 = tpu.memref_squeeze %dma_start3A_17 : memref<1x128x32xf32, #tpu.memory_space<vmem>> -> memref<128x32xf32, #tpu.memory_space<vmem>>
    %dma_start3A_19 = arith.constant 0 : i32
    %dma_start3A_20 = tpu.memref_slice %arg5[%dma_start3A, %dma_start3A_13, %dma_start3A_19] : memref<50x4x128xi32, #tpu.memory_space<vmem>> -> memref<1x1x128xi32, #tpu.memory_space<vmem>>
    %dma_start3A_21 = tpu.memref_squeeze %dma_start3A_20 : memref<1x1x128xi32, #tpu.memory_space<vmem>> -> memref<128xi32, #tpu.memory_space<vmem>>
    %dma_start3A_22 = arith.constant 0 : i32
    %dma_start3A_23 = arith.constant 0 : i32
    %dma_start3A_24 = tpu.memref_slice %arg3[%dma_start3A_22, %dma_start3A_23] : memref<1000000x32xf32, #tpu.memory_space<hbm>> -> memref<1000000x32xf32, #tpu.memory_space<hbm>>
    tpu.enqueue_indirect_dma source(%dma_start3A_24 : memref<1000000x32xf32, #tpu.memory_space<hbm>>) target(%dma_start3A_18 : memref<128x32xf32, #tpu.memory_space<vmem>>) offsets(%dma_start3A_21 : memref<128xi32, #tpu.memory_space<vmem>>) semaphore(%arg8 : memref<!tpu.dma_semaphore, #tpu.memory_space<semaphore_mem>>)
    %dma_start3A_25 = arith.constant 0 : i32
    %dma_start3A_26 = arith.constant 1 : i32
    %dma_start3A_27 = arith.constant 0 : i32
    %dma_start3A_28 = arith.constant 128 : i32
    %dma_start3A_29 = arith.constant 0 : i32
    %dma_start3A_30 = tpu.memref_slice %arg6[%dma_start3A_27, %dma_start3A_28, %dma_start3A_29] : memref<2x512x32xf32, #tpu.memory_space<vmem>> -> memref<1x128x32xf32, #tpu.memory_space<vmem>>
    %dma_start3A_31 = tpu.memref_squeeze %dma_start3A_30 : memref<1x128x32xf32, #tpu.memory_space<vmem>> -> memref<128x32xf32, #tpu.memory_space<vmem>>
    %dma_start3A_32 = arith.constant 0 : i32
    %dma_start3A_33 = tpu.memref_slice %arg5[%dma_start3A_25, %dma_start3A_26, %dma_start3A_32] : memref<50x4x128xi32, #tpu.memory_space<vmem>> -> memref<1x1x128xi32, #tpu.memory_space<vmem>>
    %dma_start3A_34 = tpu.memref_squeeze %dma_start3A_33 : memref<1x1x128xi32, #tpu.memory_space<vmem>> -> memref<128xi32, #tpu.memory_space<vmem>>
    %dma_start3A_35 = arith.constant 0 : i32
    %dma_start3A_36 = arith.constant 0 : i32
    %dma_start3A_37 = tpu.memref_slice %arg3[%dma_start3A_35, %dma_start3A_36] : memref<1000000x32xf32, #tpu.memory_space<hbm>> -> memref<1000000x32xf32, #tpu.memory_space<hbm>>
    tpu.enqueue_indirect_dma source(%dma_start3A_37 : memref<1000000x32xf32, #tpu.memory_space<hbm>>) target(%dma_start3A_31 : memref<128x32xf32, #tpu.memory_space<vmem>>) offsets(%dma_start3A_34 : memref<128xi32, #tpu.memory_space<vmem>>) semaphore(%arg8 : memref<!tpu.dma_semaphore, #tpu.memory_space<semaphore_mem>>)
    %dma_start3A_38 = arith.constant 0 : i32
    %dma_start3A_39 = arith.constant 2 : i32
    %dma_start3A_40 = arith.constant 0 : i32
    %dma_start3A_41 = arith.constant 256 : i32
    %dma_start3A_42 = arith.constant 0 : i32
    %dma_start3A_43 = tpu.memref_slice %arg6[%dma_start3A_40, %dma_start3A_41, %dma_start3A_42] : memref<2x512x32xf32, #tpu.memory_space<vmem>> -> memref<1x128x32xf32, #tpu.memory_space<vmem>>
    %dma_start3A_44 = tpu.memref_squeeze %dma_start3A_43 : memref<1x128x32xf32, #tpu.memory_space<vmem>> -> memref<128x32xf32, #tpu.memory_space<vmem>>
    %dma_start3A_45 = arith.constant 0 : i32
    %dma_start3A_46 = tpu.memref_slice %arg5[%dma_start3A_38, %dma_start3A_39, %dma_start3A_45] : memref<50x4x128xi32, #tpu.memory_space<vmem>> -> memref<1x1x128xi32, #tpu.memory_space<vmem>>
    %dma_start3A_47 = tpu.memref_squeeze %dma_start3A_46 : memref<1x1x128xi32, #tpu.memory_space<vmem>> -> memref<128xi32, #tpu.memory_space<vmem>>
    %dma_start3A_48 = arith.constant 0 : i32
    %dma_start3A_49 = arith.constant 0 : i32
    %dma_start3A_50 = tpu.memref_slice %arg3[%dma_start3A_48, %dma_start3A_49] : memref<1000000x32xf32, #tpu.memory_space<hbm>> -> memref<1000000x32xf32, #tpu.memory_space<hbm>>
    tpu.enqueue_indirect_dma source(%dma_start3A_50 : memref<1000000x32xf32, #tpu.memory_space<hbm>>) target(%dma_start3A_44 : memref<128x32xf32, #tpu.memory_space<vmem>>) offsets(%dma_start3A_47 : memref<128xi32, #tpu.memory_space<vmem>>) semaphore(%arg8 : memref<!tpu.dma_semaphore, #tpu.memory_space<semaphore_mem>>)
    %dma_start3A_51 = arith.constant 0 : i32
    %dma_start3A_52 = arith.constant 3 : i32
    %dma_start3A_53 = arith.constant 0 : i32
    %dma_start3A_54 = arith.constant 384 : i32
    %dma_start3A_55 = arith.constant 0 : i32
    %dma_start3A_56 = tpu.memref_slice %arg6[%dma_start3A_53, %dma_start3A_54, %dma_start3A_55] : memref<2x512x32xf32, #tpu.memory_space<vmem>> -> memref<1x128x32xf32, #tpu.memory_space<vmem>>
    %dma_start3A_57 = tpu.memref_squeeze %dma_start3A_56 : memref<1x128x32xf32, #tpu.memory_space<vmem>> -> memref<128x32xf32, #tpu.memory_space<vmem>>
    %dma_start3A_58 = arith.constant 0 : i32
    %dma_start3A_59 = tpu.memref_slice %arg5[%dma_start3A_51, %dma_start3A_52, %dma_start3A_58] : memref<50x4x128xi32, #tpu.memory_space<vmem>> -> memref<1x1x128xi32, #tpu.memory_space<vmem>>
    %dma_start3A_60 = tpu.memref_squeeze %dma_start3A_59 : memref<1x1x128xi32, #tpu.memory_space<vmem>> -> memref<128xi32, #tpu.memory_space<vmem>>
    %dma_start3A_61 = arith.constant 0 : i32
    %dma_start3A_62 = arith.constant 0 : i32
    %dma_start3A_63 = tpu.memref_slice %arg3[%dma_start3A_61, %dma_start3A_62] : memref<1000000x32xf32, #tpu.memory_space<hbm>> -> memref<1000000x32xf32, #tpu.memory_space<hbm>>
    tpu.enqueue_indirect_dma source(%dma_start3A_63 : memref<1000000x32xf32, #tpu.memory_space<hbm>>) target(%dma_start3A_57 : memref<128x32xf32, #tpu.memory_space<vmem>>) offsets(%dma_start3A_60 : memref<128xi32, #tpu.memory_space<vmem>>) semaphore(%arg8 : memref<!tpu.dma_semaphore, #tpu.memory_space<semaphore_mem>>)
    %dma_start3A_64 = arith.constant 1 : i32
    %dma_start3A_65 = arith.constant 0 : i32
    %dma_start3A_66 = arith.constant 1 : i32
    %dma_start3A_67 = arith.constant 0 : i32
    %dma_start3A_68 = arith.constant 0 : i32
    %dma_start3A_69 = tpu.memref_slice %arg6[%dma_start3A_66, %dma_start3A_67, %dma_start3A_68] : memref<2x512x32xf32, #tpu.memory_space<vmem>> -> memref<1x128x32xf32, #tpu.memory_space<vmem>>
    %dma_start3A_70 = tpu.memref_squeeze %dma_start3A_69 : memref<1x128x32xf32, #tpu.memory_space<vmem>> -> memref<128x32xf32, #tpu.memory_space<vmem>>
    %dma_start3A_71 = arith.constant 0 : i32
    %dma_start3A_72 = tpu.memref_slice %arg5[%dma_start3A_64, %dma_start3A_65, %dma_start3A_71] : memref<50x4x128xi32, #tpu.memory_space<vmem>> -> memref<1x1x128xi32, #tpu.memory_space<vmem>>
    %dma_start3A_73 = tpu.memref_squeeze %dma_start3A_72 : memref<1x1x128xi32, #tpu.memory_space<vmem>> -> memref<128xi32, #tpu.memory_space<vmem>>
    %dma_start3A_74 = arith.constant 0 : i32
    %dma_start3A_75 = arith.constant 0 : i32
    %dma_start3A_76 = tpu.memref_slice %arg3[%dma_start3A_74, %dma_start3A_75] : memref<1000000x32xf32, #tpu.memory_space<hbm>> -> memref<1000000x32xf32, #tpu.memory_space<hbm>>
    tpu.enqueue_indirect_dma source(%dma_start3A_76 : memref<1000000x32xf32, #tpu.memory_space<hbm>>) target(%dma_start3A_70 : memref<128x32xf32, #tpu.memory_space<vmem>>) offsets(%dma_start3A_73 : memref<128xi32, #tpu.memory_space<vmem>>) semaphore(%arg9 : memref<!tpu.dma_semaphore, #tpu.memory_space<semaphore_mem>>)
    %dma_start3A_77 = arith.constant 1 : i32
    %dma_start3A_78 = arith.constant 1 : i32
    %dma_start3A_79 = arith.constant 1 : i32
    %dma_start3A_80 = arith.constant 128 : i32
    %dma_start3A_81 = arith.constant 0 : i32
    %dma_start3A_82 = tpu.memref_slice %arg6[%dma_start3A_79, %dma_start3A_80, %dma_start3A_81] : memref<2x512x32xf32, #tpu.memory_space<vmem>> -> memref<1x128x32xf32, #tpu.memory_space<vmem>>
    %dma_start3A_83 = tpu.memref_squeeze %dma_start3A_82 : memref<1x128x32xf32, #tpu.memory_space<vmem>> -> memref<128x32xf32, #tpu.memory_space<vmem>>
    %dma_start3A_84 = arith.constant 0 : i32
    %dma_start3A_85 = tpu.memref_slice %arg5[%dma_start3A_77, %dma_start3A_78, %dma_start3A_84] : memref<50x4x128xi32, #tpu.memory_space<vmem>> -> memref<1x1x128xi32, #tpu.memory_space<vmem>>
    %dma_start3A_86 = tpu.memref_squeeze %dma_start3A_85 : memref<1x1x128xi32, #tpu.memory_space<vmem>> -> memref<128xi32, #tpu.memory_space<vmem>>
    %dma_start3A_87 = arith.constant 0 : i32
    %dma_start3A_88 = arith.constant 0 : i32
    %dma_start3A_89 = tpu.memref_slice %arg3[%dma_start3A_87, %dma_start3A_88] : memref<1000000x32xf32, #tpu.memory_space<hbm>> -> memref<1000000x32xf32, #tpu.memory_space<hbm>>
    tpu.enqueue_indirect_dma source(%dma_start3A_89 : memref<1000000x32xf32, #tpu.memory_space<hbm>>) target(%dma_start3A_83 : memref<128x32xf32, #tpu.memory_space<vmem>>) offsets(%dma_start3A_86 : memref<128xi32, #tpu.memory_space<vmem>>) semaphore(%arg9 : memref<!tpu.dma_semaphore, #tpu.memory_space<semaphore_mem>>)
    %dma_start3A_90 = arith.constant 1 : i32
    %dma_start3A_91 = arith.constant 2 : i32
    %dma_start3A_92 = arith.constant 1 : i32
    %dma_start3A_93 = arith.constant 256 : i32
    %dma_start3A_94 = arith.constant 0 : i32
    %dma_start3A_95 = tpu.memref_slice %arg6[%dma_start3A_92, %dma_start3A_93, %dma_start3A_94] : memref<2x512x32xf32, #tpu.memory_space<vmem>> -> memref<1x128x32xf32, #tpu.memory_space<vmem>>
    %dma_start3A_96 = tpu.memref_squeeze %dma_start3A_95 : memref<1x128x32xf32, #tpu.memory_space<vmem>> -> memref<128x32xf32, #tpu.memory_space<vmem>>
    %dma_start3A_97 = arith.constant 0 : i32
    %dma_start3A_98 = tpu.memref_slice %arg5[%dma_start3A_90, %dma_start3A_91, %dma_start3A_97] : memref<50x4x128xi32, #tpu.memory_space<vmem>> -> memref<1x1x128xi32, #tpu.memory_space<vmem>>
    %dma_start3A_99 = tpu.memref_squeeze %dma_start3A_98 : memref<1x1x128xi32, #tpu.memory_space<vmem>> -> memref<128xi32, #tpu.memory_space<vmem>>
    %dma_start3A_100 = arith.constant 0 : i32
    %dma_start3A_101 = arith.constant 0 : i32
    %dma_start3A_102 = tpu.memref_slice %arg3[%dma_start3A_100, %dma_start3A_101] : memref<1000000x32xf32, #tpu.memory_space<hbm>> -> memref<1000000x32xf32, #tpu.memory_space<hbm>>
    tpu.enqueue_indirect_dma source(%dma_start3A_102 : memref<1000000x32xf32, #tpu.memory_space<hbm>>) target(%dma_start3A_96 : memref<128x32xf32, #tpu.memory_space<vmem>>) offsets(%dma_start3A_99 : memref<128xi32, #tpu.memory_space<vmem>>) semaphore(%arg9 : memref<!tpu.dma_semaphore, #tpu.memory_space<semaphore_mem>>)
    %dma_start3A_103 = arith.constant 1 : i32
    %dma_start3A_104 = arith.constant 3 : i32
    %dma_start3A_105 = arith.constant 1 : i32
    %dma_start3A_106 = arith.constant 384 : i32
    %dma_start3A_107 = arith.constant 0 : i32
    %dma_start3A_108 = tpu.memref_slice %arg6[%dma_start3A_105, %dma_start3A_106, %dma_start3A_107] : memref<2x512x32xf32, #tpu.memory_space<vmem>> -> memref<1x128x32xf32, #tpu.memory_space<vmem>>
    %dma_start3A_109 = tpu.memref_squeeze %dma_start3A_108 : memref<1x128x32xf32, #tpu.memory_space<vmem>> -> memref<128x32xf32, #tpu.memory_space<vmem>>
    %dma_start3A_110 = arith.constant 0 : i32
    %dma_start3A_111 = tpu.memref_slice %arg5[%dma_start3A_103, %dma_start3A_104, %dma_start3A_110] : memref<50x4x128xi32, #tpu.memory_space<vmem>> -> memref<1x1x128xi32, #tpu.memory_space<vmem>>
    %dma_start3A_112 = tpu.memref_squeeze %dma_start3A_111 : memref<1x1x128xi32, #tpu.memory_space<vmem>> -> memref<128xi32, #tpu.memory_space<vmem>>
    %dma_start3A_113 = arith.constant 0 : i32
    %dma_start3A_114 = arith.constant 0 : i32
    %dma_start3A_115 = tpu.memref_slice %arg3[%dma_start3A_113, %dma_start3A_114] : memref<1000000x32xf32, #tpu.memory_space<hbm>> -> memref<1000000x32xf32, #tpu.memory_space<hbm>>
    tpu.enqueue_indirect_dma source(%dma_start3A_115 : memref<1000000x32xf32, #tpu.memory_space<hbm>>) target(%dma_start3A_109 : memref<128x32xf32, #tpu.memory_space<vmem>>) offsets(%dma_start3A_112 : memref<128xi32, #tpu.memory_space<vmem>>) semaphore(%arg9 : memref<!tpu.dma_semaphore, #tpu.memory_space<semaphore_mem>>)
    %scan3A = arith.constant 0 : i32
    %scan3A_116 = arith.constant 0 : i32
    %scan3A_117 = arith.constant 25 : i32
    %scan3A_118 = arith.addi %scan3A_116, %scan3A_117 : i32
    %scan3A_119 = arith.constant 1 : i32
    scf.for %scan3A_172 = %scan3A_116 to %scan3A_118 step %scan3A_119  : i32 {
      %mul3A_173 = arith.constant 2 : i32
      %mul3A_174 = arith.muli %mul3A_173, %scan3A_172 : i32
      %dma_wait3A_175 = arith.constant 0 : i32
      %dma_wait3A_176 = arith.constant 0 : i32
      %dma_wait3A_177 = arith.constant 0 : i32
      %dma_wait3A_178 = tpu.memref_slice %arg6[%dma_wait3A_175, %dma_wait3A_176, %dma_wait3A_177] : memref<2x512x32xf32, #tpu.memory_space<vmem>> -> memref<1x512x32xf32, #tpu.memory_space<vmem>>
      %dma_wait3A_179 = tpu.memref_squeeze %dma_wait3A_178 : memref<1x512x32xf32, #tpu.memory_space<vmem>> -> memref<512x32xf32, #tpu.memory_space<vmem>>
      %dma_wait3A_180 = arith.constant 0 : i32
      %dma_wait3A_181 = arith.constant 0 : i32
      %dma_wait3A_182 = tpu.memref_slice %arg3[%dma_wait3A_180, %dma_wait3A_181] : memref<1000000x32xf32, #tpu.memory_space<hbm>> -> memref<512x32xf32, #tpu.memory_space<hbm>>
      %dma_wait3A_183 = arith.constant 0 : i32
      %dma_wait3A_184 = arith.constant 0 : i32
      %dma_wait3A_185 = tpu.memref_slice %arg6[%dma_wait3A_175, %dma_wait3A_183, %dma_wait3A_184] : memref<2x512x32xf32, #tpu.memory_space<vmem>> -> memref<1x512x32xf32, #tpu.memory_space<vmem>>
      %dma_wait3A_186 = tpu.memref_squeeze %dma_wait3A_185 : memref<1x512x32xf32, #tpu.memory_space<vmem>> -> memref<512x32xf32, #tpu.memory_space<vmem>>
      %dma_wait3A_187 = arith.constant 0 : i32
      %dma_wait3A_188 = arith.constant 0 : i32
      %dma_wait3A_189 = tpu.memref_slice %arg3[%dma_wait3A_187, %dma_wait3A_188] : memref<1000000x32xf32, #tpu.memory_space<hbm>> -> memref<512x32xf32, #tpu.memory_space<hbm>>
      tpu.wait_dma2 semaphore(%arg8 : memref<!tpu.dma_semaphore, #tpu.memory_space<semaphore_mem>>) src(%dma_wait3A_189 : memref<512x32xf32, #tpu.memory_space<hbm>>) dst(%dma_wait3A_186 : memref<512x32xf32, #tpu.memory_space<vmem>>)
      %gt3A = arith.constant 0 : i32
      %gt3A_190 = arith.cmpi sgt, %scan3A_172, %gt3A : i32
      %convert_element_type3A = arith.extui %gt3A_190 : i1 to i32
      %cond3A = arith.constant 0 : i32
      %cond3A_191 = arith.cmpi ne, %convert_element_type3A, %cond3A : i32
      scf.if %cond3A_191 {
        %mul3A_442 = arith.constant 4 : i32
        %mul3A_443 = arith.muli %add3A, %mul3A_442 : i32
        %dma_wait3A_444 = arith.constant 0 : i32
        %dma_wait3A_445 = arith.constant 0 : i32
        %dma_wait3A_446 = arith.constant 0 : i32
        %dma_wait3A_447 = arith.constant 0 : i32
        %dma_wait3A_448 = arith.constant 0 : i32
        %dma_wait3A_449 = arith.constant 0 : i32
        %dma_wait3A_450 = tpu.memref_slice %arg7[%dma_wait3A_444, %dma_wait3A_446, %dma_wait3A_447, %dma_wait3A_448, %dma_wait3A_449] : memref<2x4x4x8x131xf32, #tpu.memory_space<vmem>> -> memref<1x4x4x8x128xf32, #tpu.memory_space<vmem>>
        %dma_wait3A_451 = tpu.memref_squeeze %dma_wait3A_450 : memref<1x4x4x8x128xf32, #tpu.memory_space<vmem>> -> memref<4x4x8x128xf32, #tpu.memory_space<vmem>>
        %dma_wait3A_452 = arith.constant 0 : i32
        %dma_wait3A_453 = arith.constant 0 : i32
        %dma_wait3A_454 = arith.constant 0 : i32
        %dma_wait3A_455 = tpu.memref_slice %arg4[%dma_wait3A_445, %dma_wait3A_452, %mul3A_443, %dma_wait3A_453, %dma_wait3A_454] : memref<50x4x128x8x128xf32, #tpu.memory_space<hbm>> -> memref<1x4x4x8x128xf32, #tpu.memory_space<hbm>>
        %dma_wait3A_456 = tpu.memref_squeeze %dma_wait3A_455 : memref<1x4x4x8x128xf32, #tpu.memory_space<hbm>> -> memref<4x4x8x128xf32, #tpu.memory_space<hbm>>
        %dma_wait3A_457 = arith.constant 0 : i32
        %dma_wait3A_458 = arith.constant 0 : i32
        %dma_wait3A_459 = arith.constant 0 : i32
        %dma_wait3A_460 = tpu.memref_slice %arg4[%dma_wait3A_445, %dma_wait3A_457, %mul3A_443, %dma_wait3A_458, %dma_wait3A_459] : memref<50x4x128x8x128xf32, #tpu.memory_space<hbm>> -> memref<1x4x4x8x128xf32, #tpu.memory_space<hbm>>
        %dma_wait3A_461 = tpu.memref_squeeze %dma_wait3A_460 : memref<1x4x4x8x128xf32, #tpu.memory_space<hbm>> -> memref<4x4x8x128xf32, #tpu.memory_space<hbm>>
        %dma_wait3A_462 = arith.constant 0 : i32
        %dma_wait3A_463 = arith.constant 0 : i32
        %dma_wait3A_464 = arith.constant 0 : i32
        %dma_wait3A_465 = arith.constant 0 : i32
        %dma_wait3A_466 = tpu.memref_slice %arg7[%dma_wait3A_444, %dma_wait3A_462, %dma_wait3A_463, %dma_wait3A_464, %dma_wait3A_465] : memref<2x4x4x8x131xf32, #tpu.memory_space<vmem>> -> memref<1x4x4x8x128xf32, #tpu.memory_space<vmem>>
        %dma_wait3A_467 = tpu.memref_squeeze %dma_wait3A_466 : memref<1x4x4x8x128xf32, #tpu.memory_space<vmem>> -> memref<4x4x8x128xf32, #tpu.memory_space<vmem>>
        tpu.wait_dma2 semaphore(%arg10 : memref<!tpu.dma_semaphore, #tpu.memory_space<semaphore_mem>>) src(%dma_wait3A_467 : memref<4x4x8x128xf32, #tpu.memory_space<vmem>>) dst(%dma_wait3A_461 : memref<4x4x8x128xf32, #tpu.memory_space<hbm>>)
      } else {
      }
      %parallel_loop3A = arith.constant 0 : i32
      %parallel_loop3A_192 = arith.constant 512 : i32
      %parallel_loop3A_193 = arith.constant 1 : i32
      scf.for %parallel_loop3A_442 = %parallel_loop3A to %parallel_loop3A_192 step %parallel_loop3A_193  : i32 {
        %parallel_loop3A_443 = arith.constant 7 : i32
        %parallel_loop3A_444 = arith.shrui %parallel_loop3A_442, %parallel_loop3A_443 : i32
        %parallel_loop3A_445 = arith.constant 127 : i32
        %parallel_loop3A_446 = arith.andi %parallel_loop3A_442, %parallel_loop3A_445 : i32
        %parallel_loop3A_447 = vector.broadcast %parallel_loop3A_444 : i32 to vector<16xi32>
        %parallel_loop3A_448 = vector.broadcast %parallel_loop3A_446 : i32 to vector<16xi32>
        %parallel_loop3A_449 = arith.constant 0 : i32
        %parallel_loop3A_450 = arith.index_cast %parallel_loop3A_449 : i32 to index
        %parallel_loop3A_451 = arith.index_cast %parallel_loop3A_442 : i32 to index
        %parallel_loop3A_452 = arith.constant 0 : index
        %parallel_loop3A_453 = tpu.vector_load %arg6[%parallel_loop3A_450, %parallel_loop3A_451, %parallel_loop3A_452] {strides = array<i32>} : memref<2x512x32xf32, #tpu.memory_space<vmem>>, vector<16xf32>,
        %parallel_loop3A_454 = arith.constant 0 : i32
        %parallel_loop3A_455 = arith.index_cast %parallel_loop3A_454 : i32 to index
        %parallel_loop3A_456 = arith.index_cast %parallel_loop3A_442 : i32 to index
        %parallel_loop3A_457 = arith.constant 16 : index
        %parallel_loop3A_458 = tpu.vector_load %arg6[%parallel_loop3A_455, %parallel_loop3A_456, %parallel_loop3A_457] {strides = array<i32>} : memref<2x512x32xf32, #tpu.memory_space<vmem>>, vector<16xf32>,
        %parallel_loop3A_459 = arith.constant 0 : i32
        %parallel_loop3A_460 = arith.constant 0 : i32
        %parallel_loop3A_461 = arith.constant 0 : i32
        %parallel_loop3A_462 = arith.constant 0 : i32
        %parallel_loop3A_463 = arith.constant 0 : i32
        %parallel_loop3A_464 = tpu.memref_slice %arg7[%parallel_loop3A_459, %parallel_loop3A_460, %parallel_loop3A_461, %parallel_loop3A_462, %parallel_loop3A_463] : memref<2x4x4x8x131xf32, #tpu.memory_space<vmem>> -> memref<1x4x4x8x131xf32, #tpu.memory_space<vmem>>
        %parallel_loop3A_465 = tpu.memref_squeeze %parallel_loop3A_464 : memref<1x4x4x8x131xf32, #tpu.memory_space<vmem>> -> memref<4x4x8x131xf32, #tpu.memory_space<vmem>>
        tpu.vector_store_idx %parallel_loop3A_465[%parallel_loop3A_447, %shift_right_logical3A_7, %and3A_12, %parallel_loop3A_448], %parallel_loop3A_453 : memref<4x4x8x131xf32, #tpu.memory_space<vmem>>[vector<16xi32>, vector<16xi32>, vector<16xi32>, vector<16xi32>], vector<16xf32>,
        %parallel_loop3A_466 = arith.constant 0 : i32
        %parallel_loop3A_467 = arith.constant 0 : i32
        %parallel_loop3A_468 = arith.constant 0 : i32
        %parallel_loop3A_469 = arith.constant 0 : i32
        %parallel_loop3A_470 = arith.constant 0 : i32
        %parallel_loop3A_471 = tpu.memref_slice %arg7[%parallel_loop3A_466, %parallel_loop3A_467, %parallel_loop3A_468, %parallel_loop3A_469, %parallel_loop3A_470] : memref<2x4x4x8x131xf32, #tpu.memory_space<vmem>> -> memref<1x4x4x8x131xf32, #tpu.memory_space<vmem>>
        %parallel_loop3A_472 = tpu.memref_squeeze %parallel_loop3A_471 : memref<1x4x4x8x131xf32, #tpu.memory_space<vmem>> -> memref<4x4x8x131xf32, #tpu.memory_space<vmem>>
        tpu.vector_store_idx %parallel_loop3A_472[%parallel_loop3A_447, %add3A_10, %and3A_12, %parallel_loop3A_448], %parallel_loop3A_458 : memref<4x4x8x131xf32, #tpu.memory_space<vmem>>[vector<16xi32>, vector<16xi32>, vector<16xi32>, vector<16xi32>], vector<16xf32>,
      } {sc.loop_unroll_factor = 8 : i64, sc.parallel_access}
      %mul3A_194 = arith.constant 4 : i32
      %mul3A_195 = arith.muli %add3A, %mul3A_194 : i32
      %add3A_196 = arith.constant 0 : i32
      %add3A_197 = arith.addi %mul3A_195, %add3A_196 : i32
      %dma_start3A_198 = arith.constant 0 : i32
      %dma_start3A_199 = arith.constant 0 : i32
      %dma_start3A_200 = arith.constant 0 : i32
      %dma_start3A_201 = arith.constant 0 : i32
      %dma_start3A_202 = arith.constant 0 : i32
      %dma_start3A_203 = tpu.memref_slice %arg7[%dma_start3A_198, %dma_start3A_199, %dma_start3A_200, %dma_start3A_201, %dma_start3A_202] : memref<2x4x4x8x131xf32, #tpu.memory_space<vmem>> -> memref<1x1x4x8x128xf32, #tpu.memory_space<vmem>>
      %dma_start3A_204 = tpu.memref_squeeze %dma_start3A_203 : memref<1x1x4x8x128xf32, #tpu.memory_space<vmem>> -> memref<4x8x128xf32, #tpu.memory_space<vmem>>
      %dma_start3A_205 = arith.constant 0 : i32
      %dma_start3A_206 = arith.constant 0 : i32
      %dma_start3A_207 = arith.constant 0 : i32
      %dma_start3A_208 = tpu.memref_slice %arg4[%mul3A_174, %dma_start3A_205, %add3A_197, %dma_start3A_206, %dma_start3A_207] : memref<50x4x128x8x128xf32, #tpu.memory_space<hbm>> -> memref<1x4x1x8x128xf32, #tpu.memory_space<hbm>>
      %dma_start3A_209 = tpu.memref_squeeze %dma_start3A_208 : memref<1x4x1x8x128xf32, #tpu.memory_space<hbm>> -> memref<4x8x128xf32, #tpu.memory_space<hbm>>
      %dma_start3A_210 = arith.constant 0 : i32
      %dma_start3A_211 = arith.constant 0 : i32
      %dma_start3A_212 = arith.constant 0 : i32
      %dma_start3A_213 = tpu.memref_slice %arg4[%mul3A_174, %dma_start3A_210, %add3A_197, %dma_start3A_211, %dma_start3A_212] : memref<50x4x128x8x128xf32, #tpu.memory_space<hbm>> -> memref<1x4x1x8x128xf32, #tpu.memory_space<hbm>>
      %dma_start3A_214 = tpu.memref_squeeze %dma_start3A_213 : memref<1x4x1x8x128xf32, #tpu.memory_space<hbm>> -> memref<4x8x128xf32, #tpu.memory_space<hbm>>
      %dma_start3A_215 = arith.constant 0 : i32
      %dma_start3A_216 = arith.constant 0 : i32
      %dma_start3A_217 = arith.constant 0 : i32
      %dma_start3A_218 = tpu.memref_slice %arg7[%dma_start3A_198, %dma_start3A_199, %dma_start3A_215, %dma_start3A_216, %dma_start3A_217] : memref<2x4x4x8x131xf32, #tpu.memory_space<vmem>> -> memref<1x1x4x8x128xf32, #tpu.memory_space<vmem>>
      %dma_start3A_219 = tpu.memref_squeeze %dma_start3A_218 : memref<1x1x4x8x128xf32, #tpu.memory_space<vmem>> -> memref<4x8x128xf32, #tpu.memory_space<vmem>>
      tpu.enqueue_dma source(%dma_start3A_219 : memref<4x8x128xf32, #tpu.memory_space<vmem>>) target(%dma_start3A_214 : memref<4x8x128xf32, #tpu.memory_space<hbm>>) target_semaphore(%arg10 : memref<!tpu.dma_semaphore, #tpu.memory_space<semaphore_mem>>)
      %mul3A_220 = arith.constant 4 : i32
      %mul3A_221 = arith.muli %add3A, %mul3A_220 : i32
      %add3A_222 = arith.constant 1 : i32
      %add3A_223 = arith.addi %mul3A_221, %add3A_222 : i32
      %dma_start3A_224 = arith.constant 0 : i32
      %dma_start3A_225 = arith.constant 1 : i32
      %dma_start3A_226 = arith.constant 0 : i32
      %dma_start3A_227 = arith.constant 0 : i32
      %dma_start3A_228 = arith.constant 0 : i32
      %dma_start3A_229 = tpu.memref_slice %arg7[%dma_start3A_224, %dma_start3A_225, %dma_start3A_226, %dma_start3A_227, %dma_start3A_228] : memref<2x4x4x8x131xf32, #tpu.memory_space<vmem>> -> memref<1x1x4x8x128xf32, #tpu.memory_space<vmem>>
      %dma_start3A_230 = tpu.memref_squeeze %dma_start3A_229 : memref<1x1x4x8x128xf32, #tpu.memory_space<vmem>> -> memref<4x8x128xf32, #tpu.memory_space<vmem>>
      %dma_start3A_231 = arith.constant 0 : i32
      %dma_start3A_232 = arith.constant 0 : i32
      %dma_start3A_233 = arith.constant 0 : i32
      %dma_start3A_234 = tpu.memref_slice %arg4[%mul3A_174, %dma_start3A_231, %add3A_223, %dma_start3A_232, %dma_start3A_233] : memref<50x4x128x8x128xf32, #tpu.memory_space<hbm>> -> memref<1x4x1x8x128xf32, #tpu.memory_space<hbm>>
      %dma_start3A_235 = tpu.memref_squeeze %dma_start3A_234 : memref<1x4x1x8x128xf32, #tpu.memory_space<hbm>> -> memref<4x8x128xf32, #tpu.memory_space<hbm>>
      %dma_start3A_236 = arith.constant 0 : i32
      %dma_start3A_237 = arith.constant 0 : i32
      %dma_start3A_238 = arith.constant 0 : i32
      %dma_start3A_239 = tpu.memref_slice %arg4[%mul3A_174, %dma_start3A_236, %add3A_223, %dma_start3A_237, %dma_start3A_238] : memref<50x4x128x8x128xf32, #tpu.memory_space<hbm>> -> memref<1x4x1x8x128xf32, #tpu.memory_space<hbm>>
      %dma_start3A_240 = tpu.memref_squeeze %dma_start3A_239 : memref<1x4x1x8x128xf32, #tpu.memory_space<hbm>> -> memref<4x8x128xf32, #tpu.memory_space<hbm>>
      %dma_start3A_241 = arith.constant 0 : i32
      %dma_start3A_242 = arith.constant 0 : i32
      %dma_start3A_243 = arith.constant 0 : i32
      %dma_start3A_244 = tpu.memref_slice %arg7[%dma_start3A_224, %dma_start3A_225, %dma_start3A_241, %dma_start3A_242, %dma_start3A_243] : memref<2x4x4x8x131xf32, #tpu.memory_space<vmem>> -> memref<1x1x4x8x128xf32, #tpu.memory_space<vmem>>
      %dma_start3A_245 = tpu.memref_squeeze %dma_start3A_244 : memref<1x1x4x8x128xf32, #tpu.memory_space<vmem>> -> memref<4x8x128xf32, #tpu.memory_space<vmem>>
      tpu.enqueue_dma source(%dma_start3A_245 : memref<4x8x128xf32, #tpu.memory_space<vmem>>) target(%dma_start3A_240 : memref<4x8x128xf32, #tpu.memory_space<hbm>>) target_semaphore(%arg10 : memref<!tpu.dma_semaphore, #tpu.memory_space<semaphore_mem>>)
      %mul3A_246 = arith.constant 4 : i32
      %mul3A_247 = arith.muli %add3A, %mul3A_246 : i32
      %add3A_248 = arith.constant 2 : i32
      %add3A_249 = arith.addi %mul3A_247, %add3A_248 : i32
      %dma_start3A_250 = arith.constant 0 : i32
      %dma_start3A_251 = arith.constant 2 : i32
      %dma_start3A_252 = arith.constant 0 : i32
      %dma_start3A_253 = arith.constant 0 : i32
      %dma_start3A_254 = arith.constant 0 : i32
      %dma_start3A_255 = tpu.memref_slice %arg7[%dma_start3A_250, %dma_start3A_251, %dma_start3A_252, %dma_start3A_253, %dma_start3A_254] : memref<2x4x4x8x131xf32, #tpu.memory_space<vmem>> -> memref<1x1x4x8x128xf32, #tpu.memory_space<vmem>>
      %dma_start3A_256 = tpu.memref_squeeze %dma_start3A_255 : memref<1x1x4x8x128xf32, #tpu.memory_space<vmem>> -> memref<4x8x128xf32, #tpu.memory_space<vmem>>
      %dma_start3A_257 = arith.constant 0 : i32
      %dma_start3A_258 = arith.constant 0 : i32
      %dma_start3A_259 = arith.constant 0 : i32
      %dma_start3A_260 = tpu.memref_slice %arg4[%mul3A_174, %dma_start3A_257, %add3A_249, %dma_start3A_258, %dma_start3A_259] : memref<50x4x128x8x128xf32, #tpu.memory_space<hbm>> -> memref<1x4x1x8x128xf32, #tpu.memory_space<hbm>>
      %dma_start3A_261 = tpu.memref_squeeze %dma_start3A_260 : memref<1x4x1x8x128xf32, #tpu.memory_space<hbm>> -> memref<4x8x128xf32, #tpu.memory_space<hbm>>
      %dma_start3A_262 = arith.constant 0 : i32
      %dma_start3A_263 = arith.constant 0 : i32
      %dma_start3A_264 = arith.constant 0 : i32
      %dma_start3A_265 = tpu.memref_slice %arg4[%mul3A_174, %dma_start3A_262, %add3A_249, %dma_start3A_263, %dma_start3A_264] : memref<50x4x128x8x128xf32, #tpu.memory_space<hbm>> -> memref<1x4x1x8x128xf32, #tpu.memory_space<hbm>>
      %dma_start3A_266 = tpu.memref_squeeze %dma_start3A_265 : memref<1x4x1x8x128xf32, #tpu.memory_space<hbm>> -> memref<4x8x128xf32, #tpu.memory_space<hbm>>
      %dma_start3A_267 = arith.constant 0 : i32
      %dma_start3A_268 = arith.constant 0 : i32
      %dma_start3A_269 = arith.constant 0 : i32
      %dma_start3A_270 = tpu.memref_slice %arg7[%dma_start3A_250, %dma_start3A_251, %dma_start3A_267, %dma_start3A_268, %dma_start3A_269] : memref<2x4x4x8x131xf32, #tpu.memory_space<vmem>> -> memref<1x1x4x8x128xf32, #tpu.memory_space<vmem>>
      %dma_start3A_271 = tpu.memref_squeeze %dma_start3A_270 : memref<1x1x4x8x128xf32, #tpu.memory_space<vmem>> -> memref<4x8x128xf32, #tpu.memory_space<vmem>>
      tpu.enqueue_dma source(%dma_start3A_271 : memref<4x8x128xf32, #tpu.memory_space<vmem>>) target(%dma_start3A_266 : memref<4x8x128xf32, #tpu.memory_space<hbm>>) target_semaphore(%arg10 : memref<!tpu.dma_semaphore, #tpu.memory_space<semaphore_mem>>)
      %mul3A_272 = arith.constant 4 : i32
      %mul3A_273 = arith.muli %add3A, %mul3A_272 : i32
      %add3A_274 = arith.constant 3 : i32
      %add3A_275 = arith.addi %mul3A_273, %add3A_274 : i32
      %dma_start3A_276 = arith.constant 0 : i32
      %dma_start3A_277 = arith.constant 3 : i32
      %dma_start3A_278 = arith.constant 0 : i32
      %dma_start3A_279 = arith.constant 0 : i32
      %dma_start3A_280 = arith.constant 0 : i32
      %dma_start3A_281 = tpu.memref_slice %arg7[%dma_start3A_276, %dma_start3A_277, %dma_start3A_278, %dma_start3A_279, %dma_start3A_280] : memref<2x4x4x8x131xf32, #tpu.memory_space<vmem>> -> memref<1x1x4x8x128xf32, #tpu.memory_space<vmem>>
      %dma_start3A_282 = tpu.memref_squeeze %dma_start3A_281 : memref<1x1x4x8x128xf32, #tpu.memory_space<vmem>> -> memref<4x8x128xf32, #tpu.memory_space<vmem>>
      %dma_start3A_283 = arith.constant 0 : i32
      %dma_start3A_284 = arith.constant 0 : i32
      %dma_start3A_285 = arith.constant 0 : i32
      %dma_start3A_286 = tpu.memref_slice %arg4[%mul3A_174, %dma_start3A_283, %add3A_275, %dma_start3A_284, %dma_start3A_285] : memref<50x4x128x8x128xf32, #tpu.memory_space<hbm>> -> memref<1x4x1x8x128xf32, #tpu.memory_space<hbm>>
      %dma_start3A_287 = tpu.memref_squeeze %dma_start3A_286 : memref<1x4x1x8x128xf32, #tpu.memory_space<hbm>> -> memref<4x8x128xf32, #tpu.memory_space<hbm>>
      %dma_start3A_288 = arith.constant 0 : i32
      %dma_start3A_289 = arith.constant 0 : i32
      %dma_start3A_290 = arith.constant 0 : i32
      %dma_start3A_291 = tpu.memref_slice %arg4[%mul3A_174, %dma_start3A_288, %add3A_275, %dma_start3A_289, %dma_start3A_290] : memref<50x4x128x8x128xf32, #tpu.memory_space<hbm>> -> memref<1x4x1x8x128xf32, #tpu.memory_space<hbm>>
      %dma_start3A_292 = tpu.memref_squeeze %dma_start3A_291 : memref<1x4x1x8x128xf32, #tpu.memory_space<hbm>> -> memref<4x8x128xf32, #tpu.memory_space<hbm>>
      %dma_start3A_293 = arith.constant 0 : i32
      %dma_start3A_294 = arith.constant 0 : i32
      %dma_start3A_295 = arith.constant 0 : i32
      %dma_start3A_296 = tpu.memref_slice %arg7[%dma_start3A_276, %dma_start3A_277, %dma_start3A_293, %dma_start3A_294, %dma_start3A_295] : memref<2x4x4x8x131xf32, #tpu.memory_space<vmem>> -> memref<1x1x4x8x128xf32, #tpu.memory_space<vmem>>
      %dma_start3A_297 = tpu.memref_squeeze %dma_start3A_296 : memref<1x1x4x8x128xf32, #tpu.memory_space<vmem>> -> memref<4x8x128xf32, #tpu.memory_space<vmem>>
      tpu.enqueue_dma source(%dma_start3A_297 : memref<4x8x128xf32, #tpu.memory_space<vmem>>) target(%dma_start3A_292 : memref<4x8x128xf32, #tpu.memory_space<hbm>>) target_semaphore(%arg10 : memref<!tpu.dma_semaphore, #tpu.memory_space<semaphore_mem>>)
      %add3A_298 = arith.constant 2 : i32
      %add3A_299 = arith.addi %mul3A_174, %add3A_298 : i32
      %lt3A = arith.constant 50 : i32
      %lt3A_300 = arith.cmpi slt, %add3A_299, %lt3A : i32
      %convert_element_type3A_301 = arith.extui %lt3A_300 : i1 to i32
      %cond3A_302 = arith.constant 0 : i32
      %cond3A_303 = arith.cmpi ne, %convert_element_type3A_301, %cond3A_302 : i32
      scf.if %cond3A_303 {
        %add3A_442 = arith.constant 2 : i32
        %add3A_443 = arith.addi %mul3A_174, %add3A_442 : i32
        %dma_start3A_444 = arith.constant 0 : i32
        %dma_start3A_445 = arith.constant 0 : i32
        %dma_start3A_446 = arith.constant 0 : i32
        %dma_start3A_447 = arith.constant 0 : i32
        %dma_start3A_448 = tpu.memref_slice %arg6[%dma_start3A_445, %dma_start3A_446, %dma_start3A_447] : memref<2x512x32xf32, #tpu.memory_space<vmem>> -> memref<1x128x32xf32, #tpu.memory_space<vmem>>
        %dma_start3A_449 = tpu.memref_squeeze %dma_start3A_448 : memref<1x128x32xf32, #tpu.memory_space<vmem>> -> memref<128x32xf32, #tpu.memory_space<vmem>>
        %dma_start3A_450 = arith.constant 0 : i32
        %dma_start3A_451 = tpu.memref_slice %arg5[%add3A_443, %dma_start3A_444, %dma_start3A_450] : memref<50x4x128xi32, #tpu.memory_space<vmem>> -> memref<1x1x128xi32, #tpu.memory_space<vmem>>
        %dma_start3A_452 = tpu.memref_squeeze %dma_start3A_451 : memref<1x1x128xi32, #tpu.memory_space<vmem>> -> memref<128xi32, #tpu.memory_space<vmem>>
        %dma_start3A_453 = arith.constant 0 : i32
        %dma_start3A_454 = arith.constant 0 : i32
        %dma_start3A_455 = tpu.memref_slice %arg3[%dma_start3A_453, %dma_start3A_454] : memref<1000000x32xf32, #tpu.memory_space<hbm>> -> memref<1000000x32xf32, #tpu.memory_space<hbm>>
        tpu.enqueue_indirect_dma source(%dma_start3A_455 : memref<1000000x32xf32, #tpu.memory_space<hbm>>) target(%dma_start3A_449 : memref<128x32xf32, #tpu.memory_space<vmem>>) offsets(%dma_start3A_452 : memref<128xi32, #tpu.memory_space<vmem>>) semaphore(%arg8 : memref<!tpu.dma_semaphore, #tpu.memory_space<semaphore_mem>>)
        %dma_start3A_456 = arith.constant 1 : i32
        %dma_start3A_457 = arith.constant 0 : i32
        %dma_start3A_458 = arith.constant 128 : i32
        %dma_start3A_459 = arith.constant 0 : i32
        %dma_start3A_460 = tpu.memref_slice %arg6[%dma_start3A_457, %dma_start3A_458, %dma_start3A_459] : memref<2x512x32xf32, #tpu.memory_space<vmem>> -> memref<1x128x32xf32, #tpu.memory_space<vmem>>
        %dma_start3A_461 = tpu.memref_squeeze %dma_start3A_460 : memref<1x128x32xf32, #tpu.memory_space<vmem>> -> memref<128x32xf32, #tpu.memory_space<vmem>>
        %dma_start3A_462 = arith.constant 0 : i32
        %dma_start3A_463 = tpu.memref_slice %arg5[%add3A_443, %dma_start3A_456, %dma_start3A_462] : memref<50x4x128xi32, #tpu.memory_space<vmem>> -> memref<1x1x128xi32, #tpu.memory_space<vmem>>
        %dma_start3A_464 = tpu.memref_squeeze %dma_start3A_463 : memref<1x1x128xi32, #tpu.memory_space<vmem>> -> memref<128xi32, #tpu.memory_space<vmem>>
        %dma_start3A_465 = arith.constant 0 : i32
        %dma_start3A_466 = arith.constant 0 : i32
        %dma_start3A_467 = tpu.memref_slice %arg3[%dma_start3A_465, %dma_start3A_466] : memref<1000000x32xf32, #tpu.memory_space<hbm>> -> memref<1000000x32xf32, #tpu.memory_space<hbm>>
        tpu.enqueue_indirect_dma source(%dma_start3A_467 : memref<1000000x32xf32, #tpu.memory_space<hbm>>) target(%dma_start3A_461 : memref<128x32xf32, #tpu.memory_space<vmem>>) offsets(%dma_start3A_464 : memref<128xi32, #tpu.memory_space<vmem>>) semaphore(%arg8 : memref<!tpu.dma_semaphore, #tpu.memory_space<semaphore_mem>>)
        %dma_start3A_468 = arith.constant 2 : i32
        %dma_start3A_469 = arith.constant 0 : i32
        %dma_start3A_470 = arith.constant 256 : i32
        %dma_start3A_471 = arith.constant 0 : i32
        %dma_start3A_472 = tpu.memref_slice %arg6[%dma_start3A_469, %dma_start3A_470, %dma_start3A_471] : memref<2x512x32xf32, #tpu.memory_space<vmem>> -> memref<1x128x32xf32, #tpu.memory_space<vmem>>
        %dma_start3A_473 = tpu.memref_squeeze %dma_start3A_472 : memref<1x128x32xf32, #tpu.memory_space<vmem>> -> memref<128x32xf32, #tpu.memory_space<vmem>>
        %dma_start3A_474 = arith.constant 0 : i32
        %dma_start3A_475 = tpu.memref_slice %arg5[%add3A_443, %dma_start3A_468, %dma_start3A_474] : memref<50x4x128xi32, #tpu.memory_space<vmem>> -> memref<1x1x128xi32, #tpu.memory_space<vmem>>
        %dma_start3A_476 = tpu.memref_squeeze %dma_start3A_475 : memref<1x1x128xi32, #tpu.memory_space<vmem>> -> memref<128xi32, #tpu.memory_space<vmem>>
        %dma_start3A_477 = arith.constant 0 : i32
        %dma_start3A_478 = arith.constant 0 : i32
        %dma_start3A_479 = tpu.memref_slice %arg3[%dma_start3A_477, %dma_start3A_478] : memref<1000000x32xf32, #tpu.memory_space<hbm>> -> memref<1000000x32xf32, #tpu.memory_space<hbm>>
        tpu.enqueue_indirect_dma source(%dma_start3A_479 : memref<1000000x32xf32, #tpu.memory_space<hbm>>) target(%dma_start3A_473 : memref<128x32xf32, #tpu.memory_space<vmem>>) offsets(%dma_start3A_476 : memref<128xi32, #tpu.memory_space<vmem>>) semaphore(%arg8 : memref<!tpu.dma_semaphore, #tpu.memory_space<semaphore_mem>>)
        %dma_start3A_480 = arith.constant 3 : i32
        %dma_start3A_481 = arith.constant 0 : i32
        %dma_start3A_482 = arith.constant 384 : i32
        %dma_start3A_483 = arith.constant 0 : i32
        %dma_start3A_484 = tpu.memref_slice %arg6[%dma_start3A_481, %dma_start3A_482, %dma_start3A_483] : memref<2x512x32xf32, #tpu.memory_space<vmem>> -> memref<1x128x32xf32, #tpu.memory_space<vmem>>
        %dma_start3A_485 = tpu.memref_squeeze %dma_start3A_484 : memref<1x128x32xf32, #tpu.memory_space<vmem>> -> memref<128x32xf32, #tpu.memory_space<vmem>>
        %dma_start3A_486 = arith.constant 0 : i32
        %dma_start3A_487 = tpu.memref_slice %arg5[%add3A_443, %dma_start3A_480, %dma_start3A_486] : memref<50x4x128xi32, #tpu.memory_space<vmem>> -> memref<1x1x128xi32, #tpu.memory_space<vmem>>
        %dma_start3A_488 = tpu.memref_squeeze %dma_start3A_487 : memref<1x1x128xi32, #tpu.memory_space<vmem>> -> memref<128xi32, #tpu.memory_space<vmem>>
        %dma_start3A_489 = arith.constant 0 : i32
        %dma_start3A_490 = arith.constant 0 : i32
        %dma_start3A_491 = tpu.memref_slice %arg3[%dma_start3A_489, %dma_start3A_490] : memref<1000000x32xf32, #tpu.memory_space<hbm>> -> memref<1000000x32xf32, #tpu.memory_space<hbm>>
        tpu.enqueue_indirect_dma source(%dma_start3A_491 : memref<1000000x32xf32, #tpu.memory_space<hbm>>) target(%dma_start3A_485 : memref<128x32xf32, #tpu.memory_space<vmem>>) offsets(%dma_start3A_488 : memref<128xi32, #tpu.memory_space<vmem>>) semaphore(%arg8 : memref<!tpu.dma_semaphore, #tpu.memory_space<semaphore_mem>>)
      } else {
      }
      %mul3A_304 = arith.constant 2 : i32
      %mul3A_305 = arith.muli %mul3A_304, %scan3A_172 : i32
      %add3A_306 = arith.constant 1 : i32
      %add3A_307 = arith.addi %mul3A_305, %add3A_306 : i32
      %dma_wait3A_308 = arith.constant 1 : i32
      %dma_wait3A_309 = arith.constant 0 : i32
      %dma_wait3A_310 = arith.constant 0 : i32
      %dma_wait3A_311 = tpu.memref_slice %arg6[%dma_wait3A_308, %dma_wait3A_309, %dma_wait3A_310] : memref<2x512x32xf32, #tpu.memory_space<vmem>> -> memref<1x512x32xf32, #tpu.memory_space<vmem>>
      %dma_wait3A_312 = tpu.memref_squeeze %dma_wait3A_311 : memref<1x512x32xf32, #tpu.memory_space<vmem>> -> memref<512x32xf32, #tpu.memory_space<vmem>>
      %dma_wait3A_313 = arith.constant 0 : i32
      %dma_wait3A_314 = arith.constant 0 : i32
      %dma_wait3A_315 = tpu.memref_slice %arg3[%dma_wait3A_313, %dma_wait3A_314] : memref<1000000x32xf32, #tpu.memory_space<hbm>> -> memref<512x32xf32, #tpu.memory_space<hbm>>
      %dma_wait3A_316 = arith.constant 0 : i32
      %dma_wait3A_317 = arith.constant 0 : i32
      %dma_wait3A_318 = tpu.memref_slice %arg6[%dma_wait3A_308, %dma_wait3A_316, %dma_wait3A_317] : memref<2x512x32xf32, #tpu.memory_space<vmem>> -> memref<1x512x32xf32, #tpu.memory_space<vmem>>
      %dma_wait3A_319 = tpu.memref_squeeze %dma_wait3A_318 : memref<1x512x32xf32, #tpu.memory_space<vmem>> -> memref<512x32xf32, #tpu.memory_space<vmem>>
      %dma_wait3A_320 = arith.constant 0 : i32
      %dma_wait3A_321 = arith.constant 0 : i32
      %dma_wait3A_322 = tpu.memref_slice %arg3[%dma_wait3A_320, %dma_wait3A_321] : memref<1000000x32xf32, #tpu.memory_space<hbm>> -> memref<512x32xf32, #tpu.memory_space<hbm>>
      tpu.wait_dma2 semaphore(%arg9 : memref<!tpu.dma_semaphore, #tpu.memory_space<semaphore_mem>>) src(%dma_wait3A_322 : memref<512x32xf32, #tpu.memory_space<hbm>>) dst(%dma_wait3A_319 : memref<512x32xf32, #tpu.memory_space<vmem>>)
      %gt3A_323 = arith.constant 0 : i32
      %gt3A_324 = arith.cmpi sgt, %scan3A_172, %gt3A_323 : i32
      %convert_element_type3A_325 = arith.extui %gt3A_324 : i1 to i32
      %cond3A_326 = arith.constant 0 : i32
      %cond3A_327 = arith.cmpi ne, %convert_element_type3A_325, %cond3A_326 : i32
      scf.if %cond3A_327 {
        %mul3A_442 = arith.constant 4 : i32
        %mul3A_443 = arith.muli %add3A, %mul3A_442 : i32
        %dma_wait3A_444 = arith.constant 1 : i32
        %dma_wait3A_445 = arith.constant 0 : i32
        %dma_wait3A_446 = arith.constant 0 : i32
        %dma_wait3A_447 = arith.constant 0 : i32
        %dma_wait3A_448 = arith.constant 0 : i32
        %dma_wait3A_449 = arith.constant 0 : i32
        %dma_wait3A_450 = tpu.memref_slice %arg7[%dma_wait3A_444, %dma_wait3A_446, %dma_wait3A_447, %dma_wait3A_448, %dma_wait3A_449] : memref<2x4x4x8x131xf32, #tpu.memory_space<vmem>> -> memref<1x4x4x8x128xf32, #tpu.memory_space<vmem>>
        %dma_wait3A_451 = tpu.memref_squeeze %dma_wait3A_450 : memref<1x4x4x8x128xf32, #tpu.memory_space<vmem>> -> memref<4x4x8x128xf32, #tpu.memory_space<vmem>>
        %dma_wait3A_452 = arith.constant 0 : i32
        %dma_wait3A_453 = arith.constant 0 : i32
        %dma_wait3A_454 = arith.constant 0 : i32
        %dma_wait3A_455 = tpu.memref_slice %arg4[%dma_wait3A_445, %dma_wait3A_452, %mul3A_443, %dma_wait3A_453, %dma_wait3A_454] : memref<50x4x128x8x128xf32, #tpu.memory_space<hbm>> -> memref<1x4x4x8x128xf32, #tpu.memory_space<hbm>>
        %dma_wait3A_456 = tpu.memref_squeeze %dma_wait3A_455 : memref<1x4x4x8x128xf32, #tpu.memory_space<hbm>> -> memref<4x4x8x128xf32, #tpu.memory_space<hbm>>
        %dma_wait3A_457 = arith.constant 0 : i32
        %dma_wait3A_458 = arith.constant 0 : i32
        %dma_wait3A_459 = arith.constant 0 : i32
        %dma_wait3A_460 = tpu.memref_slice %arg4[%dma_wait3A_445, %dma_wait3A_457, %mul3A_443, %dma_wait3A_458, %dma_wait3A_459] : memref<50x4x128x8x128xf32, #tpu.memory_space<hbm>> -> memref<1x4x4x8x128xf32, #tpu.memory_space<hbm>>
        %dma_wait3A_461 = tpu.memref_squeeze %dma_wait3A_460 : memref<1x4x4x8x128xf32, #tpu.memory_space<hbm>> -> memref<4x4x8x128xf32, #tpu.memory_space<hbm>>
        %dma_wait3A_462 = arith.constant 0 : i32
        %dma_wait3A_463 = arith.constant 0 : i32
        %dma_wait3A_464 = arith.constant 0 : i32
        %dma_wait3A_465 = arith.constant 0 : i32
        %dma_wait3A_466 = tpu.memref_slice %arg7[%dma_wait3A_444, %dma_wait3A_462, %dma_wait3A_463, %dma_wait3A_464, %dma_wait3A_465] : memref<2x4x4x8x131xf32, #tpu.memory_space<vmem>> -> memref<1x4x4x8x128xf32, #tpu.memory_space<vmem>>
        %dma_wait3A_467 = tpu.memref_squeeze %dma_wait3A_466 : memref<1x4x4x8x128xf32, #tpu.memory_space<vmem>> -> memref<4x4x8x128xf32, #tpu.memory_space<vmem>>
        tpu.wait_dma2 semaphore(%arg11 : memref<!tpu.dma_semaphore, #tpu.memory_space<semaphore_mem>>) src(%dma_wait3A_467 : memref<4x4x8x128xf32, #tpu.memory_space<vmem>>) dst(%dma_wait3A_461 : memref<4x4x8x128xf32, #tpu.memory_space<hbm>>)
      } else {
      }
      %parallel_loop3A_328 = arith.constant 0 : i32
      %parallel_loop3A_329 = arith.constant 512 : i32
      %parallel_loop3A_330 = arith.constant 1 : i32
      scf.for %parallel_loop3A_442 = %parallel_loop3A_328 to %parallel_loop3A_329 step %parallel_loop3A_330  : i32 {
        %parallel_loop3A_443 = arith.constant 7 : i32
        %parallel_loop3A_444 = arith.shrui %parallel_loop3A_442, %parallel_loop3A_443 : i32
        %parallel_loop3A_445 = arith.constant 127 : i32
        %parallel_loop3A_446 = arith.andi %parallel_loop3A_442, %parallel_loop3A_445 : i32
        %parallel_loop3A_447 = vector.broadcast %parallel_loop3A_444 : i32 to vector<16xi32>
        %parallel_loop3A_448 = vector.broadcast %parallel_loop3A_446 : i32 to vector<16xi32>
        %parallel_loop3A_449 = arith.constant 1 : i32
        %parallel_loop3A_450 = arith.index_cast %parallel_loop3A_449 : i32 to index
        %parallel_loop3A_451 = arith.index_cast %parallel_loop3A_442 : i32 to index
        %parallel_loop3A_452 = arith.constant 0 : index
        %parallel_loop3A_453 = tpu.vector_load %arg6[%parallel_loop3A_450, %parallel_loop3A_451, %parallel_loop3A_452] {strides = array<i32>} : memref<2x512x32xf32, #tpu.memory_space<vmem>>, vector<16xf32>,
        %parallel_loop3A_454 = arith.constant 1 : i32
        %parallel_loop3A_455 = arith.index_cast %parallel_loop3A_454 : i32 to index
        %parallel_loop3A_456 = arith.index_cast %parallel_loop3A_442 : i32 to index
        %parallel_loop3A_457 = arith.constant 16 : index
        %parallel_loop3A_458 = tpu.vector_load %arg6[%parallel_loop3A_455, %parallel_loop3A_456, %parallel_loop3A_457] {strides = array<i32>} : memref<2x512x32xf32, #tpu.memory_space<vmem>>, vector<16xf32>,
        %parallel_loop3A_459 = arith.constant 1 : i32
        %parallel_loop3A_460 = arith.constant 0 : i32
        %parallel_loop3A_461 = arith.constant 0 : i32
        %parallel_loop3A_462 = arith.constant 0 : i32
        %parallel_loop3A_463 = arith.constant 0 : i32
        %parallel_loop3A_464 = tpu.memref_slice %arg7[%parallel_loop3A_459, %parallel_loop3A_460, %parallel_loop3A_461, %parallel_loop3A_462, %parallel_loop3A_463] : memref<2x4x4x8x131xf32, #tpu.memory_space<vmem>> -> memref<1x4x4x8x131xf32, #tpu.memory_space<vmem>>
        %parallel_loop3A_465 = tpu.memref_squeeze %parallel_loop3A_464 : memref<1x4x4x8x131xf32, #tpu.memory_space<vmem>> -> memref<4x4x8x131xf32, #tpu.memory_space<vmem>>
        tpu.vector_store_idx %parallel_loop3A_465[%parallel_loop3A_447, %shift_right_logical3A_7, %and3A_12, %parallel_loop3A_448], %parallel_loop3A_453 : memref<4x4x8x131xf32, #tpu.memory_space<vmem>>[vector<16xi32>, vector<16xi32>, vector<16xi32>, vector<16xi32>], vector<16xf32>,
        %parallel_loop3A_466 = arith.constant 1 : i32
        %parallel_loop3A_467 = arith.constant 0 : i32
        %parallel_loop3A_468 = arith.constant 0 : i32
        %parallel_loop3A_469 = arith.constant 0 : i32
        %parallel_loop3A_470 = arith.constant 0 : i32
        %parallel_loop3A_471 = tpu.memref_slice %arg7[%parallel_loop3A_466, %parallel_loop3A_467, %parallel_loop3A_468, %parallel_loop3A_469, %parallel_loop3A_470] : memref<2x4x4x8x131xf32, #tpu.memory_space<vmem>> -> memref<1x4x4x8x131xf32, #tpu.memory_space<vmem>>
        %parallel_loop3A_472 = tpu.memref_squeeze %parallel_loop3A_471 : memref<1x4x4x8x131xf32, #tpu.memory_space<vmem>> -> memref<4x4x8x131xf32, #tpu.memory_space<vmem>>
        tpu.vector_store_idx %parallel_loop3A_472[%parallel_loop3A_447, %add3A_10, %and3A_12, %parallel_loop3A_448], %parallel_loop3A_458 : memref<4x4x8x131xf32, #tpu.memory_space<vmem>>[vector<16xi32>, vector<16xi32>, vector<16xi32>, vector<16xi32>], vector<16xf32>,
      } {sc.loop_unroll_factor = 8 : i64, sc.parallel_access}
      %mul3A_331 = arith.constant 4 : i32
      %mul3A_332 = arith.muli %add3A, %mul3A_331 : i32
      %add3A_333 = arith.constant 0 : i32
      %add3A_334 = arith.addi %mul3A_332, %add3A_333 : i32
      %dma_start3A_335 = arith.constant 1 : i32
      %dma_start3A_336 = arith.constant 0 : i32
      %dma_start3A_337 = arith.constant 0 : i32
      %dma_start3A_338 = arith.constant 0 : i32
      %dma_start3A_339 = arith.constant 0 : i32
      %dma_start3A_340 = tpu.memref_slice %arg7[%dma_start3A_335, %dma_start3A_336, %dma_start3A_337, %dma_start3A_338, %dma_start3A_339] : memref<2x4x4x8x131xf32, #tpu.memory_space<vmem>> -> memref<1x1x4x8x128xf32, #tpu.memory_space<vmem>>
      %dma_start3A_341 = tpu.memref_squeeze %dma_start3A_340 : memref<1x1x4x8x128xf32, #tpu.memory_space<vmem>> -> memref<4x8x128xf32, #tpu.memory_space<vmem>>
      %dma_start3A_342 = arith.constant 0 : i32
      %dma_start3A_343 = arith.constant 0 : i32
      %dma_start3A_344 = arith.constant 0 : i32
      %dma_start3A_345 = tpu.memref_slice %arg4[%add3A_307, %dma_start3A_342, %add3A_334, %dma_start3A_343, %dma_start3A_344] : memref<50x4x128x8x128xf32, #tpu.memory_space<hbm>> -> memref<1x4x1x8x128xf32, #tpu.memory_space<hbm>>
      %dma_start3A_346 = tpu.memref_squeeze %dma_start3A_345 : memref<1x4x1x8x128xf32, #tpu.memory_space<hbm>> -> memref<4x8x128xf32, #tpu.memory_space<hbm>>
      %dma_start3A_347 = arith.constant 0 : i32
      %dma_start3A_348 = arith.constant 0 : i32
      %dma_start3A_349 = arith.constant 0 : i32
      %dma_start3A_350 = tpu.memref_slice %arg4[%add3A_307, %dma_start3A_347, %add3A_334, %dma_start3A_348, %dma_start3A_349] : memref<50x4x128x8x128xf32, #tpu.memory_space<hbm>> -> memref<1x4x1x8x128xf32, #tpu.memory_space<hbm>>
      %dma_start3A_351 = tpu.memref_squeeze %dma_start3A_350 : memref<1x4x1x8x128xf32, #tpu.memory_space<hbm>> -> memref<4x8x128xf32, #tpu.memory_space<hbm>>
      %dma_start3A_352 = arith.constant 0 : i32
      %dma_start3A_353 = arith.constant 0 : i32
      %dma_start3A_354 = arith.constant 0 : i32
      %dma_start3A_355 = tpu.memref_slice %arg7[%dma_start3A_335, %dma_start3A_336, %dma_start3A_352, %dma_start3A_353, %dma_start3A_354] : memref<2x4x4x8x131xf32, #tpu.memory_space<vmem>> -> memref<1x1x4x8x128xf32, #tpu.memory_space<vmem>>
      %dma_start3A_356 = tpu.memref_squeeze %dma_start3A_355 : memref<1x1x4x8x128xf32, #tpu.memory_space<vmem>> -> memref<4x8x128xf32, #tpu.memory_space<vmem>>
      tpu.enqueue_dma source(%dma_start3A_356 : memref<4x8x128xf32, #tpu.memory_space<vmem>>) target(%dma_start3A_351 : memref<4x8x128xf32, #tpu.memory_space<hbm>>) target_semaphore(%arg11 : memref<!tpu.dma_semaphore, #tpu.memory_space<semaphore_mem>>)
      %mul3A_357 = arith.constant 4 : i32
      %mul3A_358 = arith.muli %add3A, %mul3A_357 : i32
      %add3A_359 = arith.constant 1 : i32
      %add3A_360 = arith.addi %mul3A_358, %add3A_359 : i32
      %dma_start3A_361 = arith.constant 1 : i32
      %dma_start3A_362 = arith.constant 1 : i32
      %dma_start3A_363 = arith.constant 0 : i32
      %dma_start3A_364 = arith.constant 0 : i32
      %dma_start3A_365 = arith.constant 0 : i32
      %dma_start3A_366 = tpu.memref_slice %arg7[%dma_start3A_361, %dma_start3A_362, %dma_start3A_363, %dma_start3A_364, %dma_start3A_365] : memref<2x4x4x8x131xf32, #tpu.memory_space<vmem>> -> memref<1x1x4x8x128xf32, #tpu.memory_space<vmem>>
      %dma_start3A_367 = tpu.memref_squeeze %dma_start3A_366 : memref<1x1x4x8x128xf32, #tpu.memory_space<vmem>> -> memref<4x8x128xf32, #tpu.memory_space<vmem>>
      %dma_start3A_368 = arith.constant 0 : i32
      %dma_start3A_369 = arith.constant 0 : i32
      %dma_start3A_370 = arith.constant 0 : i32
      %dma_start3A_371 = tpu.memref_slice %arg4[%add3A_307, %dma_start3A_368, %add3A_360, %dma_start3A_369, %dma_start3A_370] : memref<50x4x128x8x128xf32, #tpu.memory_space<hbm>> -> memref<1x4x1x8x128xf32, #tpu.memory_space<hbm>>
      %dma_start3A_372 = tpu.memref_squeeze %dma_start3A_371 : memref<1x4x1x8x128xf32, #tpu.memory_space<hbm>> -> memref<4x8x128xf32, #tpu.memory_space<hbm>>
      %dma_start3A_373 = arith.constant 0 : i32
      %dma_start3A_374 = arith.constant 0 : i32
      %dma_start3A_375 = arith.constant 0 : i32
      %dma_start3A_376 = tpu.memref_slice %arg4[%add3A_307, %dma_start3A_373, %add3A_360, %dma_start3A_374, %dma_start3A_375] : memref<50x4x128x8x128xf32, #tpu.memory_space<hbm>> -> memref<1x4x1x8x128xf32, #tpu.memory_space<hbm>>
      %dma_start3A_377 = tpu.memref_squeeze %dma_start3A_376 : memref<1x4x1x8x128xf32, #tpu.memory_space<hbm>> -> memref<4x8x128xf32, #tpu.memory_space<hbm>>
      %dma_start3A_378 = arith.constant 0 : i32
      %dma_start3A_379 = arith.constant 0 : i32
      %dma_start3A_380 = arith.constant 0 : i32
      %dma_start3A_381 = tpu.memref_slice %arg7[%dma_start3A_361, %dma_start3A_362, %dma_start3A_378, %dma_start3A_379, %dma_start3A_380] : memref<2x4x4x8x131xf32, #tpu.memory_space<vmem>> -> memref<1x1x4x8x128xf32, #tpu.memory_space<vmem>>
      %dma_start3A_382 = tpu.memref_squeeze %dma_start3A_381 : memref<1x1x4x8x128xf32, #tpu.memory_space<vmem>> -> memref<4x8x128xf32, #tpu.memory_space<vmem>>
      tpu.enqueue_dma source(%dma_start3A_382 : memref<4x8x128xf32, #tpu.memory_space<vmem>>) target(%dma_start3A_377 : memref<4x8x128xf32, #tpu.memory_space<hbm>>) target_semaphore(%arg11 : memref<!tpu.dma_semaphore, #tpu.memory_space<semaphore_mem>>)
      %mul3A_383 = arith.constant 4 : i32
      %mul3A_384 = arith.muli %add3A, %mul3A_383 : i32
      %add3A_385 = arith.constant 2 : i32
      %add3A_386 = arith.addi %mul3A_384, %add3A_385 : i32
      %dma_start3A_387 = arith.constant 1 : i32
      %dma_start3A_388 = arith.constant 2 : i32
      %dma_start3A_389 = arith.constant 0 : i32
      %dma_start3A_390 = arith.constant 0 : i32
      %dma_start3A_391 = arith.constant 0 : i32
      %dma_start3A_392 = tpu.memref_slice %arg7[%dma_start3A_387, %dma_start3A_388, %dma_start3A_389, %dma_start3A_390, %dma_start3A_391] : memref<2x4x4x8x131xf32, #tpu.memory_space<vmem>> -> memref<1x1x4x8x128xf32, #tpu.memory_space<vmem>>
      %dma_start3A_393 = tpu.memref_squeeze %dma_start3A_392 : memref<1x1x4x8x128xf32, #tpu.memory_space<vmem>> -> memref<4x8x128xf32, #tpu.memory_space<vmem>>
      %dma_start3A_394 = arith.constant 0 : i32
      %dma_start3A_395 = arith.constant 0 : i32
      %dma_start3A_396 = arith.constant 0 : i32
      %dma_start3A_397 = tpu.memref_slice %arg4[%add3A_307, %dma_start3A_394, %add3A_386, %dma_start3A_395, %dma_start3A_396] : memref<50x4x128x8x128xf32, #tpu.memory_space<hbm>> -> memref<1x4x1x8x128xf32, #tpu.memory_space<hbm>>
      %dma_start3A_398 = tpu.memref_squeeze %dma_start3A_397 : memref<1x4x1x8x128xf32, #tpu.memory_space<hbm>> -> memref<4x8x128xf32, #tpu.memory_space<hbm>>
      %dma_start3A_399 = arith.constant 0 : i32
      %dma_start3A_400 = arith.constant 0 : i32
      %dma_start3A_401 = arith.constant 0 : i32
      %dma_start3A_402 = tpu.memref_slice %arg4[%add3A_307, %dma_start3A_399, %add3A_386, %dma_start3A_400, %dma_start3A_401] : memref<50x4x128x8x128xf32, #tpu.memory_space<hbm>> -> memref<1x4x1x8x128xf32, #tpu.memory_space<hbm>>
      %dma_start3A_403 = tpu.memref_squeeze %dma_start3A_402 : memref<1x4x1x8x128xf32, #tpu.memory_space<hbm>> -> memref<4x8x128xf32, #tpu.memory_space<hbm>>
      %dma_start3A_404 = arith.constant 0 : i32
      %dma_start3A_405 = arith.constant 0 : i32
      %dma_start3A_406 = arith.constant 0 : i32
      %dma_start3A_407 = tpu.memref_slice %arg7[%dma_start3A_387, %dma_start3A_388, %dma_start3A_404, %dma_start3A_405, %dma_start3A_406] : memref<2x4x4x8x131xf32, #tpu.memory_space<vmem>> -> memref<1x1x4x8x128xf32, #tpu.memory_space<vmem>>
      %dma_start3A_408 = tpu.memref_squeeze %dma_start3A_407 : memref<1x1x4x8x128xf32, #tpu.memory_space<vmem>> -> memref<4x8x128xf32, #tpu.memory_space<vmem>>
      tpu.enqueue_dma source(%dma_start3A_408 : memref<4x8x128xf32, #tpu.memory_space<vmem>>) target(%dma_start3A_403 : memref<4x8x128xf32, #tpu.memory_space<hbm>>) target_semaphore(%arg11 : memref<!tpu.dma_semaphore, #tpu.memory_space<semaphore_mem>>)
      %mul3A_409 = arith.constant 4 : i32
      %mul3A_410 = arith.muli %add3A, %mul3A_409 : i32
      %add3A_411 = arith.constant 3 : i32
      %add3A_412 = arith.addi %mul3A_410, %add3A_411 : i32
      %dma_start3A_413 = arith.constant 1 : i32
      %dma_start3A_414 = arith.constant 3 : i32
      %dma_start3A_415 = arith.constant 0 : i32
      %dma_start3A_416 = arith.constant 0 : i32
      %dma_start3A_417 = arith.constant 0 : i32
      %dma_start3A_418 = tpu.memref_slice %arg7[%dma_start3A_413, %dma_start3A_414, %dma_start3A_415, %dma_start3A_416, %dma_start3A_417] : memref<2x4x4x8x131xf32, #tpu.memory_space<vmem>> -> memref<1x1x4x8x128xf32, #tpu.memory_space<vmem>>
      %dma_start3A_419 = tpu.memref_squeeze %dma_start3A_418 : memref<1x1x4x8x128xf32, #tpu.memory_space<vmem>> -> memref<4x8x128xf32, #tpu.memory_space<vmem>>
      %dma_start3A_420 = arith.constant 0 : i32
      %dma_start3A_421 = arith.constant 0 : i32
      %dma_start3A_422 = arith.constant 0 : i32
      %dma_start3A_423 = tpu.memref_slice %arg4[%add3A_307, %dma_start3A_420, %add3A_412, %dma_start3A_421, %dma_start3A_422] : memref<50x4x128x8x128xf32, #tpu.memory_space<hbm>> -> memref<1x4x1x8x128xf32, #tpu.memory_space<hbm>>
      %dma_start3A_424 = tpu.memref_squeeze %dma_start3A_423 : memref<1x4x1x8x128xf32, #tpu.memory_space<hbm>> -> memref<4x8x128xf32, #tpu.memory_space<hbm>>
      %dma_start3A_425 = arith.constant 0 : i32
      %dma_start3A_426 = arith.constant 0 : i32
      %dma_start3A_427 = arith.constant 0 : i32
      %dma_start3A_428 = tpu.memref_slice %arg4[%add3A_307, %dma_start3A_425, %add3A_412, %dma_start3A_426, %dma_start3A_427] : memref<50x4x128x8x128xf32, #tpu.memory_space<hbm>> -> memref<1x4x1x8x128xf32, #tpu.memory_space<hbm>>
      %dma_start3A_429 = tpu.memref_squeeze %dma_start3A_428 : memref<1x4x1x8x128xf32, #tpu.memory_space<hbm>> -> memref<4x8x128xf32, #tpu.memory_space<hbm>>
      %dma_start3A_430 = arith.constant 0 : i32
      %dma_start3A_431 = arith.constant 0 : i32
      %dma_start3A_432 = arith.constant 0 : i32
      %dma_start3A_433 = tpu.memref_slice %arg7[%dma_start3A_413, %dma_start3A_414, %dma_start3A_430, %dma_start3A_431, %dma_start3A_432] : memref<2x4x4x8x131xf32, #tpu.memory_space<vmem>> -> memref<1x1x4x8x128xf32, #tpu.memory_space<vmem>>
      %dma_start3A_434 = tpu.memref_squeeze %dma_start3A_433 : memref<1x1x4x8x128xf32, #tpu.memory_space<vmem>> -> memref<4x8x128xf32, #tpu.memory_space<vmem>>
      tpu.enqueue_dma source(%dma_start3A_434 : memref<4x8x128xf32, #tpu.memory_space<vmem>>) target(%dma_start3A_429 : memref<4x8x128xf32, #tpu.memory_space<hbm>>) target_semaphore(%arg11 : memref<!tpu.dma_semaphore, #tpu.memory_space<semaphore_mem>>)
      %add3A_435 = arith.constant 2 : i32
      %add3A_436 = arith.addi %add3A_307, %add3A_435 : i32
      %lt3A_437 = arith.constant 50 : i32
      %lt3A_438 = arith.cmpi slt, %add3A_436, %lt3A_437 : i32
      %convert_element_type3A_439 = arith.extui %lt3A_438 : i1 to i32
      %cond3A_440 = arith.constant 0 : i32
      %cond3A_441 = arith.cmpi ne, %convert_element_type3A_439, %cond3A_440 : i32
      scf.if %cond3A_441 {
        %add3A_442 = arith.constant 2 : i32
        %add3A_443 = arith.addi %add3A_307, %add3A_442 : i32
        %dma_start3A_444 = arith.constant 0 : i32
        %dma_start3A_445 = arith.constant 1 : i32
        %dma_start3A_446 = arith.constant 0 : i32
        %dma_start3A_447 = arith.constant 0 : i32
        %dma_start3A_448 = tpu.memref_slice %arg6[%dma_start3A_445, %dma_start3A_446, %dma_start3A_447] : memref<2x512x32xf32, #tpu.memory_space<vmem>> -> memref<1x128x32xf32, #tpu.memory_space<vmem>>
        %dma_start3A_449 = tpu.memref_squeeze %dma_start3A_448 : memref<1x128x32xf32, #tpu.memory_space<vmem>> -> memref<128x32xf32, #tpu.memory_space<vmem>>
        %dma_start3A_450 = arith.constant 0 : i32
        %dma_start3A_451 = tpu.memref_slice %arg5[%add3A_443, %dma_start3A_444, %dma_start3A_450] : memref<50x4x128xi32, #tpu.memory_space<vmem>> -> memref<1x1x128xi32, #tpu.memory_space<vmem>>
        %dma_start3A_452 = tpu.memref_squeeze %dma_start3A_451 : memref<1x1x128xi32, #tpu.memory_space<vmem>> -> memref<128xi32, #tpu.memory_space<vmem>>
        %dma_start3A_453 = arith.constant 0 : i32
        %dma_start3A_454 = arith.constant 0 : i32
        %dma_start3A_455 = tpu.memref_slice %arg3[%dma_start3A_453, %dma_start3A_454] : memref<1000000x32xf32, #tpu.memory_space<hbm>> -> memref<1000000x32xf32, #tpu.memory_space<hbm>>
        tpu.enqueue_indirect_dma source(%dma_start3A_455 : memref<1000000x32xf32, #tpu.memory_space<hbm>>) target(%dma_start3A_449 : memref<128x32xf32, #tpu.memory_space<vmem>>) offsets(%dma_start3A_452 : memref<128xi32, #tpu.memory_space<vmem>>) semaphore(%arg9 : memref<!tpu.dma_semaphore, #tpu.memory_space<semaphore_mem>>)
        %dma_start3A_456 = arith.constant 1 : i32
        %dma_start3A_457 = arith.constant 1 : i32
        %dma_start3A_458 = arith.constant 128 : i32
        %dma_start3A_459 = arith.constant 0 : i32
        %dma_start3A_460 = tpu.memref_slice %arg6[%dma_start3A_457, %dma_start3A_458, %dma_start3A_459] : memref<2x512x32xf32, #tpu.memory_space<vmem>> -> memref<1x128x32xf32, #tpu.memory_space<vmem>>
        %dma_start3A_461 = tpu.memref_squeeze %dma_start3A_460 : memref<1x128x32xf32, #tpu.memory_space<vmem>> -> memref<128x32xf32, #tpu.memory_space<vmem>>
        %dma_start3A_462 = arith.constant 0 : i32
        %dma_start3A_463 = tpu.memref_slice %arg5[%add3A_443, %dma_start3A_456, %dma_start3A_462] : memref<50x4x128xi32, #tpu.memory_space<vmem>> -> memref<1x1x128xi32, #tpu.memory_space<vmem>>
        %dma_start3A_464 = tpu.memref_squeeze %dma_start3A_463 : memref<1x1x128xi32, #tpu.memory_space<vmem>> -> memref<128xi32, #tpu.memory_space<vmem>>
        %dma_start3A_465 = arith.constant 0 : i32
        %dma_start3A_466 = arith.constant 0 : i32
        %dma_start3A_467 = tpu.memref_slice %arg3[%dma_start3A_465, %dma_start3A_466] : memref<1000000x32xf32, #tpu.memory_space<hbm>> -> memref<1000000x32xf32, #tpu.memory_space<hbm>>
        tpu.enqueue_indirect_dma source(%dma_start3A_467 : memref<1000000x32xf32, #tpu.memory_space<hbm>>) target(%dma_start3A_461 : memref<128x32xf32, #tpu.memory_space<vmem>>) offsets(%dma_start3A_464 : memref<128xi32, #tpu.memory_space<vmem>>) semaphore(%arg9 : memref<!tpu.dma_semaphore, #tpu.memory_space<semaphore_mem>>)
        %dma_start3A_468 = arith.constant 2 : i32
        %dma_start3A_469 = arith.constant 1 : i32
        %dma_start3A_470 = arith.constant 256 : i32
        %dma_start3A_471 = arith.constant 0 : i32
        %dma_start3A_472 = tpu.memref_slice %arg6[%dma_start3A_469, %dma_start3A_470, %dma_start3A_471] : memref<2x512x32xf32, #tpu.memory_space<vmem>> -> memref<1x128x32xf32, #tpu.memory_space<vmem>>
        %dma_start3A_473 = tpu.memref_squeeze %dma_start3A_472 : memref<1x128x32xf32, #tpu.memory_space<vmem>> -> memref<128x32xf32, #tpu.memory_space<vmem>>
        %dma_start3A_474 = arith.constant 0 : i32
        %dma_start3A_475 = tpu.memref_slice %arg5[%add3A_443, %dma_start3A_468, %dma_start3A_474] : memref<50x4x128xi32, #tpu.memory_space<vmem>> -> memref<1x1x128xi32, #tpu.memory_space<vmem>>
        %dma_start3A_476 = tpu.memref_squeeze %dma_start3A_475 : memref<1x1x128xi32, #tpu.memory_space<vmem>> -> memref<128xi32, #tpu.memory_space<vmem>>
        %dma_start3A_477 = arith.constant 0 : i32
        %dma_start3A_478 = arith.constant 0 : i32
        %dma_start3A_479 = tpu.memref_slice %arg3[%dma_start3A_477, %dma_start3A_478] : memref<1000000x32xf32, #tpu.memory_space<hbm>> -> memref<1000000x32xf32, #tpu.memory_space<hbm>>
        tpu.enqueue_indirect_dma source(%dma_start3A_479 : memref<1000000x32xf32, #tpu.memory_space<hbm>>) target(%dma_start3A_473 : memref<128x32xf32, #tpu.memory_space<vmem>>) offsets(%dma_start3A_476 : memref<128xi32, #tpu.memory_space<vmem>>) semaphore(%arg9 : memref<!tpu.dma_semaphore, #tpu.memory_space<semaphore_mem>>)
        %dma_start3A_480 = arith.constant 3 : i32
        %dma_start3A_481 = arith.constant 1 : i32
        %dma_start3A_482 = arith.constant 384 : i32
        %dma_start3A_483 = arith.constant 0 : i32
        %dma_start3A_484 = tpu.memref_slice %arg6[%dma_start3A_481, %dma_start3A_482, %dma_start3A_483] : memref<2x512x32xf32, #tpu.memory_space<vmem>> -> memref<1x128x32xf32, #tpu.memory_space<vmem>>
        %dma_start3A_485 = tpu.memref_squeeze %dma_start3A_484 : memref<1x128x32xf32, #tpu.memory_space<vmem>> -> memref<128x32xf32, #tpu.memory_space<vmem>>
        %dma_start3A_486 = arith.constant 0 : i32
        %dma_start3A_487 = tpu.memref_slice %arg5[%add3A_443, %dma_start3A_480, %dma_start3A_486] : memref<50x4x128xi32, #tpu.memory_space<vmem>> -> memref<1x1x128xi32, #tpu.memory_space<vmem>>
        %dma_start3A_488 = tpu.memref_squeeze %dma_start3A_487 : memref<1x1x128xi32, #tpu.memory_space<vmem>> -> memref<128xi32, #tpu.memory_space<vmem>>
        %dma_start3A_489 = arith.constant 0 : i32
        %dma_start3A_490 = arith.constant 0 : i32
        %dma_start3A_491 = tpu.memref_slice %arg3[%dma_start3A_489, %dma_start3A_490] : memref<1000000x32xf32, #tpu.memory_space<hbm>> -> memref<1000000x32xf32, #tpu.memory_space<hbm>>
        tpu.enqueue_indirect_dma source(%dma_start3A_491 : memref<1000000x32xf32, #tpu.memory_space<hbm>>) target(%dma_start3A_485 : memref<128x32xf32, #tpu.memory_space<vmem>>) offsets(%dma_start3A_488 : memref<128xi32, #tpu.memory_space<vmem>>) semaphore(%arg9 : memref<!tpu.dma_semaphore, #tpu.memory_space<semaphore_mem>>)
      } else {
      }
    }
    %scan3A_120 = arith.constant 25 : i32
    %mul3A_121 = arith.constant 4 : i32
    %mul3A_122 = arith.muli %add3A, %mul3A_121 : i32
    %dma_wait3A = arith.constant 0 : i32
    %dma_wait3A_123 = arith.constant 0 : i32
    %dma_wait3A_124 = arith.constant 0 : i32
    %dma_wait3A_125 = arith.constant 0 : i32
    %dma_wait3A_126 = arith.constant 0 : i32
    %dma_wait3A_127 = arith.constant 0 : i32
    %dma_wait3A_128 = tpu.memref_slice %arg7[%dma_wait3A, %dma_wait3A_124, %dma_wait3A_125, %dma_wait3A_126, %dma_wait3A_127] : memref<2x4x4x8x131xf32, #tpu.memory_space<vmem>> -> memref<1x4x4x8x128xf32, #tpu.memory_space<vmem>>
    %dma_wait3A_129 = tpu.memref_squeeze %dma_wait3A_128 : memref<1x4x4x8x128xf32, #tpu.memory_space<vmem>> -> memref<4x4x8x128xf32, #tpu.memory_space<vmem>>
    %dma_wait3A_130 = arith.constant 0 : i32
    %dma_wait3A_131 = arith.constant 0 : i32
    %dma_wait3A_132 = arith.constant 0 : i32
    %dma_wait3A_133 = tpu.memref_slice %arg4[%dma_wait3A_123, %dma_wait3A_130, %mul3A_122, %dma_wait3A_131, %dma_wait3A_132] : memref<50x4x128x8x128xf32, #tpu.memory_space<hbm>> -> memref<1x4x4x8x128xf32, #tpu.memory_space<hbm>>
    %dma_wait3A_134 = tpu.memref_squeeze %dma_wait3A_133 : memref<1x4x4x8x128xf32, #tpu.memory_space<hbm>> -> memref<4x4x8x128xf32, #tpu.memory_space<hbm>>
    %dma_wait3A_135 = arith.constant 0 : i32
    %dma_wait3A_136 = arith.constant 0 : i32
    %dma_wait3A_137 = arith.constant 0 : i32
    %dma_wait3A_138 = tpu.memref_slice %arg4[%dma_wait3A_123, %dma_wait3A_135, %mul3A_122, %dma_wait3A_136, %dma_wait3A_137] : memref<50x4x128x8x128xf32, #tpu.memory_space<hbm>> -> memref<1x4x4x8x128xf32, #tpu.memory_space<hbm>>
    %dma_wait3A_139 = tpu.memref_squeeze %dma_wait3A_138 : memref<1x4x4x8x128xf32, #tpu.memory_space<hbm>> -> memref<4x4x8x128xf32, #tpu.memory_space<hbm>>
    %dma_wait3A_140 = arith.constant 0 : i32
    %dma_wait3A_141 = arith.constant 0 : i32
    %dma_wait3A_142 = arith.constant 0 : i32
    %dma_wait3A_143 = arith.constant 0 : i32
    %dma_wait3A_144 = tpu.memref_slice %arg7[%dma_wait3A, %dma_wait3A_140, %dma_wait3A_141, %dma_wait3A_142, %dma_wait3A_143] : memref<2x4x4x8x131xf32, #tpu.memory_space<vmem>> -> memref<1x4x4x8x128xf32, #tpu.memory_space<vmem>>
    %dma_wait3A_145 = tpu.memref_squeeze %dma_wait3A_144 : memref<1x4x4x8x128xf32, #tpu.memory_space<vmem>> -> memref<4x4x8x128xf32, #tpu.memory_space<vmem>>
    tpu.wait_dma2 semaphore(%arg10 : memref<!tpu.dma_semaphore, #tpu.memory_space<semaphore_mem>>) src(%dma_wait3A_145 : memref<4x4x8x128xf32, #tpu.memory_space<vmem>>) dst(%dma_wait3A_139 : memref<4x4x8x128xf32, #tpu.memory_space<hbm>>)
    %mul3A_146 = arith.constant 4 : i32
    %mul3A_147 = arith.muli %add3A, %mul3A_146 : i32
    %dma_wait3A_148 = arith.constant 1 : i32
    %dma_wait3A_149 = arith.constant 0 : i32
    %dma_wait3A_150 = arith.constant 0 : i32
    %dma_wait3A_151 = arith.constant 0 : i32
    %dma_wait3A_152 = arith.constant 0 : i32
    %dma_wait3A_153 = arith.constant 0 : i32
    %dma_wait3A_154 = tpu.memref_slice %arg7[%dma_wait3A_148, %dma_wait3A_150, %dma_wait3A_151, %dma_wait3A_152, %dma_wait3A_153] : memref<2x4x4x8x131xf32, #tpu.memory_space<vmem>> -> memref<1x4x4x8x128xf32, #tpu.memory_space<vmem>>
    %dma_wait3A_155 = tpu.memref_squeeze %dma_wait3A_154 : memref<1x4x4x8x128xf32, #tpu.memory_space<vmem>> -> memref<4x4x8x128xf32, #tpu.memory_space<vmem>>
    %dma_wait3A_156 = arith.constant 0 : i32
    %dma_wait3A_157 = arith.constant 0 : i32
    %dma_wait3A_158 = arith.constant 0 : i32
    %dma_wait3A_159 = tpu.memref_slice %arg4[%dma_wait3A_149, %dma_wait3A_156, %mul3A_147, %dma_wait3A_157, %dma_wait3A_158] : memref<50x4x128x8x128xf32, #tpu.memory_space<hbm>> -> memref<1x4x4x8x128xf32, #tpu.memory_space<hbm>>
    %dma_wait3A_160 = tpu.memref_squeeze %dma_wait3A_159 : memref<1x4x4x8x128xf32, #tpu.memory_space<hbm>> -> memref<4x4x8x128xf32, #tpu.memory_space<hbm>>
    %dma_wait3A_161 = arith.constant 0 : i32
    %dma_wait3A_162 = arith.constant 0 : i32
    %dma_wait3A_163 = arith.constant 0 : i32
    %dma_wait3A_164 = tpu.memref_slice %arg4[%dma_wait3A_149, %dma_wait3A_161, %mul3A_147, %dma_wait3A_162, %dma_wait3A_163] : memref<50x4x128x8x128xf32, #tpu.memory_space<hbm>> -> memref<1x4x4x8x128xf32, #tpu.memory_space<hbm>>
    %dma_wait3A_165 = tpu.memref_squeeze %dma_wait3A_164 : memref<1x4x4x8x128xf32, #tpu.memory_space<hbm>> -> memref<4x4x8x128xf32, #tpu.memory_space<hbm>>
    %dma_wait3A_166 = arith.constant 0 : i32
    %dma_wait3A_167 = arith.constant 0 : i32
    %dma_wait3A_168 = arith.constant 0 : i32
    %dma_wait3A_169 = arith.constant 0 : i32
    %dma_wait3A_170 = tpu.memref_slice %arg7[%dma_wait3A_148, %dma_wait3A_166, %dma_wait3A_167, %dma_wait3A_168, %dma_wait3A_169] : memref<2x4x4x8x131xf32, #tpu.memory_space<vmem>> -> memref<1x4x4x8x128xf32, #tpu.memory_space<vmem>>
    %dma_wait3A_171 = tpu.memref_squeeze %dma_wait3A_170 : memref<1x4x4x8x128xf32, #tpu.memory_space<vmem>> -> memref<4x4x8x128xf32, #tpu.memory_space<vmem>>
    tpu.wait_dma2 semaphore(%arg11 : memref<!tpu.dma_semaphore, #tpu.memory_space<semaphore_mem>>) src(%dma_wait3A_171 : memref<4x4x8x128xf32, #tpu.memory_space<vmem>>) dst(%dma_wait3A_165 : memref<4x4x8x128xf32, #tpu.memory_space<hbm>>)
    return
  }
}

</mosaic_0001>

<sc_bundles>
// kernel: kernel.4.cloned.1.call-start
scs
__scs_entry_jumppad:
0x0: {  	(pc) =	sbr.rel $0x88, $3  }
0x1: {  	(tag) =	ssettag $0x0;
	lr =	simm.s32 $0x1  }
0x2: {  	[smem:$0x3F9F] =	sst lr;
	_ =	strace $0xD0000000  }
0x3: {  	_ = 	snop  }
0x4: {  	_ = 	snop  }
0x5: {  	_ = 	snop  }
0x6: {  	_ = 	snop  }
0x7: {  	_ = 	snop  }
__scs_overlays_trampoline_lowered:
0x8: {  	[smem:$0x3FAE] =	sst s0  }
0x9: {  	[smem:$0x3FAF] =	sst s1  }
0xa: {  	[smem:$0x3FB0] =	sst s2  }
0xb: {  	[smem:$0x3FB1] =	sst s3  }
0xc: {  	[smem:$0x3FB2] =	sst s4  }
0xd: {  	[smem:$0x3FB3] =	sst s5  }
0xe: {  	[smem:$0x3FB4] =	sst s6  }
0xf: {  	[smem:$0x3FB5] =	sst s7  }
0x10: {  	[smem:$0x3FB6] =	sst s8  }
0x11: {  	[smem:$0x3FB7] =	sst s9;
	s0 =	simm.s32 @!p0 $0x0  }
0x12: {  	s1 =	sld [smem:$0x3F9D];
	s0 =	simm.s32 @p0 $0x1  }
0x13: {  	[smem:$0x3FB8] =	sst s0;
	s0 =	simm.s32 @!p1 $0x0  }
0x14: {  	s2 =	sld [smem:$0x3F9C];
	s0 =	simm.s32 @p1 $0x1  }
0x15: {  	[smem:$0x3FB9] =	sst s0;
	s0 =	simm.s32 @!p2 $0x0  }
0x16: {  	s3 =	sld [smem:$0x3FDB];
	s0 =	simm.s32 @p2 $0x1  }
0x17: {  	s4 =	simm.s32 $0x1BF5;
	[smem:$0x3FBB] =	sst s0  }
0x18: {  	s0 =	sld [smem:$0x3F9E];
	_ =	swait.ge [sflag:s4], $0x0  }
0x19: {  	s7 =	sld [smem:$0x3F9F]  }
0x1a: {  	s8 =	sadd.s32 $0xFFFFE003, lr  }
0x1b: {  	s9 =	sadd.s32 $0xFFFFFEF7, lr;
	s5 =	simm.s32 $0xFFFFFFFF;
	p2 =	slt.u32 s8, $0xFFFFF086  }
0x1c: {  	p1 =	slt.u32 s9, $0xF7A;
	s5 =	simm.s32 @!p2 $0x0  }
0x1d: {  	s5 =	simm.s32 @p1 $0x1;
	p0 =	seq.s32 s7, s2  }
0x1e: {  	s7 =	smul.u32 @!p0 $0xF7A, s2;
	p2 =	seq.s32 @!p0 s5, $0x0  }
0x1f: {  	s9 =	smul.u32 $0xF7A, s1;
	s8 =	simm.s32 @!p0 $0x1BF5;
	p2 =	por !p2, p0  }
0x20: {  	[sflag:s8] =	ssyncset.s32 @!p0 $0xFFFFF086;
	s6 =	sadd.s32 @!p0 s3, s7;
	s7 =	simm.s32 @!p0 $0x108  }
0x21: {  	s3 =	sadd.s32 s3, s9;
	s6 =	sadd.s32 @!p0 $0x88, s6;
	s7 =	simm.s32 @p2 $0x1082  }
0x22: {  	[simem:s7], [sflag:s8] =	dma.local @!p0 [hbm:s6], $0xF7A  }
0x23: {  	s9 =	sor.u32 $0xD0000000, s2;
	s6 =	simm.s32 $0x108;
	_ =	swait.ge @!p0 [sflag:s8], $0x0  }
0x24: {  	s3 =	sadd.s32 $0x88, s3;
	s6 =	simm.s32 @!p1 $0x1082;
	[sflag:s4] =	ssyncset.s32 $0xFFFFF086  }
0x25: {  	[simem:s6], [sflag:s4] =	dma.local [hbm:s3], $0xF7A  }
0x26: {  	[smem:$0x3F9F] =	sst s1;
	(tag) =	ssettag s2;
	_ =	strace s9  }
0x27: {  	s1 =	sld [smem:$0x3FAF]  }
0x28: {  	s2 =	sld [smem:$0x3FB0]  }
0x29: {  	s4 =	sld [smem:$0x3FB2]  }
0x2a: {  	p0 =	seq.s32 s5, $0x0;
	s5 =	sld [smem:$0x3FB3]  }
0x2b: {  	s6 =	sld [smem:$0x3FB4]  }
0x2c: {  	s7 =	sld [smem:$0x3FB5]  }
0x2d: {  	s3 =	simm.s32 $0x108;
	s8 =	sld [smem:$0x3FB6]  }
0x2e: {  	s3 =	simm.s32 @!p0 $0x1082;
	s9 =	sld [smem:$0x3FB7]  }
0x2f: {  	lr =	sadd.s32 s0, s3;
	s0 =	sld [smem:$0x3FAE]  }
0x30: {  	s3 =	sld [smem:$0x3FB1]  }
0x31: {  	[smem:$0x3FBA] =	sst s10  }
0x32: {  	s10 =	sld [smem:$0x3FB8];
	_ =	sdelay $0x3  }
0x33: {  	p0 =	seq.s32 s10, $0x1;
	s10 =	sld [smem:$0x3FBA];
	_ =	sdelay $0x3  }
0x34: {  	[smem:$0x3FBA] =	sst s10  }
0x35: {  	s10 =	sld [smem:$0x3FB9];
	_ =	sdelay $0x3  }
0x36: {  	p1 =	seq.s32 s10, $0x1;
	s10 =	sld [smem:$0x3FBA];
	_ =	sdelay $0x3  }
0x37: {  	[smem:$0x3FBA] =	sst s10  }
0x38: {  	s10 =	sld [smem:$0x3FBB]  }
0x39: {  	_ = 	snop;
	(pc) =	sbr.ind lr, $3  }
0x3a: {  	_ = 	snop  }
0x3b: {  	_ = 	snop  }
0x3c: {  	p2 =	seq.s32 s10, $0x1;
	s10 =	sld [smem:$0x3FBA]  }
0x3d: {  	_ =	shalt  }
0x3e: {  	_ =	shalt  }
0x3f: {  	_ =	shalt  }
0x40: {  	_ =	shalt  }
0x41: {  	_ =	shalt  }
0x42: {  	_ =	shalt  }
0x43: {  	_ =	shalt  }
0x44: {  	_ =	shalt  }
0x45: {  	_ =	shalt  }
0x46: {  	_ =	shalt  }
0x47: {  	_ =	shalt  }
0x48: {  	_ =	shalt  }
0x49: {  	_ =	shalt  }
0x4a: {  	_ =	shalt  }
0x4b: {  	_ =	shalt  }
0x4c: {  	_ =	shalt  }
0x4d: {  	_ =	shalt  }
0x4e: {  	_ =	shalt  }
0x4f: {  	_ =	shalt  }
0x50: {  	_ =	shalt  }
0x51: {  	_ =	shalt  }
0x52: {  	_ =	shalt  }
0x53: {  	_ =	shalt  }
0x54: {  	_ =	shalt  }
0x55: {  	_ =	shalt  }
0x56: {  	_ =	shalt  }
0x57: {  	_ =	shalt  }
0x58: {  	_ =	shalt  }
0x59: {  	_ =	shalt  }
0x5a: {  	_ =	shalt  }
0x5b: {  	_ =	shalt  }
0x5c: {  	_ =	shalt  }
0x5d: {  	_ =	shalt  }
0x5e: {  	_ =	shalt  }
0x5f: {  	_ =	shalt  }
0x60: {  	_ =	shalt  }
0x61: {  	_ =	shalt  }
0x62: {  	_ =	shalt  }
0x63: {  	_ =	shalt  }
0x64: {  	_ =	shalt  }
0x65: {  	_ =	shalt  }
0x66: {  	_ =	shalt  }
0x67: {  	_ =	shalt  }
0x68: {  	_ =	shalt  }
0x69: {  	_ =	shalt  }
0x6a: {  	_ =	shalt  }
0x6b: {  	_ =	shalt  }
0x6c: {  	_ =	shalt  }
0x6d: {  	_ =	shalt  }
0x6e: {  	_ =	shalt  }
0x6f: {  	_ =	shalt  }
0x70: {  	_ =	shalt  }
0x71: {  	_ =	shalt  }
0x72: {  	_ =	shalt  }
0x73: {  	_ =	shalt  }
0x74: {  	_ =	shalt  }
0x75: {  	_ =	shalt  }
0x76: {  	_ =	shalt  }
0x77: {  	_ =	shalt  }
0x78: {  	_ =	shalt  }
0x79: {  	_ =	shalt  }
0x7a: {  	_ =	shalt  }
0x7b: {  	_ =	shalt  }
0x7c: {  	_ =	shalt  }
0x7d: {  	_ =	shalt  }
0x7e: {  	_ =	shalt  }
0x7f: {  	_ =	shalt  }
0x80: {  	_ =	shalt  }
0x81: {  	_ =	shalt  }
0x82: {  	_ =	shalt  }
0x83: {  	_ =	shalt  }
0x84: {  	_ =	shalt  }
0x85: {  	_ =	shalt  }
0x86: {  	_ =	shalt  }
0x87: {  	_ =	shalt  }
.Lfunc_end0:
.L_simem_size_0:
called_computation_lowered:
.L_overlay_start_0:
0x88: {  	s2 =	sld [smem:$0x3FD9]  }
0x89: {  	s3 =	sld [smem:$0x3FFE];
	_ =	sdelay $0x1  }
0x8a: {  	s1 =	srdreg.scid  }
0x8b: {  	s0 =	sand.u32 $0x1, s1  }
0x8c: {  	s17 =	sshll.u32 s0, $0xA;
	s2 =	sadd.s32 s3, s2  }
0x8d: {  	s2 =	sadd.s32 s2, s17  }
0x8e: {  	[smem:$0x3FC6] =	sst s2  }
0x8f: {  	_ = 	snop  }
0x90: {  	s2 =	sld [smem:$0x3FC8]  }
0x91: {  	s18 =	sld [smem:$0x3FD0];
	(tm) =	ssettm $0x1  }
0x92: {  	s4 =	sld [smem:$0x3FFB];
	_ =	sdelay $0x3  }
0x93: {  	_ =	strace s4  }
0x94: {  	s4 =	sld [smem:$0x3FFC];
	_ =	sdelay $0x3  }
0x95: {  	_ =	strace s4  }
0x96: {  	s4 =	sld [smem:$0x3FFD];
	_ =	sdelay $0x3  }
0x97: {  	_ =	strace s4  }
0x98: {  	_ =	strace $0x8FFFFFFF  }
0x99: {  	s19 =	sld [smem:$0x3FDB];
	_ =	sdelay $0x1  }
0x9a: {  	s5 =	simm.s32 $_scs_section_size  }
0x9b: {  	s6 =	simm.s32 $_size__tile_overlayer_lowered;
	s7 =	simm.s32 $_tile_overlayer_lowered  }
0x9c: {  	s22 =	simm.s32 $0x1BFF;
	s21 =	sshll.u32 s7, $0x1;
	s4 =	sadd.s32 s5, s19  }
0x9d: {  	s8 =	simm.s32 $0x0;
	s20 =	sshll.u32 s6, $0x1;
	s6 =	sadd.s32 s21, s4  }
0x9e: {  	[timem:s8], [sflag:s22] =	dma.local [hbm:s6], s20  }
0x9f: {  	_ =	swait.ge [sflag:s22], s20  }
0xa0: {  	s5 =	ssub.s32 $0x0, s20;
	[sflag:s22] =	ssyncset.done $0x0  }
0xa1: {  	[sflag:s22] =	ssyncadd.s32 s5;
	_ =	sdelay $0x1  }
0xa2: {  	s23 =	simm.s32 $0x1B8B  }
0xa3: {  	_ =	swait.ge [sflag:s23], $0x1  }
0xa4: {  	[sflag:s23] =	ssyncset.done $0x0  }
0xa5: {  	s25 =	simm.s32 $0x1B8E;
	s24 =	sld [smem:$0x3FFE];
	[sflag:s23] =	ssyncadd.s32 $0xFFFFFFFF  }
0xa6: {  	s26 =	simm.s32 $execute0_lowered;
	[smem:$0x3FD2] =	sst s25  }
0xa7: {  	s6 =	sshll.u32 s26, $0x1;
	_ =	strace $0x80000046;
	[dreg:$0x1] =	wrdreg $0xFFFFFFFF  }
0xa8: {  	s28 =	simm.s32 $_size_execute0_lowered;
	s4 =	sadd.s32 s4, s6;
	[dreg:$0x0] =	wrdreg $0x0  }
0xa9: {  	s6 =	sshll.u32 s28, $0x1;
	[dreg:$0x2] =	wrdreg s4  }
0xaa: {  	[dreg:$0x3] =	wrdreg s6  }
0xab: {  	[dreg:$0x4] =	wrdreg $0xC0  }
0xac: {  	_ =	task [dreg:s8], $0x5FFFF  }
0xad: {  	[dreg:$0x1] =	wrdreg $0xFFFFFFFF  }
0xae: {  	[dreg:$0x0] =	wrdreg $0x60  }
0xaf: {  	[dreg:$0x2] =	wrdreg s2  }
0xb0: {  	[dreg:$0x3] =	wrdreg s18  }
0xb1: {  	[dreg:$0x4] =	wrdreg s24  }
0xb2: {  	[dreg:$0x5] =	wrdreg $0x9  }
0xb3: {  	_ =	task.clear_ibuf [dreg:s8], $0x6FFFF;
	_ =	strace $0x90000046  }
0xb4: {  	s29 =	simm.s32 $0x9;
	_ =	strace $0x80000048  }
0xb5: {  	_ =	swait.ge [sflag:s29], $0x1  }
0xb6: {  	[sflag:s29] =	ssyncadd.s32 $0xFFFFFFFF  }
0xb7: {  	_ =	strace $0x90000048  }
0xb8: {  	_ =	sfence  }
0xb9: {  	s30 =	sld [smem:$0x0];
	_ =	sdelay $0x2  }
0xba: {  	s31 =	sshll.u32 s1, $0xD;
	s1 =	sshrl.u32 s1, $0x2  }
0xbb: {  	s3 =	sand.u32 $0x4000, s31;
	s1 =	sadd.s32 s1, s30  }
0xbc: {  	s0 =	sor.u32 s3, s0;
	s1 =	sshll.u32 s1, $0x11  }
0xbd: {  	s0 =	sor.u32 s1, s0  }
0xbe: {  	s0 =	sadd.s32 $0x8F2B, s0  }
0xbf: {  	[sflag:s0] =	ssyncadd.remote.s32 $0x1  }
0xc0: {  	_ =	sfence.sel $0xFFFF  }
0xc1: {  	[dreg:$0x0] =	wrdreg $0xFFFFFFFF;
	(pc) =	sbr.abs _section_cstart, $3  }
0xc2: {  	[dreg:$0x1] =	wrdreg $0xFFFFFFFF  }
0xc3: {  	_ =	task.clear_ibuf [dreg:s8], $0x2FFFF;
	_ =	strace $0x9FFFFFFF  }
0xc4: {  	(tm) =	ssettm $0x7FFFFFFF  }
0xc5: {  	_ =	shalt  }
tec
execute0_lowered:
.L_overlay_start_1:
0x0: {  	(tag) =	ssettag $0x1  }
0x1: {  	s1 =	rddreg [dreg:$0x0];
	s0 =	srdreg.scid  }
0x2: {  	s3 =	stileid.u32;
	s2 =	rddreg [dreg:$0x2]  }
0x3: {  	s4 =	simm.s32 $0x0;
	s28 =	simm.s32 $0x6000;
	s29 =	simm.s32 $0x4000  }
0x4: {  	s30 =	simm.s32 $0x2;
	s0 =	sand.u32 $0x1, s0;
	s3 =	sshll.u32 s3, $0x1  }
0x5: {  	[smem:$0x7FF] =	sst s4;
	s7 =	sadd.s32 $0xA00, s2;
	s5 =	sor.u32 s0, s3  }
0x6: {  	s2 =	sadd.s32 $0x3D1200, s2;
	s0 =	ssub.s32 $0x2, s0;
	s3 =	sshll.u32 s5, $0x7  }
0x7: {  	_ =	strace $0x80000047;
	s8 =	sshrl.u32 s0, $0x1;
	s6 =	sadd.s32 s1, s3  }
0x8: {  	[dreg:$0x5] =	wrdreg s2;
	s0 =	ssub.s32 s0, s8;
	s3 =	sadd.s32 $0x1000, s6  }
0x9: {  	s31 =	simm.s32 $0x7080;
	s0 =	smax.u32 s0, $0x1;
	[dreg:$0x4] =	wrdreg s3  }
0xa: {  	s19 =	simm.s32 $0x0;
	s22 =	sadd.s32 $0x1E8500, s6;
	[dreg:$0x6] =	wrdreg s0  }
0xb: {  	s2 =	simm.s32 $0x5000;
	s23 =	sadd.s32 $0x2DC780, s6;
	[dreg:$0x7] =	wrdreg s22  }
.Ltmp0:
0xc: {  	s24 =	sadd.s32 $0xF4280, s6;
	[dreg:$0x8] =	wrdreg s23;
	(pc) =	sbr.rel .LBB2_1-.Ltmp0, $4  }
0xd: {  	s9 =	sor.u32 $0x40, s5;
	s25 =	sadd.s32 $0xF5280, s6;
	[dreg:$0x9] =	wrdreg s24  }
0xe: {  	v0 =	vlaneseq.u32;
	s10 =	sor.u32 $0x60, s5;
	s26 =	sadd.s32 $0x1E9500, s6;
	[dreg:$0xa] =	wrdreg s25  }
0xf: {  	v0 =	vmul.u32 $0x21, v0;
	p0 =	sne.s32 s5, $0x0;
	s18 =	sadd.s32 $0x2DD780, s6;
	[dreg:$0xb] =	wrdreg s26  }
0x10: {  	s26 =	simm.s32 $0x1;
	s0 =	simm.s32 $0x3;
	s3 =	simm.s32 $0x4  }
.LBB2_15:
0x11: {  	_ =	swait.ge [sflag:s0], $0x1000  }
0x12: {  	[sflag:s0] =	ssyncset.done $0x0  }
0x13: {  	[sflag:s0] =	ssyncadd.s32 $0xFFFFF000  }
0x14: {  	_ =	swait.ge [sflag:s3], $0x1000  }
0x15: {  	[sflag:s3] =	ssyncset.done $0x0  }
0x16: {  	[sflag:s3] =	ssyncadd.s32 $0xFFFFF000  }
0x17: {  	s8 =	simm.s32 @!p0 $0x0;
	s11 =	simm.s32 @!p0 $0x4000;
	s12 =	rddreg [dreg:$0x1]  }
0x18: {  	[tilespmem:s11], [sflag:$0x5] =	stream.linear.gather @!p0 [hbm4b:s12+s8], $0x800, $0x38;
	[tilespmem:$0x8100] =	vst v63  }
0x19: {  	s12 =	simm.s32 @!p0 $0x5  }
0x1a: {  	_ =	swait.ge @!p0 [sflag:s12], $0x800  }
0x1b: {  	[sflag:s12] =	ssyncset.done @!p0 $0x0  }
0x1c: {  	s13 =	rddreg [dreg:$0x5];
	[sflag:s12] =	ssyncadd.s32 @!p0 $0xFFFFF800  }
0x1d: {  	[hbm4b:s13+s8] =	stream.linear.scatter @!p0 [tilespmem:s11], [sflag:$0x5], $0x800, $0x38;
	[tilespmem:$0x8100] =	vst v63  }
0x1e: {  	_ =	swait.ge @!p0 [sflag:s12], $0x800  }
0x1f: {  	s19 =	sadd.s32 $0x1, s19;
	s25 =	rddreg [dreg:$0x6]  }
0x20: {  	p1 =	sne.s32 s19, s25  }
.Ltmp1:
0x21: {  	_ = 	snop;
	(pc) =	sbr.rel @!p1 .LBB2_16-.Ltmp1, $3  }
0x22: {  	_ =	sdelay $0x1  }
0x23: {  	[sflag:s12] =	ssyncset.done @!p0 $0x0  }
0x24: {  	[sflag:s12] =	ssyncadd.s32 @!p0 $0xFFFFF800  }
.LBB2_1:
0x25: {  	[tilespmem:s4], [sflag:$0x1] =	stream.linear.gather [hbm4b:s6+s4], $0x400, $0x38;
	[tilespmem:$0x8100] =	vst v63  }
0x26: {  	s8 =	rddreg [dreg:$0x9];
	s11 =	simm.s32 $0x800  }
0x27: {  	[tilespmem:s11], [sflag:$0x1] =	stream.linear.gather [hbm4b:s8+s4], $0x400, $0x38;
	[tilespmem:$0x8100] =	vst v63  }
0x28: {  	s13 =	rddreg [dreg:$0x7];
	s14 =	simm.s32 $0x1000  }
0x29: {  	[tilespmem:s14], [sflag:$0x1] =	stream.linear.gather [hbm4b:s13+s4], $0x400, $0x38;
	[tilespmem:$0x8100] =	vst v63  }
0x2a: {  	s15 =	rddreg [dreg:$0x8];
	s16 =	simm.s32 $0x1800  }
0x2b: {  	[tilespmem:s16], [sflag:$0x1] =	stream.linear.gather [hbm4b:s15+s4], $0x400, $0x38;
	[tilespmem:$0x8100] =	vst v63  }
0x2c: {  	s17 =	rddreg [dreg:$0x4];
	s20 =	simm.s32 $0x2000  }
0x2d: {  	[tilespmem:s20], [sflag:$0x2] =	stream.linear.gather [hbm4b:s17+s4], $0x400, $0x38;
	[tilespmem:$0x8100] =	vst v63  }
0x2e: {  	s21 =	rddreg [dreg:$0xa];
	s22 =	simm.s32 $0x2800  }
0x2f: {  	[tilespmem:s22], [sflag:$0x2] =	stream.linear.gather [hbm4b:s21+s4], $0x400, $0x38;
	[tilespmem:$0x8100] =	vst v63  }
.Ltmp2:
0x30: {  	_ = 	snop;
	(pc) =	sbr.rel .LBB2_2-.Ltmp2, $4  }
0x31: {  	s23 =	rddreg [dreg:$0xb];
	s24 =	simm.s32 $0x3000  }
0x32: {  	[tilespmem:s24], [sflag:$0x2] =	stream.linear.gather [hbm4b:s23+s4], $0x400, $0x38;
	[tilespmem:$0x8100] =	vst v63  }
0x33: {  	s25 =	simm.s32 $0x3800;
	s20 =	simm.s32 $0x0  }
0x34: {  	[tilespmem:s25], [sflag:$0x2] =	stream.linear.gather [hbm4b:s18+s4], $0x400, $0x38;
	[tilespmem:$0x8100] =	vst v63  }
.LBB2_14:
0x35: {  	s20 =	sadd.s32 $0x1, s20  }
0x36: {  	p1 =	sne.s32 s20, $0x7B  }
.Ltmp3:
0x37: {  	_ = 	snop;
	(pc) =	sbr.rel @!p1 .LBB2_15-.Ltmp3, $1  }
0x38: {  	_ =	sdelay $0x3  }
.LBB2_2:
0x39: {  	s21 =	sshll.u32 s20, $0x6  }
0x3a: {  	s22 =	sor.u32 s5, s21  }
0x3b: {  	p2 =	sgt.u32 s22, $0x1E83  }
.Ltmp4:
0x3c: {  	_ = 	snop;
	(pc) =	sbr.rel @p2 .LBB2_8-.Ltmp4, $2  }
0x3d: {  	_ =	sdelay $0x2  }
0x3e: {  	p1 =	seq.s32 s20, $0x0  }
0x3f: {  	_ =	swait.ge [sflag:s26], $0x1000  }
0x40: {  	[sflag:s26] =	ssyncset.done $0x0  }
0x41: {  	s8 =	simm.s32 @!p1 $0x3;
	[sflag:s26] =	ssyncadd.s32 $0xFFFFF000  }
0x42: {  	s11 =	simm.s32 $0x0;
	_ =	swait.ge @!p1 [sflag:s8], $0x1000  }
0x43: {  	s12 =	sand.u32 $0x1800, s11;
	s11 =	sand.u32 $0x380, s11;
	[sflag:s8] =	ssyncset.done @!p1 $0x0  }
0x44: {  	s24 =	simm.s32 $0xE70;
	s25 =	sor.u32 s11, s12;
	[sflag:s8] =	ssyncadd.s32 @!p1 $0xFFFFF000  }
0x45: {  	v13 =	vadd.s32 s24, v0;
	s12 =	simm.s32 $0x840;
	v12 =	vld [tilespmem:s25+$0x70]  }
0x46: {  	s14 =	simm.s32 $0xC60;
	v5 =	vadd.s32 s12, v0;
	v2 =	vld [tilespmem:s25+$0x40]  }
0x47: {  	s13 =	simm.s32 $0xA50;
	s15 =	simm.s32 $0x630;
	v7 =	vadd.s32 s14, v0;
	v3 =	vld [tilespmem:s25+$0x60]  }
0x48: {  	s23 =	simm.s32 $0x4040;
	s16 =	simm.s32 $0x0;
	s17 =	simm.s32 $0x420;
	v6 =	vadd.s32 s13, v0;
	v4 =	vld [tilespmem:s25+$0x50]  }
0x49: {  	s24 =	simm.s32 $0x6042;
	v9 =	vadd.s32 s15, v0;
	s14 =	simm.s32 $0x210;
	s13 =	simm.s32 $0x100;
	v8 =	vld [tilespmem:s25+$0x30]  }
0x4a: {  	v1 =	vadd.s32 s16, v0;
	v11 =	vadd.s32 s17, v0;
	s11 =	simm.s32 $0xE71;
	s12 =	simm.s32 $0x80;
	s8 =	simm.s32 $0x0;
	v10 =	vld [tilespmem:s25+$0x20];
	[tilespmem:v13+s28+$0x0] =	vst.idx.msk $0xffff, v12  }
.LBB2_4:
0x4b: {  	s15 =	sand.u32 $0x1800, s13;
	s16 =	sand.u32 $0x380, s12;
	s8 =	sadd.s32 $0x8, s8;
	v12 =	vld [tilespmem:s25+$0x10];
	v13 =	vadd.s32 s14, v0;
	[tilespmem:v5+s28+$0x0] =	vst.idx.msk $0xffff, v2  }
0x4c: {  	s14 =	smov.u32 s11;
	p2 =	slt.u32 s8, $0xF8;
	v14 =	vld [tilespmem:s25+$0x0];
	s25 =	sor.u32 s16, s15;
	[tilespmem:v7+s28+$0x0] =	vst.idx.msk $0xffff, v3  }
0x4d: {  	v16 =	vadd.s32 s11, v0;
	s15 =	sadd.s32 $0xFFFFF9D0, s11;
	v15 =	vld [tilespmem:s25+$0x70];
	[tilespmem:v6+s28+$0x0] =	vst.idx.msk $0xffff, v4  }
.Ltmp5:
0x4e: {  	v5 =	vadd.s32 s15, v0;
	s15 =	sadd.s32 $0xFFFFFDF0, s11;
	v2 =	vld [tilespmem:s25+$0x40];
	[tilespmem:v9+s28+$0x0] =	vst.idx.msk $0xffff, v8;
	(pc) =	sbr.rel @p2 .LBB2_4-.Ltmp5, $4  }
0x4f: {  	s16 =	sadd.s32 $0xFFFFFBE0, s11;
	v7 =	vadd.s32 s15, v0;
	v3 =	vld [tilespmem:s25+$0x60];
	[tilespmem:v11+s28+$0x0] =	vst.idx.msk $0xffff, v10  }
0x50: {  	v6 =	vadd.s32 s16, v0;
	s15 =	sadd.s32 $0xFFFFF7C0, s11;
	v4 =	vld [tilespmem:s25+$0x50];
	[tilespmem:v13+s28+$0x0] =	vst.idx.msk $0xffff, v12  }
0x51: {  	s17 =	sadd.s32 $0xFFFFF5B0, s14;
	s16 =	sadd.s32 $0xFFFFF190, s14;
	s11 =	sadd.s32 $0x1, s11;
	v9 =	vadd.s32 s15, v0;
	v8 =	vld [tilespmem:s25+$0x30];
	[tilespmem:v1+s28+$0x0] =	vst.idx.msk $0xffff, v14  }
0x52: {  	s12 =	sadd.s32 $0x80, s12;
	s13 =	sadd.s32 $0x100, s13;
	s14 =	sadd.s32 $0xFFFFF3A0, s14;
	v11 =	vadd.s32 s17, v0;
	v1 =	vadd.s32 s16, v0;
	v10 =	vld [tilespmem:s25+$0x20];
	[tilespmem:v16+s28+$0x0] =	vst.idx.msk $0xffff, v15  }
0x53: {  	_ =	sdelay $0x3  }
0x54: {  	v12 =	vld [tilespmem:s25+$0x10];
	v13 =	vadd.s32 s14, v0;
	[tilespmem:v5+s28+$0x0] =	vst.idx.msk $0xffff, v2  }
0x55: {  	v2 =	vld [tilespmem:s25+$0x0];
	[tilespmem:v7+s28+$0x0] =	vst.idx.msk $0xffff, v3  }
0x56: {  	[tilespmem:v6+s28+$0x0] =	vst.idx.msk $0xffff, v4  }
0x57: {  	[tilespmem:v9+s28+$0x0] =	vst.idx.msk $0xffff, v8  }
0x58: {  	[tilespmem:v11+s28+$0x0] =	vst.idx.msk $0xffff, v10  }
0x59: {  	[tilespmem:v13+s28+$0x0] =	vst.idx.msk $0xffff, v12  }
0x5a: {  	[tilespmem:v1+s28+$0x0] =	vst.idx.msk $0xffff, v2  }
0x5b: {  	v4 =	vld [tilespmem:s24+$0x31]  }
0x5c: {  	v5 =	vld [tilespmem:s24+$0xFFFFFFCE]  }
0x5d: {  	v6 =	vld [tilespmem:s24+$0xFFFFFFDF]  }
0x5e: {  	v2 =	vld [tilespmem:s24+$0xFFFFFFEF]  }
0x5f: {  	v1 =	vld [tilespmem:s24+$0x0]  }
0x60: {  	v3 =	vld [tilespmem:s24+$0x10];
	[tilespmem:s23+$0x30] =	vst v4  }
0x61: {  	[tilespmem:s23+$0xFFFFFFD0] =	vst v5;
	v5 =	vld [tilespmem:s24+$0x21]  }
0x62: {  	s8 =	simm.s32 $0x0;
	s11 =	simm.s32 $0x60C6;
	v4 =	vld [tilespmem:s24+$0xFFFFFFBE];
	[tilespmem:s23+$0xFFFFFFE0] =	vst v6  }
.LBB2_6:
0x63: {  	v6 =	vld [tilespmem:s11+$0x31];
	s8 =	sadd.s32 $0x8, s8;
	[tilespmem:s23+$0xFFFFFFF0] =	vst v2  }
0x64: {  	v7 =	vld [tilespmem:s11+$0xFFFFFFCE];
	p2 =	slt.u32 s8, $0xF8;
	[tilespmem:s23+$0x0] =	vst v1  }
0x65: {  	v8 =	vld [tilespmem:s11+$0xFFFFFFDF];
	[tilespmem:s23+$0x10] =	vst v3  }
.Ltmp6:
0x66: {  	v2 =	vld [tilespmem:s11+$0xFFFFFFEF];
	[tilespmem:s23+$0x20] =	vst v5;
	(pc) =	sbr.rel @p2 .LBB2_6-.Ltmp6, $4  }
0x67: {  	v1 =	vld [tilespmem:s11+$0x0];
	[tilespmem:s23+$0xFFFFFFC0] =	vst v4;
	s23 =	sadd.s32 $0x80, s23  }
0x68: {  	v3 =	vld [tilespmem:s11+$0x10];
	[tilespmem:s23+$0x30] =	vst v6  }
0x69: {  	[tilespmem:s23+$0xFFFFFFD0] =	vst v7;
	v5 =	vld [tilespmem:s11+$0x21]  }
0x6a: {  	v4 =	vld [tilespmem:s11+$0xFFFFFFBE];
	[tilespmem:s23+$0xFFFFFFE0] =	vst v8;
	s11 =	sadd.s32 $0x84, s11  }
0x6b: {  	[tilespmem:s23+$0xFFFFFFF0] =	vst v2  }
0x6c: {  	[tilespmem:s23+$0x0] =	vst v1  }
0x6d: {  	[tilespmem:s23+$0x10] =	vst v3  }
0x6e: {  	s8 =	sshll.u32 s22, $0x9;
	[tilespmem:s23+$0x20] =	vst v5  }
0x6f: {  	s8 =	sadd.s32 s7, s8;
	[tilespmem:s23+$0xFFFFFFC0] =	vst v4  }
0x70: {  	[hbm4b:s8+s4] =	stream.linear.scatter [tilespmem:s29], [sflag:$0x3], $0x1000, $0x38;
	[tilespmem:$0x8100] =	vst v63  }
0x71: {  	s8 =	sadd.s32 s9, s21  }
0x72: {  	p2 =	sgt.u32 s8, $0x1E83  }
0x73: {  	s8 =	sshll.u32 @!p2 s8, $0x7  }
0x74: {  	s11 =	simm.s32 @!p2 $0x0;
	s8 =	sadd.s32 @!p2 s1, s8  }
0x75: {  	[tilespmem:s11], [sflag:$0x1] =	stream.linear.gather @!p2 [hbm4b:s8+s11], $0x400, $0x38;
	[tilespmem:$0x8100] =	vst v63  }
0x76: {  	s13 =	simm.s32 @!p2 $0x800;
	s12 =	sadd.s32 @!p2 $0xF4280, s8  }
0x77: {  	[tilespmem:s13], [sflag:$0x1] =	stream.linear.gather @!p2 [hbm4b:s12+s11], $0x400, $0x38;
	[tilespmem:$0x8100] =	vst v63  }
0x78: {  	s12 =	sadd.s32 @!p2 $0x1E8500, s8;
	s13 =	simm.s32 @!p2 $0x1000  }
0x79: {  	[tilespmem:s13], [sflag:$0x1] =	stream.linear.gather @!p2 [hbm4b:s12+s11], $0x400, $0x38;
	[tilespmem:$0x8100] =	vst v63  }
0x7a: {  	s8 =	sadd.s32 @!p2 $0x2DC780, s8;
	s12 =	simm.s32 @!p2 $0x1800  }
0x7b: {  	[tilespmem:s12], [sflag:$0x1] =	stream.linear.gather @!p2 [hbm4b:s8+s11], $0x400, $0x38;
	[tilespmem:$0x8100] =	vst v63  }
.LBB2_8:
0x7c: {  	s22 =	sor.u32 $0x20, s22  }
0x7d: {  	p2 =	sgt.u32 s22, $0x1E83  }
.Ltmp7:
0x7e: {  	_ = 	snop;
	(pc) =	sbr.rel @p2 .LBB2_14-.Ltmp7, $1  }
0x7f: {  	_ =	sdelay $0x3  }
0x80: {  	_ =	swait.ge [sflag:s30], $0x1000  }
0x81: {  	[sflag:s30] =	ssyncset.done $0x0  }
0x82: {  	s8 =	simm.s32 @!p1 $0x4;
	[sflag:s30] =	ssyncadd.s32 $0xFFFFF000  }
0x83: {  	s11 =	simm.s32 $0x0;
	_ =	swait.ge @!p1 [sflag:s8], $0x1000  }
0x84: {  	s12 =	sand.u32 $0x1800, s11;
	s11 =	sand.u32 $0x380, s11;
	[sflag:s8] =	ssyncset.done @!p1 $0x0  }
0x85: {  	s24 =	simm.s32 $0xE70;
	s25 =	sor.u32 s11, s12;
	[sflag:s8] =	ssyncadd.s32 @!p1 $0xFFFFF000  }
0x86: {  	v13 =	vadd.s32 s24, v0;
	s12 =	simm.s32 $0x840;
	v12 =	vld [tilespmem:s25+$0x2070]  }
0x87: {  	s14 =	simm.s32 $0xC60;
	v5 =	vadd.s32 s12, v0;
	v2 =	vld [tilespmem:s25+$0x2040]  }
0x88: {  	s13 =	simm.s32 $0xA50;
	s15 =	simm.s32 $0x630;
	v7 =	vadd.s32 s14, v0;
	v3 =	vld [tilespmem:s25+$0x2060]  }
0x89: {  	s23 =	simm.s32 $0x5040;
	s16 =	simm.s32 $0x0;
	s17 =	simm.s32 $0x420;
	v6 =	vadd.s32 s13, v0;
	v4 =	vld [tilespmem:s25+$0x2050]  }
0x8a: {  	s24 =	simm.s32 $0x70C2;
	v9 =	vadd.s32 s15, v0;
	s14 =	simm.s32 $0x210;
	s13 =	simm.s32 $0x100;
	v8 =	vld [tilespmem:s25+$0x2030]  }
0x8b: {  	v1 =	vadd.s32 s16, v0;
	v11 =	vadd.s32 s17, v0;
	s11 =	simm.s32 $0xE71;
	s12 =	simm.s32 $0x80;
	s8 =	simm.s32 $0x0;
	v10 =	vld [tilespmem:s25+$0x2020];
	[tilespmem:v13+s31+$0x0] =	vst.idx.msk $0xffff, v12  }
.LBB2_10:
0x8c: {  	s15 =	sand.u32 $0x1800, s13;
	s16 =	sand.u32 $0x380, s12;
	s8 =	sadd.s32 $0x8, s8;
	v12 =	vld [tilespmem:s25+$0x2010];
	v13 =	vadd.s32 s14, v0;
	[tilespmem:v5+s31+$0x0] =	vst.idx.msk $0xffff, v2  }
0x8d: {  	s14 =	smov.u32 s11;
	p1 =	slt.u32 s8, $0xF8;
	v14 =	vld [tilespmem:s25+$0x2000];
	s25 =	sor.u32 s16, s15;
	[tilespmem:v7+s31+$0x0] =	vst.idx.msk $0xffff, v3  }
0x8e: {  	v16 =	vadd.s32 s11, v0;
	s15 =	sadd.s32 $0xFFFFF9D0, s11;
	v15 =	vld [tilespmem:s25+$0x2070];
	[tilespmem:v6+s31+$0x0] =	vst.idx.msk $0xffff, v4  }
.Ltmp8:
0x8f: {  	v5 =	vadd.s32 s15, v0;
	s15 =	sadd.s32 $0xFFFFFDF0, s11;
	v2 =	vld [tilespmem:s25+$0x2040];
	[tilespmem:v9+s31+$0x0] =	vst.idx.msk $0xffff, v8;
	(pc) =	sbr.rel @p1 .LBB2_10-.Ltmp8, $4  }
0x90: {  	s16 =	sadd.s32 $0xFFFFFBE0, s11;
	v7 =	vadd.s32 s15, v0;
	v3 =	vld [tilespmem:s25+$0x2060];
	[tilespmem:v11+s31+$0x0] =	vst.idx.msk $0xffff, v10  }
0x91: {  	v6 =	vadd.s32 s16, v0;
	s15 =	sadd.s32 $0xFFFFF7C0, s11;
	v4 =	vld [tilespmem:s25+$0x2050];
	[tilespmem:v13+s31+$0x0] =	vst.idx.msk $0xffff, v12  }
0x92: {  	s17 =	sadd.s32 $0xFFFFF5B0, s14;
	s16 =	sadd.s32 $0xFFFFF190, s14;
	s11 =	sadd.s32 $0x1, s11;
	v9 =	vadd.s32 s15, v0;
	v8 =	vld [tilespmem:s25+$0x2030];
	[tilespmem:v1+s31+$0x0] =	vst.idx.msk $0xffff, v14  }
0x93: {  	s12 =	sadd.s32 $0x80, s12;
	s13 =	sadd.s32 $0x100, s13;
	s14 =	sadd.s32 $0xFFFFF3A0, s14;
	v11 =	vadd.s32 s17, v0;
	v1 =	vadd.s32 s16, v0;
	v10 =	vld [tilespmem:s25+$0x2020];
	[tilespmem:v16+s31+$0x0] =	vst.idx.msk $0xffff, v15  }
0x94: {  	_ =	sdelay $0x3  }
0x95: {  	v12 =	vld [tilespmem:s25+$0x2010];
	v13 =	vadd.s32 s14, v0;
	[tilespmem:v5+s31+$0x0] =	vst.idx.msk $0xffff, v2  }
0x96: {  	v2 =	vld [tilespmem:s25+$0x2000];
	[tilespmem:v7+s31+$0x0] =	vst.idx.msk $0xffff, v3  }
0x97: {  	[tilespmem:v6+s31+$0x0] =	vst.idx.msk $0xffff, v4  }
0x98: {  	[tilespmem:v9+s31+$0x0] =	vst.idx.msk $0xffff, v8  }
0x99: {  	[tilespmem:v11+s31+$0x0] =	vst.idx.msk $0xffff, v10  }
0x9a: {  	[tilespmem:v13+s31+$0x0] =	vst.idx.msk $0xffff, v12  }
0x9b: {  	[tilespmem:v1+s31+$0x0] =	vst.idx.msk $0xffff, v2  }
0x9c: {  	v4 =	vld [tilespmem:s24+$0x31]  }
0x9d: {  	v5 =	vld [tilespmem:s24+$0xFFFFFFCE]  }
0x9e: {  	v6 =	vld [tilespmem:s24+$0xFFFFFFDF]  }
0x9f: {  	v2 =	vld [tilespmem:s24+$0xFFFFFFEF]  }
0xa0: {  	v1 =	vld [tilespmem:s24+$0x0]  }
0xa1: {  	v3 =	vld [tilespmem:s24+$0x10];
	[tilespmem:s23+$0x30] =	vst v4  }
0xa2: {  	[tilespmem:s23+$0xFFFFFFD0] =	vst v5;
	v5 =	vld [tilespmem:s24+$0x21]  }
0xa3: {  	s8 =	simm.s32 $0x0;
	s11 =	simm.s32 $0x7146;
	v4 =	vld [tilespmem:s24+$0xFFFFFFBE];
	[tilespmem:s23+$0xFFFFFFE0] =	vst v6  }
.LBB2_12:
0xa4: {  	v6 =	vld [tilespmem:s11+$0x31];
	s8 =	sadd.s32 $0x8, s8;
	[tilespmem:s23+$0xFFFFFFF0] =	vst v2  }
0xa5: {  	v7 =	vld [tilespmem:s11+$0xFFFFFFCE];
	p1 =	slt.u32 s8, $0xF8;
	[tilespmem:s23+$0x0] =	vst v1  }
0xa6: {  	v8 =	vld [tilespmem:s11+$0xFFFFFFDF];
	[tilespmem:s23+$0x10] =	vst v3  }
.Ltmp9:
0xa7: {  	v2 =	vld [tilespmem:s11+$0xFFFFFFEF];
	[tilespmem:s23+$0x20] =	vst v5;
	(pc) =	sbr.rel @p1 .LBB2_12-.Ltmp9, $4  }
0xa8: {  	v1 =	vld [tilespmem:s11+$0x0];
	[tilespmem:s23+$0xFFFFFFC0] =	vst v4;
	s23 =	sadd.s32 $0x80, s23  }
0xa9: {  	v3 =	vld [tilespmem:s11+$0x10];
	[tilespmem:s23+$0x30] =	vst v6  }
0xaa: {  	[tilespmem:s23+$0xFFFFFFD0] =	vst v7;
	v5 =	vld [tilespmem:s11+$0x21]  }
0xab: {  	v4 =	vld [tilespmem:s11+$0xFFFFFFBE];
	[tilespmem:s23+$0xFFFFFFE0] =	vst v8;
	s11 =	sadd.s32 $0x84, s11  }
0xac: {  	[tilespmem:s23+$0xFFFFFFF0] =	vst v2  }
0xad: {  	[tilespmem:s23+$0x0] =	vst v1  }
0xae: {  	[tilespmem:s23+$0x10] =	vst v3  }
0xaf: {  	s8 =	sshll.u32 s22, $0x9;
	[tilespmem:s23+$0x20] =	vst v5  }
0xb0: {  	s8 =	sadd.s32 s7, s8;
	[tilespmem:s23+$0xFFFFFFC0] =	vst v4  }
0xb1: {  	[hbm4b:s8+s4] =	stream.linear.scatter [tilespmem:s2], [sflag:$0x4], $0x1000, $0x38;
	[tilespmem:$0x8100] =	vst v63  }
0xb2: {  	s8 =	sadd.s32 s10, s21  }
0xb3: {  	p1 =	sgt.u32 s8, $0x1E83  }
0xb4: {  	s8 =	sshll.u32 @!p1 s8, $0x7  }
0xb5: {  	s11 =	simm.s32 @!p1 $0x0;
	s12 =	simm.s32 @!p1 $0x2000;
	s8 =	sadd.s32 @!p1 s1, s8  }
0xb6: {  	[tilespmem:s12], [sflag:$0x2] =	stream.linear.gather @!p1 [hbm4b:s8+s11], $0x400, $0x38;
	[tilespmem:$0x8100] =	vst v63  }
0xb7: {  	s13 =	simm.s32 @!p1 $0x2800;
	s12 =	sadd.s32 @!p1 $0xF4280, s8  }
0xb8: {  	[tilespmem:s13], [sflag:$0x2] =	stream.linear.gather @!p1 [hbm4b:s12+s11], $0x400, $0x38;
	[tilespmem:$0x8100] =	vst v63  }
.Ltmp10:
0xb9: {  	_ = 	snop;
	(pc) =	sbr.rel .LBB2_14-.Ltmp10, $4  }
0xba: {  	s12 =	sadd.s32 @!p1 $0x1E8500, s8;
	s13 =	simm.s32 @!p1 $0x3000  }
0xbb: {  	[tilespmem:s13], [sflag:$0x2] =	stream.linear.gather @!p1 [hbm4b:s12+s11], $0x400, $0x38;
	[tilespmem:$0x8100] =	vst v63  }
0xbc: {  	s8 =	sadd.s32 @!p1 $0x2DC780, s8;
	s12 =	simm.s32 @!p1 $0x3800  }
0xbd: {  	[tilespmem:s12], [sflag:$0x2] =	stream.linear.gather @!p1 [hbm4b:s8+s11], $0x400, $0x38;
	[tilespmem:$0x8100] =	vst v63  }
.LBB2_16:
0xbe: {  	_ =	sfence.sel $0x180000  }
0xbf: {  	[bflag:$0x0] =	sbarrier.arrive $0xFFFF  }
0xc0: {  	_ =	strace $0x90000047  }
0xc1: {  	s0 =	stileid.u32;
	[bflag:$0x2] =	sbarrier.arrive $0xFFFF  }
0xc2: {  	p0 =	sne.s32 s0, $0x0;
	s0 =	rddreg [dreg:$0x3]  }
0xc3: {  	s0 =	sadd.s32 @!p0 $0x100000, s0  }
0xc4: {  	[sflag:s0] =	ssyncadd.tile.s32 @!p0 $0x1;
	_ =	shalt  }
.Lfunc_end2:
_tile_overlayer_lowered:
.L_overlay_start_2:
0xc5: {  	(tag) =	ssettag $0x2  }
0xc6: {  	s0 =	rddreg [dreg:$0x0];
	s2 =	stileid.u32  }
0xc7: {  	s1 =	rddreg [dreg:$0x1];
	p0 =	sne.s32 s2, $0x0  }
0xc8: {  	s3 =	rddreg [dreg:$0x2];
	[bflag:$0x3] =	sbarrier.arrive $0xFFFF;
	s2 =	simm.s32 @!p0 $0x1C05  }
0xc9: {  	[timem:s3], [sflag:s2] =	dma.local @!p0 [hbm:s0], s1  }
0xca: {  	s0 =	simm.s32 @!p0 $0x5  }
0xcb: {  	_ =	swait.ge @!p0 [sflag:s0], s1  }
0xcc: {  	s1 =	ssub.s32 @!p0 $0x0, s1;
	[sflag:s0] =	ssyncset.done @!p0 $0x0  }
0xcd: {  	[sflag:s0] =	ssyncadd.s32 @!p0 s1  }
0xce: {  	[bflag:$0x3] =	sbarrier.arrive $0xFFFF  }
0xcf: {  	_ =	shalt  }

// kernel: kernel.7.cloned.1.call-start
scs
__scs_entry_jumppad:
0x0: {  	(pc) =	sbr.rel $0x88, $3  }
0x1: {  	(tag) =	ssettag $0x0;
	lr =	simm.s32 $0x1  }
0x2: {  	[smem:$0x3F9F] =	sst lr;
	_ =	strace $0xD0000000  }
0x3: {  	_ = 	snop  }
0x4: {  	_ = 	snop  }
0x5: {  	_ = 	snop  }
0x6: {  	_ = 	snop  }
0x7: {  	_ = 	snop  }
__scs_overlays_trampoline_lowered:
0x8: {  	[smem:$0x3FAE] =	sst s0  }
0x9: {  	[smem:$0x3FAF] =	sst s1  }
0xa: {  	[smem:$0x3FB0] =	sst s2  }
0xb: {  	[smem:$0x3FB1] =	sst s3  }
0xc: {  	[smem:$0x3FB2] =	sst s4  }
0xd: {  	[smem:$0x3FB3] =	sst s5  }
0xe: {  	[smem:$0x3FB4] =	sst s6  }
0xf: {  	[smem:$0x3FB5] =	sst s7  }
0x10: {  	[smem:$0x3FB6] =	sst s8  }
0x11: {  	[smem:$0x3FB7] =	sst s9;
	s0 =	simm.s32 @!p0 $0x0  }
0x12: {  	s1 =	sld [smem:$0x3F9D];
	s0 =	simm.s32 @p0 $0x1  }
0x13: {  	[smem:$0x3FB8] =	sst s0;
	s0 =	simm.s32 @!p1 $0x0  }
0x14: {  	s2 =	sld [smem:$0x3F9C];
	s0 =	simm.s32 @p1 $0x1  }
0x15: {  	[smem:$0x3FB9] =	sst s0;
	s0 =	simm.s32 @!p2 $0x0  }
0x16: {  	s3 =	sld [smem:$0x3FDB];
	s0 =	simm.s32 @p2 $0x1  }
0x17: {  	s4 =	simm.s32 $0x1BF5;
	[smem:$0x3FBB] =	sst s0  }
0x18: {  	s0 =	sld [smem:$0x3F9E];
	_ =	swait.ge [sflag:s4], $0x0  }
0x19: {  	s7 =	sld [smem:$0x3F9F]  }
0x1a: {  	s8 =	sadd.s32 $0xFFFFE003, lr  }
0x1b: {  	s9 =	sadd.s32 $0xFFFFFEF7, lr;
	s5 =	simm.s32 $0xFFFFFFFF;
	p2 =	slt.u32 s8, $0xFFFFF086  }
0x1c: {  	p1 =	slt.u32 s9, $0xF7A;
	s5 =	simm.s32 @!p2 $0x0  }
0x1d: {  	s5 =	simm.s32 @p1 $0x1;
	p0 =	seq.s32 s7, s2  }
0x1e: {  	s7 =	smul.u32 @!p0 $0xF7A, s2;
	p2 =	seq.s32 @!p0 s5, $0x0  }
0x1f: {  	s9 =	smul.u32 $0xF7A, s1;
	s8 =	simm.s32 @!p0 $0x1BF5;
	p2 =	por !p2, p0  }
0x20: {  	[sflag:s8] =	ssyncset.s32 @!p0 $0xFFFFF086;
	s6 =	sadd.s32 @!p0 s3, s7;
	s7 =	simm.s32 @!p0 $0x108  }
0x21: {  	s3 =	sadd.s32 s3, s9;
	s6 =	sadd.s32 @!p0 $0x88, s6;
	s7 =	simm.s32 @p2 $0x1082  }
0x22: {  	[simem:s7], [sflag:s8] =	dma.local @!p0 [hbm:s6], $0xF7A  }
0x23: {  	s9 =	sor.u32 $0xD0000000, s2;
	s6 =	simm.s32 $0x108;
	_ =	swait.ge @!p0 [sflag:s8], $0x0  }
0x24: {  	s3 =	sadd.s32 $0x88, s3;
	s6 =	simm.s32 @!p1 $0x1082;
	[sflag:s4] =	ssyncset.s32 $0xFFFFF086  }
0x25: {  	[simem:s6], [sflag:s4] =	dma.local [hbm:s3], $0xF7A  }
0x26: {  	[smem:$0x3F9F] =	sst s1;
	(tag) =	ssettag s2;
	_ =	strace s9  }
0x27: {  	s1 =	sld [smem:$0x3FAF]  }
0x28: {  	s2 =	sld [smem:$0x3FB0]  }
0x29: {  	s4 =	sld [smem:$0x3FB2]  }
0x2a: {  	p0 =	seq.s32 s5, $0x0;
	s5 =	sld [smem:$0x3FB3]  }
0x2b: {  	s6 =	sld [smem:$0x3FB4]  }
0x2c: {  	s7 =	sld [smem:$0x3FB5]  }
0x2d: {  	s3 =	simm.s32 $0x108;
	s8 =	sld [smem:$0x3FB6]  }
0x2e: {  	s3 =	simm.s32 @!p0 $0x1082;
	s9 =	sld [smem:$0x3FB7]  }
0x2f: {  	lr =	sadd.s32 s0, s3;
	s0 =	sld [smem:$0x3FAE]  }
0x30: {  	s3 =	sld [smem:$0x3FB1]  }
0x31: {  	[smem:$0x3FBA] =	sst s10  }
0x32: {  	s10 =	sld [smem:$0x3FB8];
	_ =	sdelay $0x3  }
0x33: {  	p0 =	seq.s32 s10, $0x1;
	s10 =	sld [smem:$0x3FBA];
	_ =	sdelay $0x3  }
0x34: {  	[smem:$0x3FBA] =	sst s10  }
0x35: {  	s10 =	sld [smem:$0x3FB9];
	_ =	sdelay $0x3  }
0x36: {  	p1 =	seq.s32 s10, $0x1;
	s10 =	sld [smem:$0x3FBA];
	_ =	sdelay $0x3  }
0x37: {  	[smem:$0x3FBA] =	sst s10  }
0x38: {  	s10 =	sld [smem:$0x3FBB]  }
0x39: {  	_ = 	snop;
	(pc) =	sbr.ind lr, $3  }
0x3a: {  	_ = 	snop  }
0x3b: {  	_ = 	snop  }
0x3c: {  	p2 =	seq.s32 s10, $0x1;
	s10 =	sld [smem:$0x3FBA]  }
0x3d: {  	_ =	shalt  }
0x3e: {  	_ =	shalt  }
0x3f: {  	_ =	shalt  }
0x40: {  	_ =	shalt  }
0x41: {  	_ =	shalt  }
0x42: {  	_ =	shalt  }
0x43: {  	_ =	shalt  }
0x44: {  	_ =	shalt  }
0x45: {  	_ =	shalt  }
0x46: {  	_ =	shalt  }
0x47: {  	_ =	shalt  }
0x48: {  	_ =	shalt  }
0x49: {  	_ =	shalt  }
0x4a: {  	_ =	shalt  }
0x4b: {  	_ =	shalt  }
0x4c: {  	_ =	shalt  }
0x4d: {  	_ =	shalt  }
0x4e: {  	_ =	shalt  }
0x4f: {  	_ =	shalt  }
0x50: {  	_ =	shalt  }
0x51: {  	_ =	shalt  }
0x52: {  	_ =	shalt  }
0x53: {  	_ =	shalt  }
0x54: {  	_ =	shalt  }
0x55: {  	_ =	shalt  }
0x56: {  	_ =	shalt  }
0x57: {  	_ =	shalt  }
0x58: {  	_ =	shalt  }
0x59: {  	_ =	shalt  }
0x5a: {  	_ =	shalt  }
0x5b: {  	_ =	shalt  }
0x5c: {  	_ =	shalt  }
0x5d: {  	_ =	shalt  }
0x5e: {  	_ =	shalt  }
0x5f: {  	_ =	shalt  }
0x60: {  	_ =	shalt  }
0x61: {  	_ =	shalt  }
0x62: {  	_ =	shalt  }
0x63: {  	_ =	shalt  }
0x64: {  	_ =	shalt  }
0x65: {  	_ =	shalt  }
0x66: {  	_ =	shalt  }
0x67: {  	_ =	shalt  }
0x68: {  	_ =	shalt  }
0x69: {  	_ =	shalt  }
0x6a: {  	_ =	shalt  }
0x6b: {  	_ =	shalt  }
0x6c: {  	_ =	shalt  }
0x6d: {  	_ =	shalt  }
0x6e: {  	_ =	shalt  }
0x6f: {  	_ =	shalt  }
0x70: {  	_ =	shalt  }
0x71: {  	_ =	shalt  }
0x72: {  	_ =	shalt  }
0x73: {  	_ =	shalt  }
0x74: {  	_ =	shalt  }
0x75: {  	_ =	shalt  }
0x76: {  	_ =	shalt  }
0x77: {  	_ =	shalt  }
0x78: {  	_ =	shalt  }
0x79: {  	_ =	shalt  }
0x7a: {  	_ =	shalt  }
0x7b: {  	_ =	shalt  }
0x7c: {  	_ =	shalt  }
0x7d: {  	_ =	shalt  }
0x7e: {  	_ =	shalt  }
0x7f: {  	_ =	shalt  }
0x80: {  	_ =	shalt  }
0x81: {  	_ =	shalt  }
0x82: {  	_ =	shalt  }
0x83: {  	_ =	shalt  }
0x84: {  	_ =	shalt  }
0x85: {  	_ =	shalt  }
0x86: {  	_ =	shalt  }
0x87: {  	_ =	shalt  }
.Lfunc_end0:
.L_simem_size_0:
called_computation.1_lowered:
.L_overlay_start_0:
0x88: {  	s2 =	sld [smem:$0x3FD9]  }
0x89: {  	s3 =	sld [smem:$0x3FFE];
	_ =	sdelay $0x1  }
0x8a: {  	s1 =	srdreg.scid  }
0x8b: {  	s0 =	sand.u32 $0x1, s1  }
0x8c: {  	s17 =	sshll.u32 s0, $0xA;
	s2 =	sadd.s32 s3, s2  }
0x8d: {  	s2 =	sadd.s32 s2, s17  }
0x8e: {  	[smem:$0x3FC6] =	sst s2  }
0x8f: {  	_ = 	snop  }
0x90: {  	s2 =	sld [smem:$0x3FD0];
	(tm) =	ssettm $0x1  }
0x91: {  	s18 =	sld [smem:$0x3FFB];
	_ =	sdelay $0x3  }
0x92: {  	_ =	strace s18  }
0x93: {  	s3 =	sld [smem:$0x3FFC];
	_ =	sdelay $0x3  }
0x94: {  	_ =	strace s3  }
0x95: {  	s3 =	sld [smem:$0x3FFD];
	_ =	sdelay $0x3  }
0x96: {  	_ =	strace s3  }
0x97: {  	_ =	strace $0x8FFFFFFF  }
0x98: {  	s19 =	sld [smem:$0x3FDB];
	_ =	sdelay $0x1  }
0x99: {  	s4 =	simm.s32 $_scs_section_size  }
0x9a: {  	s5 =	simm.s32 $_size__tile_overlayer_lowered;
	s6 =	simm.s32 $_tile_overlayer_lowered  }
0x9b: {  	s22 =	simm.s32 $0x1BFF;
	s21 =	sshll.u32 s6, $0x1;
	s3 =	sadd.s32 s4, s19  }
0x9c: {  	s7 =	simm.s32 $0x0;
	s20 =	sshll.u32 s5, $0x1;
	s5 =	sadd.s32 s21, s3  }
0x9d: {  	[timem:s7], [sflag:s22] =	dma.local [hbm:s5], s20  }
0x9e: {  	_ =	swait.ge [sflag:s22], s20  }
0x9f: {  	s4 =	ssub.s32 $0x0, s20;
	[sflag:s22] =	ssyncset.done $0x0  }
0xa0: {  	[sflag:s22] =	ssyncadd.s32 s4;
	_ =	sdelay $0x1  }
0xa1: {  	s23 =	simm.s32 $0x1B8B  }
0xa2: {  	_ =	swait.ge [sflag:s23], $0x1  }
0xa3: {  	[sflag:s23] =	ssyncset.done $0x0  }
0xa4: {  	s25 =	simm.s32 $0x1B8E;
	s24 =	sld [smem:$0x3FFE];
	[sflag:s23] =	ssyncadd.s32 $0xFFFFFFFF  }
0xa5: {  	s26 =	simm.s32 $execute0_lowered;
	[smem:$0x3FD2] =	sst s25  }
0xa6: {  	s5 =	sshll.u32 s26, $0x1;
	_ =	strace $0x80000049;
	[dreg:$0x1] =	wrdreg $0xFFFFFFFF  }
0xa7: {  	s28 =	simm.s32 $_size_execute0_lowered;
	s3 =	sadd.s32 s3, s5;
	[dreg:$0x0] =	wrdreg $0x0  }
0xa8: {  	s5 =	sshll.u32 s28, $0x1;
	[dreg:$0x2] =	wrdreg s3  }
0xa9: {  	[dreg:$0x3] =	wrdreg s5  }
0xaa: {  	[dreg:$0x4] =	wrdreg $0xC0  }
0xab: {  	_ =	task [dreg:s7], $0x5FFFF  }
0xac: {  	[dreg:$0x1] =	wrdreg $0xFFFFFFFF  }
0xad: {  	[dreg:$0x0] =	wrdreg $0x60  }
0xae: {  	[dreg:$0x2] =	wrdreg s24  }
0xaf: {  	[dreg:$0x3] =	wrdreg s2  }
0xb0: {  	[dreg:$0x4] =	wrdreg $0x9  }
0xb1: {  	_ =	task.clear_ibuf [dreg:s7], $0x5FFFF;
	_ =	strace $0x90000049  }
0xb2: {  	s29 =	simm.s32 $0x9;
	_ =	strace $0x8000004B  }
0xb3: {  	_ =	swait.ge [sflag:s29], $0x1  }
0xb4: {  	[sflag:s29] =	ssyncadd.s32 $0xFFFFFFFF  }
0xb5: {  	_ =	strace $0x9000004B  }
0xb6: {  	_ =	sfence  }
0xb7: {  	s30 =	sld [smem:$0x0];
	_ =	sdelay $0x2  }
0xb8: {  	s31 =	sshll.u32 s1, $0xD;
	s1 =	sshrl.u32 s1, $0x2  }
0xb9: {  	s3 =	sand.u32 $0x4000, s31;
	s1 =	sadd.s32 s1, s30  }
0xba: {  	s0 =	sor.u32 s3, s0;
	s1 =	sshll.u32 s1, $0x11  }
0xbb: {  	s0 =	sor.u32 s1, s0  }
0xbc: {  	s0 =	sadd.s32 $0x8F2B, s0  }
0xbd: {  	[sflag:s0] =	ssyncadd.remote.s32 $0x1  }
0xbe: {  	_ =	sfence.sel $0xFFFF  }
0xbf: {  	[dreg:$0x0] =	wrdreg $0xFFFFFFFF;
	(pc) =	sbr.abs _section_cstart, $3  }
0xc0: {  	[dreg:$0x1] =	wrdreg $0xFFFFFFFF  }
0xc1: {  	_ =	task.clear_ibuf [dreg:s7], $0x2FFFF;
	_ =	strace $0x9FFFFFFF  }
0xc2: {  	(tm) =	ssettm $0x7FFFFFFF  }
0xc3: {  	_ =	shalt  }
tec
execute0_lowered:
.L_overlay_start_1:
0x0: {  	(tag) =	ssettag $0x1  }
0x1: {  	s0 =	rddreg [dreg:$0x0]  }
0x2: {  	s2 =	rddreg [dreg:$0x1]  }
0x3: {  	s1 =	srdreg.scid;
	s4 =	stileid.u32  }
0x4: {  	s3 =	simm.s32 $0x0;
	s14 =	simm.s32 $0x80;
	s29 =	simm.s32 $0x1  }
0x5: {  	s30 =	simm.s32 $0xE400;
	s12 =	simm.s32 $0x12800;
	s20 =	simm.s32 $0x16848  }
0x6: {  	s21 =	simm.s32 $0x168D0;
	s23 =	simm.s32 $0x16958;
	s28 =	simm.s32 $0x16A68  }
0x7: {  	s31 =	simm.s32 $0x16AF0;
	s17 =	simm.s32 $0x16B78;
	s1 =	sand.u32 $0x1, s1  }
0x8: {  	s10 =	simm.s32 $0x0;
	s4 =	sshll.u32 s4, $0x3;
	s5 =	sshll.u32 s1, $0x2  }
0x9: {  	[smem:$0x7FF] =	sst s3;
	s1 =	ssub.s32 $0x2, s1;
	s5 =	sor.u32 s5, s4  }
0xa: {  	_ =	strace $0x8000004A;
	s25 =	sshrl.u32 s1, $0x1;
	s4 =	sshll.u32 s5, $0x4  }
.Ltmp0:
0xb: {  	s6 =	sadd.s32 s4, s0;
	s4 =	sadd.s32 $0xA00, s0;
	(pc) =	sbr.rel .LBB2_1-.Ltmp0, $4  }
0xc: {  	v0 =	vlaneseq.u32;
	s0 =	ssub.s32 s1, s25;
	s1 =	simm.s32 $0x4;
	s25 =	simm.s32 $0x169E0  }
0xd: {  	v0 =	vmul.u32 $0x88, v0;
	s26 =	sadd.s32 $0x3D1400, s6;
	s6 =	sshll.u32 s5, $0xA;
	s0 =	smax.u32 s0, $0x1  }
0xe: {  	v1 =	vimm.s32 $0x0;
	vm0 =	vcmask $0x300;
	[dreg:$0x3] =	wrdreg s26;
	s7 =	sor.u32 $0x400, s6;
	s8 =	sor.u32 $0x800, s6  }
0xf: {  	v1 =	vsel vm0, $0x3, v1;
	v2 =	vadd.s32 $0x880, v0;
	s9 =	sor.u32 $0xC00, s6;
	[dreg:$0x4] =	wrdreg s0;
	s0 =	simm.s32 $0x2  }
.LBB2_12:
0x10: {  	s5 =	simm.s32 $0x3  }
0x11: {  	_ =	swait.ge [sflag:s5], $0x4000  }
0x12: {  	[sflag:s5] =	ssyncset.done $0x0  }
0x13: {  	[sflag:s5] =	ssyncadd.s32 $0xFFFFC000  }
0x14: {  	_ =	swait.ge [sflag:s1], $0x4000  }
0x15: {  	s10 =	rddreg [dreg:$0x5]  }
0x16: {  	s26 =	rddreg [dreg:$0x4];
	s10 =	sadd.s32 $0x1, s10  }
0x17: {  	p0 =	sne.s32 s10, s26  }
.Ltmp1:
0x18: {  	_ = 	snop;
	(pc) =	sbr.rel @!p0 .LBB2_13-.Ltmp1, $3  }
0x19: {  	_ =	sdelay $0x1  }
0x1a: {  	[sflag:s1] =	ssyncset.done $0x0  }
0x1b: {  	[sflag:s1] =	ssyncadd.s32 $0xFFFFC000  }
.LBB2_1:
0x1c: {  	[dreg:$0x5] =	wrdreg s10  }
0x1d: {  	s5 =	rddreg [dreg:$0x3]  }
0x1e: {  	s16 =	simm.s32 $0x200;
	s11 =	simm.s32 $0x4000;
	s18 =	simm.s32 $0x5  }
0x1f: {  	[tilespmem:s3], [sflag:$0x5] =	stream.strided.gather [hbm4b:s5+s16], $0x6400, s11, s16, $0x38;
	[tilespmem:$0x16C00] =	vst v63  }
0x20: {  	_ =	swait.ge [sflag:s18], $0x6400  }
0x21: {  	[sflag:s18] =	ssyncset.done $0x0  }
0x22: {  	s19 =	simm.s32 $0x6400;
	[sflag:s18] =	ssyncadd.s32 $0xFFFF9C00  }
0x23: {  	[tilespmem:s19], [sflag:$0x1] =	stream.indirect.gather [hbm4b:s4+s14], $0x20, s3, s14, $0xb8;
	[tilespmem:$0x16C00] =	vst v63  }
0x24: {  	s22 =	simm.s32 $0x7400  }
0x25: {  	[tilespmem:s22], [sflag:$0x1] =	stream.indirect.gather [hbm4b:s4+s14], $0x20, s14, s14, $0xb8;
	[tilespmem:$0x16C00] =	vst v63  }
0x26: {  	s24 =	simm.s32 $0x100;
	s26 =	simm.s32 $0x8400  }
0x27: {  	[tilespmem:s26], [sflag:$0x1] =	stream.indirect.gather [hbm4b:s4+s14], $0x20, s24, s14, $0xb8;
	[tilespmem:$0x16C00] =	vst v63  }
0x28: {  	s13 =	simm.s32 $0x9400;
	s11 =	simm.s32 $0x180  }
0x29: {  	[tilespmem:s13], [sflag:$0x1] =	stream.indirect.gather [hbm4b:s4+s14], $0x20, s11, s14, $0xb8;
	[tilespmem:$0x16C00] =	vst v63  }
0x2a: {  	s15 =	simm.s32 $0xA400  }
0x2b: {  	[tilespmem:s15], [sflag:$0x2] =	stream.indirect.gather [hbm4b:s4+s14], $0x20, s16, s14, $0xb8;
	[tilespmem:$0x16C00] =	vst v63  }
0x2c: {  	s18 =	simm.s32 $0xB400;
	s16 =	simm.s32 $0x280  }
0x2d: {  	[tilespmem:s18], [sflag:$0x2] =	stream.indirect.gather [hbm4b:s4+s14], $0x20, s16, s14, $0xb8;
	[tilespmem:$0x16C00] =	vst v63  }
0x2e: {  	s19 =	simm.s32 $0x300;
	s22 =	simm.s32 $0xC400  }
0x2f: {  	[tilespmem:s22], [sflag:$0x2] =	stream.indirect.gather [hbm4b:s4+s14], $0x20, s19, s14, $0xb8;
	[tilespmem:$0x16C00] =	vst v63  }
0x30: {  	s24 =	simm.s32 $0x380;
	s26 =	simm.s32 $0xD400;
	s19 =	simm.s32 $0x0  }
0x31: {  	[tilespmem:s26], [sflag:$0x2] =	stream.indirect.gather [hbm4b:s4+s14], $0x20, s24, s14, $0xb8;
	[tilespmem:$0x16C00] =	vst v63  }
.LBB2_2:
0x32: {  	_ =	swait.ge [sflag:s29], $0x4000;
	p0 =	seq.s32 s19, $0x0;
	s24 =	simm.s32 $0x0  }
0x33: {  	s5 =	simm.s32 $0x1;
	s11 =	simm.s32 $0x2;
	s22 =	simm.s32 $0x0  }
0x34: {  	s15 =	simm.s32 $0x6;
	s26 =	sand.u32 $0x78, s24;
	s5 =	sand.u32 $0x78, s5  }
0x35: {  	s13 =	simm.s32 $0x5;
	v3 =	vmov s22;
	s22 =	sand.u32 $0x78, s15;
	s11 =	sand.u32 $0x78, s11;
	v4 =	vmov s26;
	v5 =	vmov s5  }
0x36: {  	s16 =	simm.s32 $0x7;
	[sflag:s29] =	ssyncset.done $0x0;
	v3 =	vmul.u32 $0x1100, v3;
	s5 =	sand.u32 $0x78, s13;
	v6 =	vmov s22;
	v8 =	vmov s11  }
0x37: {  	s10 =	simm.s32 @!p0 $0x3;
	s26 =	sand.u32 $0x78, s16;
	[sflag:s29] =	ssyncadd.s32 $0xFFFFC000;
	v9 =	vshrl.u32 v4, $0x3;
	v4 =	vshrl.u32 v5, $0x3;
	v5 =	vmov s5  }
0x38: {  	s18 =	simm.s32 $0x3;
	v7 =	vmov s26;
	_ =	swait.ge @!p0 [sflag:s10], $0x4000;
	v6 =	vshrl.u32 v6, $0x3;
	v5 =	vshrl.u32 v5, $0x3  }
0x39: {  	s5 =	sand.u32 $0x78, s18;
	[sflag:s10] =	ssyncset.done @!p0 $0x0;
	v10 =	vbroadcast v3, $0x0;
	v6 =	vshll.u32 v6, v1;
	v4 =	vshll.u32 v4, v1  }
0x3a: {  	s26 =	simm.s32 $0x6480;
	v7 =	vshrl.u32 v7, $0x3;
	v14 =	vmov s5;
	v9 =	vshll.u32 v9, v1;
	[sflag:s10] =	ssyncadd.s32 @!p0 $0xFFFFC000  }
0x3b: {  	v11 =	vshll.u32 v5, v1;
	v5 =	vshrl.u32 v8, $0x3;
	v12 =	vbroadcast v4, $0x0;
	v3 =	vld [tilespmem:s26+$0xFFFFFFE0]  }
0x3c: {  	s22 =	simm.s32 $0x4;
	v21 =	vbroadcast v6, $0x0;
	v14 =	vshrl.u32 v14, $0x3;
	v26 =	vbroadcast v9, $0x0;
	v4 =	vld [tilespmem:s26+$0x10]  }
0x3d: {  	s10 =	sand.u32 $0x78, s22;
	v13 =	vshll.u32 v5, v1;
	v5 =	vshll.u32 v7, v1;
	v8 =	vadd.s32 v0, v10;
	v6 =	vld [tilespmem:s26+$0xFFFFFF90]  }
0x3e: {  	v16 =	vmov s10;
	v10 =	vadd.s32 v2, v10;
	v23 =	vld [tilespmem:s26+$0x70];
	v15 =	vbroadcast v5, $0x0  }
0x3f: {  	v25 =	vld [tilespmem:s26+$0xFFFFFFA0];
	v7 =	vadd.s32 v8, v12;
	v19 =	vadd.s32 v10, v12;
	v12 =	vbroadcast v13, $0x0  }
0x40: {  	v27 =	vld [tilespmem:s26+$0xFFFFFFC0];
	v17 =	vor.u32 $0x1, v7;
	v7 =	vshrl.u32 v16, $0x3;
	v16 =	vadd.s32 v8, v15  }
0x41: {  	v14 =	vshll.u32 v14, v1;
	v13 =	vld [tilespmem:s26+$0x60];
	v15 =	vadd.s32 v10, v15;
	v16 =	vor.u32 $0x7, v16  }
0x42: {  	v29 =	vld [tilespmem:s26+$0xFFFFFFD0];
	v18 =	vshll.u32 v7, v1;
	v24 =	vor.u32 $0x7, v15;
	v15 =	vadd.s32 v8, v12  }
0x43: {  	v5 =	vld [tilespmem:s26+$0x30];
	v22 =	vbroadcast v18, $0x0;
	v12 =	vadd.s32 v10, v12;
	v28 =	vor.u32 $0x2, v15  }
0x44: {  	v31 =	vbroadcast v14, $0x0;
	v20 =	vor.u32 $0x1, v19;
	v7 =	vld [tilespmem:s26+$0x20];
	v30 =	vor.u32 $0x2, v12  }
0x45: {  	v18 =	vld [tilespmem:s26+$0xFFFFFFB0];
	v9 =	vadd.s32 v8, v22;
	v14 =	vadd.s32 v10, v22;
	v22 =	vbroadcast v11, $0x0;
	[tilespmem:v17+s30+$0x0] =	vst.idx.msk $0xffff, v25  }
0x46: {  	v15 =	vld [tilespmem:s26+$0x0];
	v11 =	vadd.s32 v8, v21;
	v21 =	vadd.s32 v10, v21;
	v12 =	vor.u32 $0x4, v9;
	[tilespmem:v16+s30+$0x0] =	vst.idx.msk $0xffff, v13  }
0x47: {  	v9 =	vadd.s32 v26, v10;
	v17 =	vld [tilespmem:s26+$0x40];
	v19 =	vor.u32 $0x6, v11;
	v11 =	vor.u32 $0x4, v14;
	[tilespmem:v24+s30+$0x0] =	vst.idx.msk $0xffff, v23  }
0x48: {  	v14 =	vor.u32 $0x6, v21;
	v21 =	vld [tilespmem:s26+$0x50];
	v25 =	vadd.s32 v10, v22;
	v13 =	vadd.s32 v26, v8;
	[tilespmem:v28+s30+$0x0] =	vst.idx.msk $0xffff, v27  }
0x49: {  	s11 =	simm.s32 $0x6580;
	s22 =	sshll.u32 s19, $0xA;
	v16 =	vld [tilespmem:s26+$0xFFFFFF80];
	v24 =	vadd.s32 v8, v31;
	v23 =	vadd.s32 v10, v31;
	v10 =	vor.u32 $0x5, v25;
	[tilespmem:v30+s30+$0x0] =	vst.idx.msk $0xffff, v29  }
.LBB2_3:
0x4a: {  	s5 =	sadd.s32 $0x9, s24  }
0x4b: {  	s10 =	sadd.s32 $0xA, s24;
	v25 =	vld [tilespmem:s11+$0xFFFFFFE0];
	[tilespmem:v20+s30+$0x0] =	vst.idx.msk $0xffff, v18;
	v18 =	vor.u32 $0x3, v24;
	v8 =	vadd.s32 v8, v22;
	s13 =	smov.u32 s24;
	s24 =	sadd.s32 $0x8, s24  }
0x4c: {  	v22 =	vor.u32 $0x3, v23;
	s15 =	sshrl.u32 s24, $0x7;
	s16 =	sand.u32 $0x78, s24;
	s5 =	sand.u32 $0x78, s5;
	v20 =	vld [tilespmem:s11+$0x10];
	[tilespmem:v12+s30+$0x0] =	vst.idx.msk $0xffff, v15;
	v8 =	vor.u32 $0x5, v8  }
0x4d: {  	v12 =	vmov s15;
	v15 =	vmov s16;
	v23 =	vmov s5;
	s5 =	sadd.s32 $0xD, s13;
	s15 =	sadd.s32 $0xE, s13;
	s16 =	sadd.s32 $0xF, s13;
	[tilespmem:v19+s30+$0x0] =	vst.idx.msk $0xffff, v17  }
0x4e: {  	v15 =	vshrl.u32 v15, $0x3;
	v12 =	vmul.u32 $0x1100, v12;
	v17 =	vshrl.u32 v23, $0x3;
	s5 =	sand.u32 $0x78, s5;
	s15 =	sand.u32 $0x78, s15;
	s16 =	sand.u32 $0x78, s16;
	[tilespmem:v13+s30+$0x0] =	vst.idx.msk $0xffff, v16;
	v13 =	vld [tilespmem:s26+$0xFFFFFFF0]  }
0x4f: {  	s10 =	sand.u32 $0x78, s10;
	s18 =	sadd.s32 $0xB, s13;
	s13 =	sadd.s32 $0xC, s13;
	v16 =	vmov s5;
	v19 =	vmov s15;
	v23 =	vmov s16;
	[tilespmem:v14+s30+$0x0] =	vst.idx.msk $0xffff, v21  }
0x50: {  	p1 =	slt.u32 s24, $0x1F8;
	s26 =	smov.u32 s11;
	v14 =	vmov s10;
	s5 =	sand.u32 $0x78, s13;
	v16 =	vshrl.u32 v16, $0x3;
	v19 =	vshrl.u32 v19, $0x3;
	[tilespmem:v18+s30+$0x0] =	vst.idx.msk $0xffff, v3;
	v3 =	vmovc v25  }
0x51: {  	v12 =	vbroadcast v12, $0x0;
	v16 =	vshll.u32 v16, v1;
	v18 =	vshll.u32 v19, v1;
	[tilespmem:v8+s30+$0x0] =	vst.idx.msk $0xffff, v7  }
0x52: {  	s10 =	sand.u32 $0x78, s18;
	v7 =	vshll.u32 v17, v1;
	v8 =	vshrl.u32 v14, $0x3;
	v14 =	vshrl.u32 v23, $0x3;
	[tilespmem:v11+s30+$0x0] =	vst.idx.msk $0xffff, v4;
	v4 =	vmovc v20  }
0x53: {  	v11 =	vbroadcast v7, $0x0;
	v17 =	vshll.u32 v8, v1;
	v7 =	vshll.u32 v14, v1;
	[tilespmem:v22+s30+$0x0] =	vst.idx.msk $0xffff, v13  }
0x54: {  	v8 =	vadd.s32 v0, v12;
	v13 =	vmov s10;
	v14 =	vbroadcast v7, $0x0;
	[tilespmem:v9+s30+$0x0] =	vst.idx.msk $0xffff, v6  }
0x55: {  	v21 =	vbroadcast v18, $0x0;
	v7 =	vadd.s32 v8, v11;
	v9 =	vmov s5;
	[tilespmem:v10+s30+$0x0] =	vst.idx.msk $0xffff, v5;
	v5 =	vld [tilespmem:s11+$0x30]  }
0x56: {  	v10 =	vor.u32 $0x1, v7;
	v7 =	vshrl.u32 v9, $0x3;
	v9 =	vadd.s32 v8, v14;
	v6 =	vld [tilespmem:s11+$0xFFFFFF90]  }
0x57: {  	v23 =	vadd.s32 v2, v12;
	v12 =	vshll.u32 v7, v1;
	v19 =	vor.u32 $0x7, v9;
	v7 =	vld [tilespmem:s11+$0x20]  }
0x58: {  	v11 =	vadd.s32 v23, v11;
	v14 =	vadd.s32 v23, v14;
	v9 =	vbroadcast v17, $0x0;
	v17 =	vld [tilespmem:s11+$0x60]  }
0x59: {  	v13 =	vshrl.u32 v13, $0x3;
	v14 =	vor.u32 $0x7, v14;
	v22 =	vbroadcast v12, $0x0;
	v24 =	vld [tilespmem:s11+$0x70]  }
0x5a: {  	v12 =	vshll.u32 v15, v1;
	v15 =	vadd.s32 v8, v9;
	v9 =	vadd.s32 v23, v9;
	v25 =	vld [tilespmem:s11+$0xFFFFFFA0]  }
0x5b: {  	v26 =	vbroadcast v12, $0x0;
	v28 =	vor.u32 $0x2, v15;
	v12 =	vadd.s32 v8, v22;
	v27 =	vld [tilespmem:s11+$0xFFFFFFC0]  }
0x5c: {  	v13 =	vshll.u32 v13, v1;
	v30 =	vor.u32 $0x2, v9;
	v12 =	vor.u32 $0x4, v12;
	v29 =	vld [tilespmem:s11+$0xFFFFFFD0]  }
.Ltmp2:
0x5d: {  	v20 =	vor.u32 $0x1, v11;
	v31 =	vbroadcast v13, $0x0;
	v9 =	vadd.s32 v26, v23;
	v18 =	vld [tilespmem:s11+$0xFFFFFFB0];
	[tilespmem:v19+s30+$0x0] =	vst.idx.msk $0xffff, v17;
	(pc) =	sbr.rel @p1 .LBB2_3-.Ltmp2, $4  }
0x5e: {  	v11 =	vadd.s32 v23, v22;
	v22 =	vbroadcast v16, $0x0;
	v16 =	vadd.s32 v8, v21;
	v15 =	vld [tilespmem:s11+$0x0];
	[tilespmem:v14+s30+$0x0] =	vst.idx.msk $0xffff, v24  }
0x5f: {  	v13 =	vadd.s32 v26, v8;
	v19 =	vor.u32 $0x6, v16;
	[tilespmem:v10+s30+$0x0] =	vst.idx.msk $0xffff, v25;
	v17 =	vld [tilespmem:s11+$0x40];
	v10 =	vadd.s32 v23, v21  }
0x60: {  	v11 =	vor.u32 $0x4, v11;
	v21 =	vadd.s32 v23, v22;
	v16 =	vld [tilespmem:s11+$0xFFFFFF80];
	[tilespmem:v28+s30+$0x0] =	vst.idx.msk $0xffff, v27;
	v14 =	vor.u32 $0x6, v10  }
0x61: {  	v24 =	vadd.s32 v8, v31;
	v23 =	vadd.s32 v23, v31;
	v10 =	vor.u32 $0x5, v21;
	s11 =	sadd.s32 $0x100, s11;
	[tilespmem:v30+s30+$0x0] =	vst.idx.msk $0xffff, v29;
	v21 =	vld [tilespmem:s26+$0x50]  }
0x62: {  	_ =	sdelay $0x3  }
0x63: {  	[tilespmem:v20+s30+$0x0] =	vst.idx.msk $0xffff, v18  }
0x64: {  	[tilespmem:v12+s30+$0x0] =	vst.idx.msk $0xffff, v15  }
0x65: {  	v61 =	vor.u32 $0x3, v24;
	v8 =	vadd.s32 v8, v22;
	[tilespmem:v19+s30+$0x0] =	vst.idx.msk $0xffff, v17  }
0x66: {  	v8 =	vor.u32 $0x5, v8;
	[tilespmem:v11+s30+$0x0] =	vst.idx.msk $0xffff, v4  }
0x67: {  	v62 =	vor.u32 $0x3, v23;
	v63 =	vld [tilespmem:s26+$0xFFFFFFF0];
	[tilespmem:v13+s30+$0x0] =	vst.idx.msk $0xffff, v16  }
0x68: {  	[tilespmem:v14+s30+$0x0] =	vst.idx.msk $0xffff, v21  }
0x69: {  	[tilespmem:v9+s30+$0x0] =	vst.idx.msk $0xffff, v6  }
0x6a: {  	s24 =	sshll.u32 s19, $0x14;
	[tilespmem:v61+s30+$0x0] =	vst.idx.msk $0xffff, v3  }
0x6b: {  	s5 =	sor.u32 s6, s24;
	[tilespmem:v8+s30+$0x0] =	vst.idx.msk $0xffff, v7  }
0x6c: {  	s5 =	sshrl.u32 s5, $0x3;
	[tilespmem:v62+s30+$0x0] =	vst.idx.msk $0xffff, v63  }
0x6d: {  	s5 =	sadd.s32 s2, s5;
	[tilespmem:v10+s30+$0x0] =	vst.idx.msk $0xffff, v5  }
0x6e: {  	[hbm4b:s5+s3] =	stream.linear.scatter [tilespmem:s30], [sflag:$0x3], $0x80, $0x38;
	[tilespmem:$0x16C00] =	vst v63  }
0x6f: {  	s11 =	simm.s32 $0xE488;
	s10 =	sadd.s32 $0x10, s5  }
0x70: {  	[hbm4b:s10+s3] =	stream.linear.scatter [tilespmem:s11], [sflag:$0x3], $0x80, $0x38;
	[tilespmem:$0x16C00] =	vst v63  }
0x71: {  	s13 =	simm.s32 $0xE510;
	s11 =	sadd.s32 $0x20, s5  }
0x72: {  	[hbm4b:s11+s3] =	stream.linear.scatter [tilespmem:s13], [sflag:$0x3], $0x80, $0x38;
	[tilespmem:$0x16C00] =	vst v63  }
0x73: {  	s16 =	simm.s32 $0xE598;
	s15 =	sadd.s32 $0x30, s5  }
0x74: {  	[hbm4b:s15+s3] =	stream.linear.scatter [tilespmem:s16], [sflag:$0x3], $0x80, $0x38;
	[tilespmem:$0x16C00] =	vst v63  }
0x75: {  	s26 =	simm.s32 $0xE620;
	s18 =	sadd.s32 $0x40, s5  }
0x76: {  	[hbm4b:s18+s3] =	stream.linear.scatter [tilespmem:s26], [sflag:$0x3], $0x80, $0x38;
	[tilespmem:$0x16C00] =	vst v63  }
0x77: {  	s11 =	sadd.s32 $0x50, s5;
	s13 =	simm.s32 $0xE6A8  }
0x78: {  	[hbm4b:s11+s3] =	stream.linear.scatter [tilespmem:s13], [sflag:$0x3], $0x80, $0x38;
	[tilespmem:$0x16C00] =	vst v63  }
0x79: {  	s15 =	sadd.s32 $0x60, s5;
	s16 =	simm.s32 $0xE730  }
0x7a: {  	[hbm4b:s15+s3] =	stream.linear.scatter [tilespmem:s16], [sflag:$0x3], $0x80, $0x38;
	[tilespmem:$0x16C00] =	vst v63  }
0x7b: {  	s18 =	sadd.s32 $0x70, s5;
	s26 =	simm.s32 $0xE7B8  }
0x7c: {  	[hbm4b:s18+s3] =	stream.linear.scatter [tilespmem:s26], [sflag:$0x3], $0x80, $0x38;
	[tilespmem:$0x16C00] =	vst v63  }
0x7d: {  	s11 =	sadd.s32 $0x4000, s5;
	s13 =	simm.s32 $0xE840  }
0x7e: {  	[hbm4b:s11+s3] =	stream.linear.scatter [tilespmem:s13], [sflag:$0x3], $0x80, $0x38;
	[tilespmem:$0x16C00] =	vst v63  }
0x7f: {  	s15 =	sadd.s32 $0x4010, s5;
	s16 =	simm.s32 $0xE8C8  }
0x80: {  	[hbm4b:s15+s3] =	stream.linear.scatter [tilespmem:s16], [sflag:$0x3], $0x80, $0x38;
	[tilespmem:$0x16C00] =	vst v63  }
0x81: {  	s18 =	sadd.s32 $0x4020, s5;
	s26 =	simm.s32 $0xE950  }
0x82: {  	[hbm4b:s18+s3] =	stream.linear.scatter [tilespmem:s26], [sflag:$0x3], $0x80, $0x38;
	[tilespmem:$0x16C00] =	vst v63  }
0x83: {  	s11 =	sadd.s32 $0x4030, s5;
	s13 =	simm.s32 $0xE9D8  }
0x84: {  	[hbm4b:s11+s3] =	stream.linear.scatter [tilespmem:s13], [sflag:$0x3], $0x80, $0x38;
	[tilespmem:$0x16C00] =	vst v63  }
0x85: {  	s15 =	sadd.s32 $0x4040, s5;
	s16 =	simm.s32 $0xEA60  }
0x86: {  	[hbm4b:s15+s3] =	stream.linear.scatter [tilespmem:s16], [sflag:$0x3], $0x80, $0x38;
	[tilespmem:$0x16C00] =	vst v63  }
0x87: {  	s18 =	sadd.s32 $0x4050, s5;
	s26 =	simm.s32 $0xEAE8  }
0x88: {  	[hbm4b:s18+s3] =	stream.linear.scatter [tilespmem:s26], [sflag:$0x3], $0x80, $0x38;
	[tilespmem:$0x16C00] =	vst v63  }
0x89: {  	s11 =	sadd.s32 $0x4060, s5;
	s13 =	simm.s32 $0xEB70  }
0x8a: {  	[hbm4b:s11+s3] =	stream.linear.scatter [tilespmem:s13], [sflag:$0x3], $0x80, $0x38;
	[tilespmem:$0x16C00] =	vst v63  }
0x8b: {  	s15 =	sadd.s32 $0x4070, s5;
	s16 =	simm.s32 $0xEBF8  }
0x8c: {  	[hbm4b:s15+s3] =	stream.linear.scatter [tilespmem:s16], [sflag:$0x3], $0x80, $0x38;
	[tilespmem:$0x16C00] =	vst v63  }
0x8d: {  	s18 =	sadd.s32 $0x8000, s5;
	s26 =	simm.s32 $0xEC80  }
0x8e: {  	[hbm4b:s18+s3] =	stream.linear.scatter [tilespmem:s26], [sflag:$0x3], $0x80, $0x38;
	[tilespmem:$0x16C00] =	vst v63  }
0x8f: {  	s11 =	sadd.s32 $0x8010, s5;
	s13 =	simm.s32 $0xED08  }
0x90: {  	[hbm4b:s11+s3] =	stream.linear.scatter [tilespmem:s13], [sflag:$0x3], $0x80, $0x38;
	[tilespmem:$0x16C00] =	vst v63  }
0x91: {  	s15 =	sadd.s32 $0x8020, s5;
	s16 =	simm.s32 $0xED90  }
0x92: {  	[hbm4b:s15+s3] =	stream.linear.scatter [tilespmem:s16], [sflag:$0x3], $0x80, $0x38;
	[tilespmem:$0x16C00] =	vst v63  }
0x93: {  	s18 =	sadd.s32 $0x8030, s5;
	s26 =	simm.s32 $0xEE18  }
0x94: {  	[hbm4b:s18+s3] =	stream.linear.scatter [tilespmem:s26], [sflag:$0x3], $0x80, $0x38;
	[tilespmem:$0x16C00] =	vst v63  }
0x95: {  	s11 =	sadd.s32 $0x8040, s5;
	s13 =	simm.s32 $0xEEA0  }
0x96: {  	[hbm4b:s11+s3] =	stream.linear.scatter [tilespmem:s13], [sflag:$0x3], $0x80, $0x38;
	[tilespmem:$0x16C00] =	vst v63  }
0x97: {  	s15 =	sadd.s32 $0x8050, s5;
	s16 =	simm.s32 $0xEF28  }
0x98: {  	[hbm4b:s15+s3] =	stream.linear.scatter [tilespmem:s16], [sflag:$0x3], $0x80, $0x38;
	[tilespmem:$0x16C00] =	vst v63  }
0x99: {  	s18 =	sadd.s32 $0x8060, s5;
	s26 =	simm.s32 $0xEFB0  }
0x9a: {  	[hbm4b:s18+s3] =	stream.linear.scatter [tilespmem:s26], [sflag:$0x3], $0x80, $0x38;
	[tilespmem:$0x16C00] =	vst v63  }
0x9b: {  	s11 =	sadd.s32 $0x8070, s5;
	s13 =	simm.s32 $0xF038  }
0x9c: {  	[hbm4b:s11+s3] =	stream.linear.scatter [tilespmem:s13], [sflag:$0x3], $0x80, $0x38;
	[tilespmem:$0x16C00] =	vst v63  }
0x9d: {  	s15 =	sadd.s32 $0xC000, s5;
	s16 =	simm.s32 $0xF0C0  }
0x9e: {  	[hbm4b:s15+s3] =	stream.linear.scatter [tilespmem:s16], [sflag:$0x3], $0x80, $0x38;
	[tilespmem:$0x16C00] =	vst v63  }
0x9f: {  	s18 =	sadd.s32 $0xC010, s5;
	s26 =	simm.s32 $0xF148  }
0xa0: {  	[hbm4b:s18+s3] =	stream.linear.scatter [tilespmem:s26], [sflag:$0x3], $0x80, $0x38;
	[tilespmem:$0x16C00] =	vst v63  }
0xa1: {  	s11 =	sadd.s32 $0xC020, s5;
	s13 =	simm.s32 $0xF1D0  }
0xa2: {  	[hbm4b:s11+s3] =	stream.linear.scatter [tilespmem:s13], [sflag:$0x3], $0x80, $0x38;
	[tilespmem:$0x16C00] =	vst v63  }
0xa3: {  	s15 =	sadd.s32 $0xC030, s5;
	s16 =	simm.s32 $0xF258  }
0xa4: {  	[hbm4b:s15+s3] =	stream.linear.scatter [tilespmem:s16], [sflag:$0x3], $0x80, $0x38;
	[tilespmem:$0x16C00] =	vst v63  }
0xa5: {  	s18 =	sadd.s32 $0xC040, s5;
	s26 =	simm.s32 $0xF2E0  }
0xa6: {  	[hbm4b:s18+s3] =	stream.linear.scatter [tilespmem:s26], [sflag:$0x3], $0x80, $0x38;
	[tilespmem:$0x16C00] =	vst v63  }
0xa7: {  	s13 =	sadd.s32 $0xC050, s5;
	s15 =	simm.s32 $0xF368  }
0xa8: {  	[hbm4b:s13+s3] =	stream.linear.scatter [tilespmem:s15], [sflag:$0x3], $0x80, $0x38;
	[tilespmem:$0x16C00] =	vst v63  }
0xa9: {  	s16 =	sadd.s32 $0xC060, s5;
	s18 =	simm.s32 $0xF3F0  }
0xaa: {  	[hbm4b:s16+s3] =	stream.linear.scatter [tilespmem:s18], [sflag:$0x3], $0x80, $0x38;
	[tilespmem:$0x16C00] =	vst v63  }
0xab: {  	s11 =	sor.u32 s7, s24;
	s5 =	sadd.s32 $0xC070, s5;
	s26 =	simm.s32 $0xF478  }
0xac: {  	[hbm4b:s5+s3] =	stream.linear.scatter [tilespmem:s26], [sflag:$0x3], $0x80, $0x38;
	[tilespmem:$0x16C00] =	vst v63  }
0xad: {  	s5 =	sshrl.u32 s11, $0x3  }
0xae: {  	s13 =	simm.s32 $0xF500;
	s5 =	sadd.s32 s2, s5  }
0xaf: {  	[hbm4b:s5+s3] =	stream.linear.scatter [tilespmem:s13], [sflag:$0x3], $0x80, $0x38;
	[tilespmem:$0x16C00] =	vst v63  }
0xb0: {  	s16 =	simm.s32 $0xF588;
	s15 =	sadd.s32 $0x10, s5  }
0xb1: {  	[hbm4b:s15+s3] =	stream.linear.scatter [tilespmem:s16], [sflag:$0x3], $0x80, $0x38;
	[tilespmem:$0x16C00] =	vst v63  }
0xb2: {  	s26 =	simm.s32 $0xF610;
	s18 =	sadd.s32 $0x20, s5  }
0xb3: {  	[hbm4b:s18+s3] =	stream.linear.scatter [tilespmem:s26], [sflag:$0x3], $0x80, $0x38;
	[tilespmem:$0x16C00] =	vst v63  }
0xb4: {  	s11 =	sadd.s32 $0x30, s5;
	s13 =	simm.s32 $0xF698  }
0xb5: {  	[hbm4b:s11+s3] =	stream.linear.scatter [tilespmem:s13], [sflag:$0x3], $0x80, $0x38;
	[tilespmem:$0x16C00] =	vst v63  }
0xb6: {  	s15 =	sadd.s32 $0x40, s5;
	s16 =	simm.s32 $0xF720  }
0xb7: {  	[hbm4b:s15+s3] =	stream.linear.scatter [tilespmem:s16], [sflag:$0x3], $0x80, $0x38;
	[tilespmem:$0x16C00] =	vst v63  }
0xb8: {  	s18 =	sadd.s32 $0x50, s5;
	s26 =	simm.s32 $0xF7A8  }
0xb9: {  	[hbm4b:s18+s3] =	stream.linear.scatter [tilespmem:s26], [sflag:$0x3], $0x80, $0x38;
	[tilespmem:$0x16C00] =	vst v63  }
0xba: {  	s11 =	sadd.s32 $0x60, s5;
	s13 =	simm.s32 $0xF830  }
0xbb: {  	[hbm4b:s11+s3] =	stream.linear.scatter [tilespmem:s13], [sflag:$0x3], $0x80, $0x38;
	[tilespmem:$0x16C00] =	vst v63  }
0xbc: {  	s15 =	sadd.s32 $0x70, s5;
	s16 =	simm.s32 $0xF8B8  }
0xbd: {  	[hbm4b:s15+s3] =	stream.linear.scatter [tilespmem:s16], [sflag:$0x3], $0x80, $0x38;
	[tilespmem:$0x16C00] =	vst v63  }
0xbe: {  	s18 =	sadd.s32 $0x4000, s5;
	s26 =	simm.s32 $0xF940  }
0xbf: {  	[hbm4b:s18+s3] =	stream.linear.scatter [tilespmem:s26], [sflag:$0x3], $0x80, $0x38;
	[tilespmem:$0x16C00] =	vst v63  }
0xc0: {  	s11 =	sadd.s32 $0x4010, s5;
	s13 =	simm.s32 $0xF9C8  }
0xc1: {  	[hbm4b:s11+s3] =	stream.linear.scatter [tilespmem:s13], [sflag:$0x3], $0x80, $0x38;
	[tilespmem:$0x16C00] =	vst v63  }
0xc2: {  	s15 =	sadd.s32 $0x4020, s5;
	s16 =	simm.s32 $0xFA50  }
0xc3: {  	[hbm4b:s15+s3] =	stream.linear.scatter [tilespmem:s16], [sflag:$0x3], $0x80, $0x38;
	[tilespmem:$0x16C00] =	vst v63  }
0xc4: {  	s18 =	sadd.s32 $0x4030, s5;
	s26 =	simm.s32 $0xFAD8  }
0xc5: {  	[hbm4b:s18+s3] =	stream.linear.scatter [tilespmem:s26], [sflag:$0x3], $0x80, $0x38;
	[tilespmem:$0x16C00] =	vst v63  }
0xc6: {  	s11 =	sadd.s32 $0x4040, s5;
	s13 =	simm.s32 $0xFB60  }
0xc7: {  	[hbm4b:s11+s3] =	stream.linear.scatter [tilespmem:s13], [sflag:$0x3], $0x80, $0x38;
	[tilespmem:$0x16C00] =	vst v63  }
0xc8: {  	s15 =	sadd.s32 $0x4050, s5;
	s16 =	simm.s32 $0xFBE8  }
0xc9: {  	[hbm4b:s15+s3] =	stream.linear.scatter [tilespmem:s16], [sflag:$0x3], $0x80, $0x38;
	[tilespmem:$0x16C00] =	vst v63  }
0xca: {  	s18 =	sadd.s32 $0x4060, s5;
	s26 =	simm.s32 $0xFC70  }
0xcb: {  	[hbm4b:s18+s3] =	stream.linear.scatter [tilespmem:s26], [sflag:$0x3], $0x80, $0x38;
	[tilespmem:$0x16C00] =	vst v63  }
0xcc: {  	s11 =	sadd.s32 $0x4070, s5;
	s13 =	simm.s32 $0xFCF8  }
0xcd: {  	[hbm4b:s11+s3] =	stream.linear.scatter [tilespmem:s13], [sflag:$0x3], $0x80, $0x38;
	[tilespmem:$0x16C00] =	vst v63  }
0xce: {  	s15 =	sadd.s32 $0x8000, s5;
	s16 =	simm.s32 $0xFD80  }
0xcf: {  	[hbm4b:s15+s3] =	stream.linear.scatter [tilespmem:s16], [sflag:$0x3], $0x80, $0x38;
	[tilespmem:$0x16C00] =	vst v63  }
0xd0: {  	s18 =	sadd.s32 $0x8010, s5;
	s26 =	simm.s32 $0xFE08  }
0xd1: {  	[hbm4b:s18+s3] =	stream.linear.scatter [tilespmem:s26], [sflag:$0x3], $0x80, $0x38;
	[tilespmem:$0x16C00] =	vst v63  }
0xd2: {  	s11 =	sadd.s32 $0x8020, s5;
	s13 =	simm.s32 $0xFE90  }
0xd3: {  	[hbm4b:s11+s3] =	stream.linear.scatter [tilespmem:s13], [sflag:$0x3], $0x80, $0x38;
	[tilespmem:$0x16C00] =	vst v63  }
0xd4: {  	s15 =	sadd.s32 $0x8030, s5;
	s16 =	simm.s32 $0xFF18  }
0xd5: {  	[hbm4b:s15+s3] =	stream.linear.scatter [tilespmem:s16], [sflag:$0x3], $0x80, $0x38;
	[tilespmem:$0x16C00] =	vst v63  }
0xd6: {  	s18 =	sadd.s32 $0x8040, s5;
	s26 =	simm.s32 $0xFFA0  }
0xd7: {  	[hbm4b:s18+s3] =	stream.linear.scatter [tilespmem:s26], [sflag:$0x3], $0x80, $0x38;
	[tilespmem:$0x16C00] =	vst v63  }
0xd8: {  	s11 =	sadd.s32 $0x8050, s5;
	s13 =	simm.s32 $0x10028  }
0xd9: {  	[hbm4b:s11+s3] =	stream.linear.scatter [tilespmem:s13], [sflag:$0x3], $0x80, $0x38;
	[tilespmem:$0x16C00] =	vst v63  }
0xda: {  	s15 =	sadd.s32 $0x8060, s5;
	s16 =	simm.s32 $0x100B0  }
0xdb: {  	[hbm4b:s15+s3] =	stream.linear.scatter [tilespmem:s16], [sflag:$0x3], $0x80, $0x38;
	[tilespmem:$0x16C00] =	vst v63  }
0xdc: {  	s18 =	sadd.s32 $0x8070, s5;
	s26 =	simm.s32 $0x10138  }
0xdd: {  	[hbm4b:s18+s3] =	stream.linear.scatter [tilespmem:s26], [sflag:$0x3], $0x80, $0x38;
	[tilespmem:$0x16C00] =	vst v63  }
0xde: {  	s11 =	sadd.s32 $0xC000, s5;
	s13 =	simm.s32 $0x101C0  }
0xdf: {  	[hbm4b:s11+s3] =	stream.linear.scatter [tilespmem:s13], [sflag:$0x3], $0x80, $0x38;
	[tilespmem:$0x16C00] =	vst v63  }
0xe0: {  	s15 =	sadd.s32 $0xC010, s5;
	s16 =	simm.s32 $0x10248  }
0xe1: {  	[hbm4b:s15+s3] =	stream.linear.scatter [tilespmem:s16], [sflag:$0x3], $0x80, $0x38;
	[tilespmem:$0x16C00] =	vst v63  }
0xe2: {  	s18 =	sadd.s32 $0xC020, s5;
	s26 =	simm.s32 $0x102D0  }
0xe3: {  	[hbm4b:s18+s3] =	stream.linear.scatter [tilespmem:s26], [sflag:$0x3], $0x80, $0x38;
	[tilespmem:$0x16C00] =	vst v63  }
0xe4: {  	s11 =	sadd.s32 $0xC030, s5;
	s13 =	simm.s32 $0x10358  }
0xe5: {  	[hbm4b:s11+s3] =	stream.linear.scatter [tilespmem:s13], [sflag:$0x3], $0x80, $0x38;
	[tilespmem:$0x16C00] =	vst v63  }
0xe6: {  	s15 =	sadd.s32 $0xC040, s5;
	s16 =	simm.s32 $0x103E0  }
0xe7: {  	[hbm4b:s15+s3] =	stream.linear.scatter [tilespmem:s16], [sflag:$0x3], $0x80, $0x38;
	[tilespmem:$0x16C00] =	vst v63  }
0xe8: {  	s18 =	sadd.s32 $0xC050, s5;
	s26 =	simm.s32 $0x10468  }
0xe9: {  	[hbm4b:s18+s3] =	stream.linear.scatter [tilespmem:s26], [sflag:$0x3], $0x80, $0x38;
	[tilespmem:$0x16C00] =	vst v63  }
0xea: {  	s13 =	sadd.s32 $0xC060, s5;
	s15 =	simm.s32 $0x104F0  }
0xeb: {  	[hbm4b:s13+s3] =	stream.linear.scatter [tilespmem:s15], [sflag:$0x3], $0x80, $0x38;
	[tilespmem:$0x16C00] =	vst v63  }
0xec: {  	s5 =	sadd.s32 $0xC070, s5;
	s16 =	simm.s32 $0x10578;
	s18 =	sor.u32 s8, s24  }
0xed: {  	[hbm4b:s5+s3] =	stream.linear.scatter [tilespmem:s16], [sflag:$0x3], $0x80, $0x38;
	[tilespmem:$0x16C00] =	vst v63  }
0xee: {  	s5 =	sshrl.u32 s18, $0x3  }
0xef: {  	s26 =	simm.s32 $0x10600;
	s5 =	sadd.s32 s2, s5  }
0xf0: {  	[hbm4b:s5+s3] =	stream.linear.scatter [tilespmem:s26], [sflag:$0x3], $0x80, $0x38;
	[tilespmem:$0x16C00] =	vst v63  }
0xf1: {  	s13 =	simm.s32 $0x10688;
	s11 =	sadd.s32 $0x10, s5  }
0xf2: {  	[hbm4b:s11+s3] =	stream.linear.scatter [tilespmem:s13], [sflag:$0x3], $0x80, $0x38;
	[tilespmem:$0x16C00] =	vst v63  }
0xf3: {  	s16 =	simm.s32 $0x10710;
	s15 =	sadd.s32 $0x20, s5  }
0xf4: {  	[hbm4b:s15+s3] =	stream.linear.scatter [tilespmem:s16], [sflag:$0x3], $0x80, $0x38;
	[tilespmem:$0x16C00] =	vst v63  }
0xf5: {  	s18 =	sadd.s32 $0x30, s5;
	s26 =	simm.s32 $0x10798  }
0xf6: {  	[hbm4b:s18+s3] =	stream.linear.scatter [tilespmem:s26], [sflag:$0x3], $0x80, $0x38;
	[tilespmem:$0x16C00] =	vst v63  }
0xf7: {  	s11 =	sadd.s32 $0x40, s5;
	s13 =	simm.s32 $0x10820  }
0xf8: {  	[hbm4b:s11+s3] =	stream.linear.scatter [tilespmem:s13], [sflag:$0x3], $0x80, $0x38;
	[tilespmem:$0x16C00] =	vst v63  }
0xf9: {  	s15 =	sadd.s32 $0x50, s5;
	s16 =	simm.s32 $0x108A8  }
0xfa: {  	[hbm4b:s15+s3] =	stream.linear.scatter [tilespmem:s16], [sflag:$0x3], $0x80, $0x38;
	[tilespmem:$0x16C00] =	vst v63  }
0xfb: {  	s18 =	sadd.s32 $0x60, s5;
	s26 =	simm.s32 $0x10930  }
0xfc: {  	[hbm4b:s18+s3] =	stream.linear.scatter [tilespmem:s26], [sflag:$0x3], $0x80, $0x38;
	[tilespmem:$0x16C00] =	vst v63  }
0xfd: {  	s11 =	sadd.s32 $0x70, s5;
	s13 =	simm.s32 $0x109B8  }
0xfe: {  	[hbm4b:s11+s3] =	stream.linear.scatter [tilespmem:s13], [sflag:$0x3], $0x80, $0x38;
	[tilespmem:$0x16C00] =	vst v63  }
0xff: {  	s15 =	sadd.s32 $0x4000, s5;
	s16 =	simm.s32 $0x10A40  }
0x100: {  	[hbm4b:s15+s3] =	stream.linear.scatter [tilespmem:s16], [sflag:$0x3], $0x80, $0x38;
	[tilespmem:$0x16C00] =	vst v63  }
0x101: {  	s18 =	sadd.s32 $0x4010, s5;
	s26 =	simm.s32 $0x10AC8  }
0x102: {  	[hbm4b:s18+s3] =	stream.linear.scatter [tilespmem:s26], [sflag:$0x3], $0x80, $0x38;
	[tilespmem:$0x16C00] =	vst v63  }
0x103: {  	s11 =	sadd.s32 $0x4020, s5;
	s13 =	simm.s32 $0x10B50  }
0x104: {  	[hbm4b:s11+s3] =	stream.linear.scatter [tilespmem:s13], [sflag:$0x3], $0x80, $0x38;
	[tilespmem:$0x16C00] =	vst v63  }
0x105: {  	s15 =	sadd.s32 $0x4030, s5;
	s16 =	simm.s32 $0x10BD8  }
0x106: {  	[hbm4b:s15+s3] =	stream.linear.scatter [tilespmem:s16], [sflag:$0x3], $0x80, $0x38;
	[tilespmem:$0x16C00] =	vst v63  }
0x107: {  	s18 =	sadd.s32 $0x4040, s5;
	s26 =	simm.s32 $0x10C60  }
0x108: {  	[hbm4b:s18+s3] =	stream.linear.scatter [tilespmem:s26], [sflag:$0x3], $0x80, $0x38;
	[tilespmem:$0x16C00] =	vst v63  }
0x109: {  	s11 =	sadd.s32 $0x4050, s5;
	s13 =	simm.s32 $0x10CE8  }
0x10a: {  	[hbm4b:s11+s3] =	stream.linear.scatter [tilespmem:s13], [sflag:$0x3], $0x80, $0x38;
	[tilespmem:$0x16C00] =	vst v63  }
0x10b: {  	s15 =	sadd.s32 $0x4060, s5;
	s16 =	simm.s32 $0x10D70  }
0x10c: {  	[hbm4b:s15+s3] =	stream.linear.scatter [tilespmem:s16], [sflag:$0x3], $0x80, $0x38;
	[tilespmem:$0x16C00] =	vst v63  }
0x10d: {  	s18 =	sadd.s32 $0x4070, s5;
	s26 =	simm.s32 $0x10DF8  }
0x10e: {  	[hbm4b:s18+s3] =	stream.linear.scatter [tilespmem:s26], [sflag:$0x3], $0x80, $0x38;
	[tilespmem:$0x16C00] =	vst v63  }
0x10f: {  	s11 =	sadd.s32 $0x8000, s5;
	s13 =	simm.s32 $0x10E80  }
0x110: {  	[hbm4b:s11+s3] =	stream.linear.scatter [tilespmem:s13], [sflag:$0x3], $0x80, $0x38;
	[tilespmem:$0x16C00] =	vst v63  }
0x111: {  	s15 =	sadd.s32 $0x8010, s5;
	s16 =	simm.s32 $0x10F08  }
0x112: {  	[hbm4b:s15+s3] =	stream.linear.scatter [tilespmem:s16], [sflag:$0x3], $0x80, $0x38;
	[tilespmem:$0x16C00] =	vst v63  }
0x113: {  	s18 =	sadd.s32 $0x8020, s5;
	s26 =	simm.s32 $0x10F90  }
0x114: {  	[hbm4b:s18+s3] =	stream.linear.scatter [tilespmem:s26], [sflag:$0x3], $0x80, $0x38;
	[tilespmem:$0x16C00] =	vst v63  }
0x115: {  	s11 =	sadd.s32 $0x8030, s5;
	s13 =	simm.s32 $0x11018  }
0x116: {  	[hbm4b:s11+s3] =	stream.linear.scatter [tilespmem:s13], [sflag:$0x3], $0x80, $0x38;
	[tilespmem:$0x16C00] =	vst v63  }
0x117: {  	s15 =	sadd.s32 $0x8040, s5;
	s16 =	simm.s32 $0x110A0  }
0x118: {  	[hbm4b:s15+s3] =	stream.linear.scatter [tilespmem:s16], [sflag:$0x3], $0x80, $0x38;
	[tilespmem:$0x16C00] =	vst v63  }
0x119: {  	s18 =	sadd.s32 $0x8050, s5;
	s26 =	simm.s32 $0x11128  }
0x11a: {  	[hbm4b:s18+s3] =	stream.linear.scatter [tilespmem:s26], [sflag:$0x3], $0x80, $0x38;
	[tilespmem:$0x16C00] =	vst v63  }
0x11b: {  	s11 =	sadd.s32 $0x8060, s5;
	s13 =	simm.s32 $0x111B0  }
0x11c: {  	[hbm4b:s11+s3] =	stream.linear.scatter [tilespmem:s13], [sflag:$0x3], $0x80, $0x38;
	[tilespmem:$0x16C00] =	vst v63  }
0x11d: {  	s15 =	sadd.s32 $0x8070, s5;
	s16 =	simm.s32 $0x11238  }
0x11e: {  	[hbm4b:s15+s3] =	stream.linear.scatter [tilespmem:s16], [sflag:$0x3], $0x80, $0x38;
	[tilespmem:$0x16C00] =	vst v63  }
0x11f: {  	s18 =	sadd.s32 $0xC000, s5;
	s26 =	simm.s32 $0x112C0  }
0x120: {  	[hbm4b:s18+s3] =	stream.linear.scatter [tilespmem:s26], [sflag:$0x3], $0x80, $0x38;
	[tilespmem:$0x16C00] =	vst v63  }
0x121: {  	s11 =	sadd.s32 $0xC010, s5;
	s13 =	simm.s32 $0x11348  }
0x122: {  	[hbm4b:s11+s3] =	stream.linear.scatter [tilespmem:s13], [sflag:$0x3], $0x80, $0x38;
	[tilespmem:$0x16C00] =	vst v63  }
0x123: {  	s15 =	sadd.s32 $0xC020, s5;
	s16 =	simm.s32 $0x113D0  }
0x124: {  	[hbm4b:s15+s3] =	stream.linear.scatter [tilespmem:s16], [sflag:$0x3], $0x80, $0x38;
	[tilespmem:$0x16C00] =	vst v63  }
0x125: {  	s18 =	sadd.s32 $0xC030, s5;
	s26 =	simm.s32 $0x11458  }
0x126: {  	[hbm4b:s18+s3] =	stream.linear.scatter [tilespmem:s26], [sflag:$0x3], $0x80, $0x38;
	[tilespmem:$0x16C00] =	vst v63  }
0x127: {  	s11 =	sadd.s32 $0xC040, s5;
	s13 =	simm.s32 $0x114E0  }
0x128: {  	[hbm4b:s11+s3] =	stream.linear.scatter [tilespmem:s13], [sflag:$0x3], $0x80, $0x38;
	[tilespmem:$0x16C00] =	vst v63  }
0x129: {  	s15 =	sadd.s32 $0xC050, s5;
	s16 =	simm.s32 $0x11568  }
0x12a: {  	[hbm4b:s15+s3] =	stream.linear.scatter [tilespmem:s16], [sflag:$0x3], $0x80, $0x38;
	[tilespmem:$0x16C00] =	vst v63  }
0x12b: {  	s18 =	sadd.s32 $0xC060, s5;
	s26 =	simm.s32 $0x115F0  }
0x12c: {  	[hbm4b:s18+s3] =	stream.linear.scatter [tilespmem:s26], [sflag:$0x3], $0x80, $0x38;
	[tilespmem:$0x16C00] =	vst v63  }
0x12d: {  	s5 =	sadd.s32 $0xC070, s5;
	s13 =	simm.s32 $0x11678;
	s15 =	sor.u32 s9, s24  }
0x12e: {  	[hbm4b:s5+s3] =	stream.linear.scatter [tilespmem:s13], [sflag:$0x3], $0x80, $0x38;
	[tilespmem:$0x16C00] =	vst v63  }
0x12f: {  	s5 =	sshrl.u32 s15, $0x3  }
0x130: {  	s16 =	simm.s32 $0x11700;
	s5 =	sadd.s32 s2, s5  }
0x131: {  	[hbm4b:s5+s3] =	stream.linear.scatter [tilespmem:s16], [sflag:$0x3], $0x80, $0x38;
	[tilespmem:$0x16C00] =	vst v63  }
0x132: {  	s26 =	simm.s32 $0x11788;
	s18 =	sadd.s32 $0x10, s5  }
0x133: {  	[hbm4b:s18+s3] =	stream.linear.scatter [tilespmem:s26], [sflag:$0x3], $0x80, $0x38;
	[tilespmem:$0x16C00] =	vst v63  }
0x134: {  	s13 =	simm.s32 $0x11810;
	s11 =	sadd.s32 $0x20, s5  }
0x135: {  	[hbm4b:s11+s3] =	stream.linear.scatter [tilespmem:s13], [sflag:$0x3], $0x80, $0x38;
	[tilespmem:$0x16C00] =	vst v63  }
0x136: {  	s15 =	sadd.s32 $0x30, s5;
	s16 =	simm.s32 $0x11898  }
0x137: {  	[hbm4b:s15+s3] =	stream.linear.scatter [tilespmem:s16], [sflag:$0x3], $0x80, $0x38;
	[tilespmem:$0x16C00] =	vst v63  }
0x138: {  	s18 =	sadd.s32 $0x40, s5;
	s26 =	simm.s32 $0x11920  }
0x139: {  	[hbm4b:s18+s3] =	stream.linear.scatter [tilespmem:s26], [sflag:$0x3], $0x80, $0x38;
	[tilespmem:$0x16C00] =	vst v63  }
0x13a: {  	s11 =	sadd.s32 $0x50, s5;
	s13 =	simm.s32 $0x119A8  }
0x13b: {  	[hbm4b:s11+s3] =	stream.linear.scatter [tilespmem:s13], [sflag:$0x3], $0x80, $0x38;
	[tilespmem:$0x16C00] =	vst v63  }
0x13c: {  	s15 =	sadd.s32 $0x60, s5;
	s16 =	simm.s32 $0x11A30  }
0x13d: {  	[hbm4b:s15+s3] =	stream.linear.scatter [tilespmem:s16], [sflag:$0x3], $0x80, $0x38;
	[tilespmem:$0x16C00] =	vst v63  }
0x13e: {  	s18 =	sadd.s32 $0x70, s5;
	s26 =	simm.s32 $0x11AB8  }
0x13f: {  	[hbm4b:s18+s3] =	stream.linear.scatter [tilespmem:s26], [sflag:$0x3], $0x80, $0x38;
	[tilespmem:$0x16C00] =	vst v63  }
0x140: {  	s11 =	sadd.s32 $0x4000, s5;
	s13 =	simm.s32 $0x11B40  }
0x141: {  	[hbm4b:s11+s3] =	stream.linear.scatter [tilespmem:s13], [sflag:$0x3], $0x80, $0x38;
	[tilespmem:$0x16C00] =	vst v63  }
0x142: {  	s15 =	sadd.s32 $0x4010, s5;
	s16 =	simm.s32 $0x11BC8  }
0x143: {  	[hbm4b:s15+s3] =	stream.linear.scatter [tilespmem:s16], [sflag:$0x3], $0x80, $0x38;
	[tilespmem:$0x16C00] =	vst v63  }
0x144: {  	s18 =	sadd.s32 $0x4020, s5;
	s26 =	simm.s32 $0x11C50  }
0x145: {  	[hbm4b:s18+s3] =	stream.linear.scatter [tilespmem:s26], [sflag:$0x3], $0x80, $0x38;
	[tilespmem:$0x16C00] =	vst v63  }
0x146: {  	s11 =	sadd.s32 $0x4030, s5;
	s13 =	simm.s32 $0x11CD8  }
0x147: {  	[hbm4b:s11+s3] =	stream.linear.scatter [tilespmem:s13], [sflag:$0x3], $0x80, $0x38;
	[tilespmem:$0x16C00] =	vst v63  }
0x148: {  	s15 =	sadd.s32 $0x4040, s5;
	s16 =	simm.s32 $0x11D60  }
0x149: {  	[hbm4b:s15+s3] =	stream.linear.scatter [tilespmem:s16], [sflag:$0x3], $0x80, $0x38;
	[tilespmem:$0x16C00] =	vst v63  }
0x14a: {  	s18 =	sadd.s32 $0x4050, s5;
	s26 =	simm.s32 $0x11DE8  }
0x14b: {  	[hbm4b:s18+s3] =	stream.linear.scatter [tilespmem:s26], [sflag:$0x3], $0x80, $0x38;
	[tilespmem:$0x16C00] =	vst v63  }
0x14c: {  	s11 =	sadd.s32 $0x4060, s5;
	s13 =	simm.s32 $0x11E70  }
0x14d: {  	[hbm4b:s11+s3] =	stream.linear.scatter [tilespmem:s13], [sflag:$0x3], $0x80, $0x38;
	[tilespmem:$0x16C00] =	vst v63  }
0x14e: {  	s15 =	sadd.s32 $0x4070, s5;
	s16 =	simm.s32 $0x11EF8  }
0x14f: {  	[hbm4b:s15+s3] =	stream.linear.scatter [tilespmem:s16], [sflag:$0x3], $0x80, $0x38;
	[tilespmem:$0x16C00] =	vst v63  }
0x150: {  	s18 =	sadd.s32 $0x8000, s5;
	s26 =	simm.s32 $0x11F80  }
0x151: {  	[hbm4b:s18+s3] =	stream.linear.scatter [tilespmem:s26], [sflag:$0x3], $0x80, $0x38;
	[tilespmem:$0x16C00] =	vst v63  }
0x152: {  	s11 =	sadd.s32 $0x8010, s5;
	s13 =	simm.s32 $0x12008  }
0x153: {  	[hbm4b:s11+s3] =	stream.linear.scatter [tilespmem:s13], [sflag:$0x3], $0x80, $0x38;
	[tilespmem:$0x16C00] =	vst v63  }
0x154: {  	s15 =	sadd.s32 $0x8020, s5;
	s16 =	simm.s32 $0x12090  }
0x155: {  	[hbm4b:s15+s3] =	stream.linear.scatter [tilespmem:s16], [sflag:$0x3], $0x80, $0x38;
	[tilespmem:$0x16C00] =	vst v63  }
0x156: {  	s18 =	sadd.s32 $0x8030, s5;
	s26 =	simm.s32 $0x12118  }
0x157: {  	[hbm4b:s18+s3] =	stream.linear.scatter [tilespmem:s26], [sflag:$0x3], $0x80, $0x38;
	[tilespmem:$0x16C00] =	vst v63  }
0x158: {  	s11 =	sadd.s32 $0x8040, s5;
	s13 =	simm.s32 $0x121A0  }
0x159: {  	[hbm4b:s11+s3] =	stream.linear.scatter [tilespmem:s13], [sflag:$0x3], $0x80, $0x38;
	[tilespmem:$0x16C00] =	vst v63  }
0x15a: {  	s15 =	sadd.s32 $0x8050, s5;
	s16 =	simm.s32 $0x12228  }
0x15b: {  	[hbm4b:s15+s3] =	stream.linear.scatter [tilespmem:s16], [sflag:$0x3], $0x80, $0x38;
	[tilespmem:$0x16C00] =	vst v63  }
0x15c: {  	s18 =	sadd.s32 $0x8060, s5;
	s26 =	simm.s32 $0x122B0  }
0x15d: {  	[hbm4b:s18+s3] =	stream.linear.scatter [tilespmem:s26], [sflag:$0x3], $0x80, $0x38;
	[tilespmem:$0x16C00] =	vst v63  }
0x15e: {  	s11 =	sadd.s32 $0x8070, s5;
	s13 =	simm.s32 $0x12338  }
0x15f: {  	[hbm4b:s11+s3] =	stream.linear.scatter [tilespmem:s13], [sflag:$0x3], $0x80, $0x38;
	[tilespmem:$0x16C00] =	vst v63  }
0x160: {  	s15 =	sadd.s32 $0xC000, s5;
	s16 =	simm.s32 $0x123C0  }
0x161: {  	[hbm4b:s15+s3] =	stream.linear.scatter [tilespmem:s16], [sflag:$0x3], $0x80, $0x38;
	[tilespmem:$0x16C00] =	vst v63  }
0x162: {  	s18 =	sadd.s32 $0xC010, s5;
	s26 =	simm.s32 $0x12448  }
0x163: {  	[hbm4b:s18+s3] =	stream.linear.scatter [tilespmem:s26], [sflag:$0x3], $0x80, $0x38;
	[tilespmem:$0x16C00] =	vst v63  }
0x164: {  	s11 =	sadd.s32 $0xC020, s5;
	s13 =	simm.s32 $0x124D0  }
0x165: {  	[hbm4b:s11+s3] =	stream.linear.scatter [tilespmem:s13], [sflag:$0x3], $0x80, $0x38;
	[tilespmem:$0x16C00] =	vst v63  }
0x166: {  	s15 =	sadd.s32 $0xC030, s5;
	s16 =	simm.s32 $0x12558  }
0x167: {  	[hbm4b:s15+s3] =	stream.linear.scatter [tilespmem:s16], [sflag:$0x3], $0x80, $0x38;
	[tilespmem:$0x16C00] =	vst v63  }
0x168: {  	s18 =	sadd.s32 $0xC040, s5;
	s26 =	simm.s32 $0x125E0  }
0x169: {  	[hbm4b:s18+s3] =	stream.linear.scatter [tilespmem:s26], [sflag:$0x3], $0x80, $0x38;
	[tilespmem:$0x16C00] =	vst v63  }
0x16a: {  	p1 =	sne.s32 s19, $0x18;
	s13 =	sadd.s32 $0xC050, s5;
	s15 =	simm.s32 $0x12668  }
0x16b: {  	[hbm4b:s13+s3] =	stream.linear.scatter [tilespmem:s15], [sflag:$0x3], $0x80, $0x38;
	[tilespmem:$0x16C00] =	vst v63  }
.Ltmp3:
0x16c: {  	_ = 	snop;
	(pc) =	sbr.rel @p1 .LBB2_6-.Ltmp3, $4  }
0x16d: {  	s16 =	sadd.s32 $0xC060, s5;
	s18 =	simm.s32 $0x126F0  }
0x16e: {  	[hbm4b:s16+s3] =	stream.linear.scatter [tilespmem:s18], [sflag:$0x3], $0x80, $0x38;
	[tilespmem:$0x16C00] =	vst v63  }
0x16f: {  	s5 =	sadd.s32 $0xC070, s5;
	s26 =	simm.s32 $0x12778  }
0x170: {  	[hbm4b:s5+s3] =	stream.linear.scatter [tilespmem:s26], [sflag:$0x3], $0x80, $0x38;
	[tilespmem:$0x16C00] =	vst v63  }
.Ltmp4:
0x171: {  	(pc) =	sbr.rel .LBB2_7-.Ltmp4, $4  }
0x172: {  	_ = 	snop  }
0x173: {  	_ =	swait.ge [sflag:s0], $0x4000  }
0x174: {  	[sflag:s0] =	ssyncset.done $0x0  }
0x175: {  	[sflag:s0] =	ssyncadd.s32 $0xFFFFC000  }
.LBB2_6:
0x176: {  	s5 =	sadd.s32 $0x400, s22;
	s10 =	simm.s32 $0x6400  }
0x177: {  	[tilespmem:s10], [sflag:$0x1] =	stream.indirect.gather [hbm4b:s4+s14], $0x20, s5, s14, $0xb8;
	[tilespmem:$0x16C00] =	vst v63  }
0x178: {  	s11 =	sadd.s32 $0x480, s22;
	s13 =	simm.s32 $0x7400  }
0x179: {  	[tilespmem:s13], [sflag:$0x1] =	stream.indirect.gather [hbm4b:s4+s14], $0x20, s11, s14, $0xb8;
	[tilespmem:$0x16C00] =	vst v63  }
0x17a: {  	s15 =	sadd.s32 $0x500, s22;
	s16 =	simm.s32 $0x8400  }
0x17b: {  	[tilespmem:s16], [sflag:$0x1] =	stream.indirect.gather [hbm4b:s4+s14], $0x20, s15, s14, $0xb8;
	[tilespmem:$0x16C00] =	vst v63  }
.Ltmp5:
0x17c: {  	s18 =	sadd.s32 $0x580, s22;
	s26 =	simm.s32 $0x9400;
	(pc) =	sbr.rel @p0 .LBB2_8-.Ltmp5, $4  }
0x17d: {  	[tilespmem:s26], [sflag:$0x1] =	stream.indirect.gather [hbm4b:s4+s14], $0x20, s18, s14, $0xb8;
	[tilespmem:$0x16C00] =	vst v63  }
0x17e: {  	_ =	swait.ge [sflag:s0], $0x4000  }
0x17f: {  	[sflag:s0] =	ssyncset.done $0x0  }
0x180: {  	[sflag:s0] =	ssyncadd.s32 $0xFFFFC000  }
.LBB2_7:
0x181: {  	_ =	swait.ge [sflag:s1], $0x4000  }
0x182: {  	[sflag:s1] =	ssyncset.done $0x0  }
0x183: {  	[sflag:s1] =	ssyncadd.s32 $0xFFFFC000  }
.LBB2_8:
0x184: {  	s26 =	simm.s32 $0x0  }
0x185: {  	s5 =	simm.s32 $0x1;
	s10 =	simm.s32 $0x2;
	s11 =	simm.s32 $0x0  }
0x186: {  	s15 =	simm.s32 $0x7;
	s13 =	sand.u32 $0x78, s26;
	s5 =	sand.u32 $0x78, s5  }
0x187: {  	s18 =	simm.s32 $0x4;
	v3 =	vmov s11;
	s11 =	simm.s32 $0x5;
	s10 =	sand.u32 $0x78, s10;
	v4 =	vmov s13;
	v5 =	vmov s5  }
0x188: {  	s13 =	simm.s32 $0x6;
	v3 =	vmul.u32 $0x1100, v3;
	s5 =	sand.u32 $0x78, s11;
	v8 =	vmov s10;
	s10 =	sand.u32 $0x78, s18;
	v9 =	vshrl.u32 v4, $0x3  }
0x189: {  	s16 =	simm.s32 $0x3;
	v4 =	vshrl.u32 v5, $0x3;
	s11 =	sand.u32 $0x78, s13;
	s13 =	sand.u32 $0x78, s15;
	v5 =	vmov s5;
	v16 =	vmov s10  }
0x18a: {  	s5 =	sand.u32 $0x78, s16;
	v6 =	vmov s11;
	v7 =	vmov s13;
	v5 =	vshrl.u32 v5, $0x3  }
0x18b: {  	v10 =	vbroadcast v3, $0x0;
	v4 =	vshll.u32 v4, v1;
	v14 =	vmov s5  }
0x18c: {  	s11 =	simm.s32 $0xA4F0;
	v9 =	vshll.u32 v9, v1;
	v6 =	vshrl.u32 v6, $0x3;
	v11 =	vshll.u32 v5, v1  }
0x18d: {  	v5 =	vshrl.u32 v8, $0x3;
	v7 =	vshrl.u32 v7, $0x3;
	v3 =	vld [tilespmem:s11+$0xFFFFFF70];
	v12 =	vbroadcast v4, $0x0  }
0x18e: {  	v4 =	vld [tilespmem:s11+$0xFFFFFFA0];
	v14 =	vshrl.u32 v14, $0x3;
	v26 =	vbroadcast v9, $0x0;
	v6 =	vshll.u32 v6, v1  }
0x18f: {  	v23 =	vld [tilespmem:s11+$0x0];
	v13 =	vshll.u32 v5, v1;
	v5 =	vshll.u32 v7, v1;
	v8 =	vadd.s32 v0, v10  }
0x190: {  	v25 =	vld [tilespmem:s11+$0xFFFFFF30];
	v10 =	vadd.s32 v2, v10;
	v14 =	vshll.u32 v14, v1;
	v15 =	vbroadcast v5, $0x0  }
0x191: {  	v27 =	vld [tilespmem:s11+$0xFFFFFF50];
	v7 =	vadd.s32 v8, v12;
	v19 =	vadd.s32 v10, v12;
	v12 =	vbroadcast v13, $0x0  }
0x192: {  	v29 =	vld [tilespmem:s11+$0xFFFFFF60];
	v17 =	vor.u32 $0x1, v7;
	v7 =	vshrl.u32 v16, $0x3;
	v16 =	vadd.s32 v8, v15  }
0x193: {  	v21 =	vbroadcast v6, $0x0;
	v13 =	vld [tilespmem:s11+$0xFFFFFFF0];
	v15 =	vadd.s32 v10, v15;
	v16 =	vor.u32 $0x7, v16  }
0x194: {  	v5 =	vld [tilespmem:s11+$0xFFFFFFC0];
	v18 =	vshll.u32 v7, v1;
	v24 =	vor.u32 $0x7, v15;
	v15 =	vadd.s32 v8, v12  }
0x195: {  	v6 =	vld [tilespmem:s11+$0xFFFFFF20];
	v22 =	vbroadcast v18, $0x0;
	v12 =	vadd.s32 v10, v12;
	v28 =	vor.u32 $0x2, v15  }
0x196: {  	v31 =	vbroadcast v14, $0x0;
	v20 =	vor.u32 $0x1, v19;
	v7 =	vld [tilespmem:s11+$0xFFFFFFB0];
	v30 =	vor.u32 $0x2, v12  }
0x197: {  	v18 =	vld [tilespmem:s11+$0xFFFFFF40];
	v9 =	vadd.s32 v8, v22;
	v14 =	vadd.s32 v10, v22;
	v22 =	vbroadcast v11, $0x0;
	[tilespmem:v17+s12+$0x0] =	vst.idx.msk $0xffff, v25  }
0x198: {  	v15 =	vld [tilespmem:s11+$0xFFFFFF90];
	v11 =	vadd.s32 v8, v21;
	v21 =	vadd.s32 v10, v21;
	v12 =	vor.u32 $0x4, v9;
	[tilespmem:v16+s12+$0x0] =	vst.idx.msk $0xffff, v13  }
0x199: {  	v9 =	vadd.s32 v26, v10;
	v17 =	vld [tilespmem:s11+$0xFFFFFFD0];
	v19 =	vor.u32 $0x6, v11;
	v11 =	vor.u32 $0x4, v14;
	[tilespmem:v24+s12+$0x0] =	vst.idx.msk $0xffff, v23  }
0x19a: {  	v14 =	vor.u32 $0x6, v21;
	v21 =	vld [tilespmem:s11+$0xFFFFFFE0];
	v25 =	vadd.s32 v10, v22;
	v13 =	vadd.s32 v26, v8;
	[tilespmem:v28+s12+$0x0] =	vst.idx.msk $0xffff, v27  }
0x19b: {  	s5 =	simm.s32 $0xA5F0;
	v16 =	vld [tilespmem:s11+$0xFFFFFF10];
	v24 =	vadd.s32 v8, v31;
	v23 =	vadd.s32 v10, v31;
	v10 =	vor.u32 $0x5, v25;
	[tilespmem:v30+s12+$0x0] =	vst.idx.msk $0xffff, v29  }
.LBB2_9:
0x19c: {  	s10 =	sadd.s32 $0x9, s26  }
0x19d: {  	s13 =	sadd.s32 $0xA, s26;
	v25 =	vld [tilespmem:s5+$0xFFFFFF70];
	[tilespmem:v20+s12+$0x0] =	vst.idx.msk $0xffff, v18;
	v18 =	vor.u32 $0x3, v24;
	v8 =	vadd.s32 v8, v22;
	s15 =	smov.u32 s26;
	s26 =	sadd.s32 $0x8, s26  }
0x19e: {  	v22 =	vor.u32 $0x3, v23;
	s16 =	sshrl.u32 s26, $0x7;
	s18 =	sand.u32 $0x78, s26;
	s10 =	sand.u32 $0x78, s10;
	v20 =	vld [tilespmem:s5+$0xFFFFFFA0];
	[tilespmem:v12+s12+$0x0] =	vst.idx.msk $0xffff, v15;
	v8 =	vor.u32 $0x5, v8  }
0x19f: {  	v12 =	vmov s16;
	v15 =	vmov s18;
	v23 =	vmov s10;
	s10 =	sadd.s32 $0xD, s15;
	s16 =	sadd.s32 $0xE, s15;
	s18 =	sadd.s32 $0xF, s15;
	[tilespmem:v19+s12+$0x0] =	vst.idx.msk $0xffff, v17  }
0x1a0: {  	v15 =	vshrl.u32 v15, $0x3;
	v12 =	vmul.u32 $0x1100, v12;
	v17 =	vshrl.u32 v23, $0x3;
	s10 =	sand.u32 $0x78, s10;
	s16 =	sand.u32 $0x78, s16;
	s18 =	sand.u32 $0x78, s18;
	[tilespmem:v13+s12+$0x0] =	vst.idx.msk $0xffff, v16;
	v13 =	vld [tilespmem:s11+$0xFFFFFF80]  }
0x1a1: {  	s11 =	sand.u32 $0x78, s13;
	s13 =	sadd.s32 $0xB, s15;
	s15 =	sadd.s32 $0xC, s15;
	v16 =	vmov s10;
	v19 =	vmov s16;
	v23 =	vmov s18;
	[tilespmem:v14+s12+$0x0] =	vst.idx.msk $0xffff, v21  }
0x1a2: {  	p0 =	slt.u32 s26, $0x1F8;
	v14 =	vmov s11;
	s10 =	sand.u32 $0x78, s15;
	s11 =	smov.u32 s5;
	v16 =	vshrl.u32 v16, $0x3;
	v19 =	vshrl.u32 v19, $0x3;
	[tilespmem:v18+s12+$0x0] =	vst.idx.msk $0xffff, v3;
	v3 =	vmovc v25  }
0x1a3: {  	v12 =	vbroadcast v12, $0x0;
	v16 =	vshll.u32 v16, v1;
	v18 =	vshll.u32 v19, v1;
	[tilespmem:v8+s12+$0x0] =	vst.idx.msk $0xffff, v7  }
0x1a4: {  	s13 =	sand.u32 $0x78, s13;
	v7 =	vshll.u32 v17, v1;
	v8 =	vshrl.u32 v14, $0x3;
	v14 =	vshrl.u32 v23, $0x3;
	[tilespmem:v11+s12+$0x0] =	vst.idx.msk $0xffff, v4;
	v4 =	vmovc v20  }
0x1a5: {  	v11 =	vbroadcast v7, $0x0;
	v17 =	vshll.u32 v8, v1;
	v7 =	vshll.u32 v14, v1;
	[tilespmem:v22+s12+$0x0] =	vst.idx.msk $0xffff, v13  }
0x1a6: {  	v8 =	vadd.s32 v0, v12;
	v13 =	vmov s13;
	v14 =	vbroadcast v7, $0x0;
	[tilespmem:v9+s12+$0x0] =	vst.idx.msk $0xffff, v6  }
0x1a7: {  	v21 =	vbroadcast v18, $0x0;
	v7 =	vadd.s32 v8, v11;
	v9 =	vmov s10;
	[tilespmem:v10+s12+$0x0] =	vst.idx.msk $0xffff, v5;
	v5 =	vld [tilespmem:s5+$0xFFFFFFC0]  }
0x1a8: {  	v10 =	vor.u32 $0x1, v7;
	v7 =	vshrl.u32 v9, $0x3;
	v9 =	vadd.s32 v8, v14;
	v6 =	vld [tilespmem:s5+$0xFFFFFF20]  }
0x1a9: {  	v23 =	vadd.s32 v2, v12;
	v12 =	vshll.u32 v7, v1;
	v19 =	vor.u32 $0x7, v9;
	v7 =	vld [tilespmem:s5+$0xFFFFFFB0]  }
0x1aa: {  	v11 =	vadd.s32 v23, v11;
	v14 =	vadd.s32 v23, v14;
	v9 =	vbroadcast v17, $0x0;
	v17 =	vld [tilespmem:s5+$0xFFFFFFF0]  }
0x1ab: {  	v13 =	vshrl.u32 v13, $0x3;
	v14 =	vor.u32 $0x7, v14;
	v22 =	vbroadcast v12, $0x0;
	v24 =	vld [tilespmem:s5+$0x0]  }
0x1ac: {  	v12 =	vshll.u32 v15, v1;
	v15 =	vadd.s32 v8, v9;
	v9 =	vadd.s32 v23, v9;
	v25 =	vld [tilespmem:s5+$0xFFFFFF30]  }
0x1ad: {  	v26 =	vbroadcast v12, $0x0;
	v28 =	vor.u32 $0x2, v15;
	v12 =	vadd.s32 v8, v22;
	v27 =	vld [tilespmem:s5+$0xFFFFFF50]  }
0x1ae: {  	v13 =	vshll.u32 v13, v1;
	v30 =	vor.u32 $0x2, v9;
	v12 =	vor.u32 $0x4, v12;
	v29 =	vld [tilespmem:s5+$0xFFFFFF60]  }
.Ltmp6:
0x1af: {  	v20 =	vor.u32 $0x1, v11;
	v31 =	vbroadcast v13, $0x0;
	v9 =	vadd.s32 v26, v23;
	v18 =	vld [tilespmem:s5+$0xFFFFFF40];
	[tilespmem:v19+s12+$0x0] =	vst.idx.msk $0xffff, v17;
	(pc) =	sbr.rel @p0 .LBB2_9-.Ltmp6, $4  }
0x1b0: {  	v11 =	vadd.s32 v23, v22;
	v22 =	vbroadcast v16, $0x0;
	v16 =	vadd.s32 v8, v21;
	v15 =	vld [tilespmem:s5+$0xFFFFFF90];
	[tilespmem:v14+s12+$0x0] =	vst.idx.msk $0xffff, v24  }
0x1b1: {  	v13 =	vadd.s32 v26, v8;
	v19 =	vor.u32 $0x6, v16;
	[tilespmem:v10+s12+$0x0] =	vst.idx.msk $0xffff, v25;
	v17 =	vld [tilespmem:s5+$0xFFFFFFD0];
	v10 =	vadd.s32 v23, v21  }
0x1b2: {  	v11 =	vor.u32 $0x4, v11;
	v21 =	vadd.s32 v23, v22;
	v16 =	vld [tilespmem:s5+$0xFFFFFF10];
	[tilespmem:v28+s12+$0x0] =	vst.idx.msk $0xffff, v27;
	v14 =	vor.u32 $0x6, v10  }
0x1b3: {  	v24 =	vadd.s32 v8, v31;
	v23 =	vadd.s32 v23, v31;
	v10 =	vor.u32 $0x5, v21;
	s5 =	sadd.s32 $0x100, s5;
	[tilespmem:v30+s12+$0x0] =	vst.idx.msk $0xffff, v29;
	v21 =	vld [tilespmem:s11+$0xFFFFFFE0]  }
0x1b4: {  	_ =	sdelay $0x3  }
0x1b5: {  	[tilespmem:v20+s12+$0x0] =	vst.idx.msk $0xffff, v18  }
0x1b6: {  	[tilespmem:v12+s12+$0x0] =	vst.idx.msk $0xffff, v15  }
0x1b7: {  	v61 =	vor.u32 $0x3, v24;
	v8 =	vadd.s32 v8, v22;
	[tilespmem:v19+s12+$0x0] =	vst.idx.msk $0xffff, v17  }
0x1b8: {  	v8 =	vor.u32 $0x5, v8;
	[tilespmem:v11+s12+$0x0] =	vst.idx.msk $0xffff, v4  }
0x1b9: {  	v62 =	vor.u32 $0x3, v23;
	v63 =	vld [tilespmem:s11+$0xFFFFFF80];
	[tilespmem:v13+s12+$0x0] =	vst.idx.msk $0xffff, v16  }
0x1ba: {  	[tilespmem:v14+s12+$0x0] =	vst.idx.msk $0xffff, v21  }
0x1bb: {  	[tilespmem:v9+s12+$0x0] =	vst.idx.msk $0xffff, v6  }
0x1bc: {  	s11 =	sor.u32 $0x80000, s24;
	[tilespmem:v61+s12+$0x0] =	vst.idx.msk $0xffff, v3  }
0x1bd: {  	s5 =	sor.u32 s6, s11;
	[tilespmem:v8+s12+$0x0] =	vst.idx.msk $0xffff, v7  }
0x1be: {  	s5 =	sshrl.u32 s5, $0x3;
	[tilespmem:v62+s12+$0x0] =	vst.idx.msk $0xffff, v63  }
0x1bf: {  	s5 =	sadd.s32 s2, s5;
	[tilespmem:v10+s12+$0x0] =	vst.idx.msk $0xffff, v5  }
0x1c0: {  	[hbm4b:s5+s3] =	stream.linear.scatter [tilespmem:s12], [sflag:$0x4], $0x80, $0x38;
	[tilespmem:$0x16C00] =	vst v63  }
0x1c1: {  	s13 =	simm.s32 $0x12888;
	s10 =	sadd.s32 $0x10, s5  }
0x1c2: {  	[hbm4b:s10+s3] =	stream.linear.scatter [tilespmem:s13], [sflag:$0x4], $0x80, $0x38;
	[tilespmem:$0x16C00] =	vst v63  }
0x1c3: {  	s26 =	simm.s32 $0x12910;
	s24 =	sadd.s32 $0x20, s5  }
0x1c4: {  	[hbm4b:s24+s3] =	stream.linear.scatter [tilespmem:s26], [sflag:$0x4], $0x80, $0x38;
	[tilespmem:$0x16C00] =	vst v63  }
0x1c5: {  	s15 =	simm.s32 $0x12998;
	s13 =	sadd.s32 $0x30, s5  }
0x1c6: {  	[hbm4b:s13+s3] =	stream.linear.scatter [tilespmem:s15], [sflag:$0x4], $0x80, $0x38;
	[tilespmem:$0x16C00] =	vst v63  }
0x1c7: {  	s18 =	simm.s32 $0x12A20;
	s16 =	sadd.s32 $0x40, s5  }
0x1c8: {  	[hbm4b:s16+s3] =	stream.linear.scatter [tilespmem:s18], [sflag:$0x4], $0x80, $0x38;
	[tilespmem:$0x16C00] =	vst v63  }
0x1c9: {  	s24 =	sadd.s32 $0x50, s5;
	s26 =	simm.s32 $0x12AA8  }
0x1ca: {  	[hbm4b:s24+s3] =	stream.linear.scatter [tilespmem:s26], [sflag:$0x4], $0x80, $0x38;
	[tilespmem:$0x16C00] =	vst v63  }
0x1cb: {  	s13 =	sadd.s32 $0x60, s5;
	s15 =	simm.s32 $0x12B30  }
0x1cc: {  	[hbm4b:s13+s3] =	stream.linear.scatter [tilespmem:s15], [sflag:$0x4], $0x80, $0x38;
	[tilespmem:$0x16C00] =	vst v63  }
0x1cd: {  	s16 =	sadd.s32 $0x70, s5;
	s18 =	simm.s32 $0x12BB8  }
0x1ce: {  	[hbm4b:s16+s3] =	stream.linear.scatter [tilespmem:s18], [sflag:$0x4], $0x80, $0x38;
	[tilespmem:$0x16C00] =	vst v63  }
0x1cf: {  	s24 =	sadd.s32 $0x4000, s5;
	s26 =	simm.s32 $0x12C40  }
0x1d0: {  	[hbm4b:s24+s3] =	stream.linear.scatter [tilespmem:s26], [sflag:$0x4], $0x80, $0x38;
	[tilespmem:$0x16C00] =	vst v63  }
0x1d1: {  	s13 =	sadd.s32 $0x4010, s5;
	s15 =	simm.s32 $0x12CC8  }
0x1d2: {  	[hbm4b:s13+s3] =	stream.linear.scatter [tilespmem:s15], [sflag:$0x4], $0x80, $0x38;
	[tilespmem:$0x16C00] =	vst v63  }
0x1d3: {  	s16 =	sadd.s32 $0x4020, s5;
	s18 =	simm.s32 $0x12D50  }
0x1d4: {  	[hbm4b:s16+s3] =	stream.linear.scatter [tilespmem:s18], [sflag:$0x4], $0x80, $0x38;
	[tilespmem:$0x16C00] =	vst v63  }
0x1d5: {  	s24 =	sadd.s32 $0x4030, s5;
	s26 =	simm.s32 $0x12DD8  }
0x1d6: {  	[hbm4b:s24+s3] =	stream.linear.scatter [tilespmem:s26], [sflag:$0x4], $0x80, $0x38;
	[tilespmem:$0x16C00] =	vst v63  }
0x1d7: {  	s13 =	sadd.s32 $0x4040, s5;
	s15 =	simm.s32 $0x12E60  }
0x1d8: {  	[hbm4b:s13+s3] =	stream.linear.scatter [tilespmem:s15], [sflag:$0x4], $0x80, $0x38;
	[tilespmem:$0x16C00] =	vst v63  }
0x1d9: {  	s16 =	sadd.s32 $0x4050, s5;
	s18 =	simm.s32 $0x12EE8  }
0x1da: {  	[hbm4b:s16+s3] =	stream.linear.scatter [tilespmem:s18], [sflag:$0x4], $0x80, $0x38;
	[tilespmem:$0x16C00] =	vst v63  }
0x1db: {  	s24 =	sadd.s32 $0x4060, s5;
	s26 =	simm.s32 $0x12F70  }
0x1dc: {  	[hbm4b:s24+s3] =	stream.linear.scatter [tilespmem:s26], [sflag:$0x4], $0x80, $0x38;
	[tilespmem:$0x16C00] =	vst v63  }
0x1dd: {  	s13 =	sadd.s32 $0x4070, s5;
	s15 =	simm.s32 $0x12FF8  }
0x1de: {  	[hbm4b:s13+s3] =	stream.linear.scatter [tilespmem:s15], [sflag:$0x4], $0x80, $0x38;
	[tilespmem:$0x16C00] =	vst v63  }
0x1df: {  	s16 =	sadd.s32 $0x8000, s5;
	s18 =	simm.s32 $0x13080  }
0x1e0: {  	[hbm4b:s16+s3] =	stream.linear.scatter [tilespmem:s18], [sflag:$0x4], $0x80, $0x38;
	[tilespmem:$0x16C00] =	vst v63  }
0x1e1: {  	s24 =	sadd.s32 $0x8010, s5;
	s26 =	simm.s32 $0x13108  }
0x1e2: {  	[hbm4b:s24+s3] =	stream.linear.scatter [tilespmem:s26], [sflag:$0x4], $0x80, $0x38;
	[tilespmem:$0x16C00] =	vst v63  }
0x1e3: {  	s13 =	sadd.s32 $0x8020, s5;
	s15 =	simm.s32 $0x13190  }
0x1e4: {  	[hbm4b:s13+s3] =	stream.linear.scatter [tilespmem:s15], [sflag:$0x4], $0x80, $0x38;
	[tilespmem:$0x16C00] =	vst v63  }
0x1e5: {  	s16 =	sadd.s32 $0x8030, s5;
	s18 =	simm.s32 $0x13218  }
0x1e6: {  	[hbm4b:s16+s3] =	stream.linear.scatter [tilespmem:s18], [sflag:$0x4], $0x80, $0x38;
	[tilespmem:$0x16C00] =	vst v63  }
0x1e7: {  	s24 =	sadd.s32 $0x8040, s5;
	s26 =	simm.s32 $0x132A0  }
0x1e8: {  	[hbm4b:s24+s3] =	stream.linear.scatter [tilespmem:s26], [sflag:$0x4], $0x80, $0x38;
	[tilespmem:$0x16C00] =	vst v63  }
0x1e9: {  	s13 =	sadd.s32 $0x8050, s5;
	s15 =	simm.s32 $0x13328  }
0x1ea: {  	[hbm4b:s13+s3] =	stream.linear.scatter [tilespmem:s15], [sflag:$0x4], $0x80, $0x38;
	[tilespmem:$0x16C00] =	vst v63  }
0x1eb: {  	s16 =	sadd.s32 $0x8060, s5;
	s18 =	simm.s32 $0x133B0  }
0x1ec: {  	[hbm4b:s16+s3] =	stream.linear.scatter [tilespmem:s18], [sflag:$0x4], $0x80, $0x38;
	[tilespmem:$0x16C00] =	vst v63  }
0x1ed: {  	s24 =	sadd.s32 $0x8070, s5;
	s26 =	simm.s32 $0x13438  }
0x1ee: {  	[hbm4b:s24+s3] =	stream.linear.scatter [tilespmem:s26], [sflag:$0x4], $0x80, $0x38;
	[tilespmem:$0x16C00] =	vst v63  }
0x1ef: {  	s13 =	sadd.s32 $0xC000, s5;
	s15 =	simm.s32 $0x134C0  }
0x1f0: {  	[hbm4b:s13+s3] =	stream.linear.scatter [tilespmem:s15], [sflag:$0x4], $0x80, $0x38;
	[tilespmem:$0x16C00] =	vst v63  }
0x1f1: {  	s16 =	sadd.s32 $0xC010, s5;
	s18 =	simm.s32 $0x13548  }
0x1f2: {  	[hbm4b:s16+s3] =	stream.linear.scatter [tilespmem:s18], [sflag:$0x4], $0x80, $0x38;
	[tilespmem:$0x16C00] =	vst v63  }
0x1f3: {  	s24 =	sadd.s32 $0xC020, s5;
	s26 =	simm.s32 $0x135D0  }
0x1f4: {  	[hbm4b:s24+s3] =	stream.linear.scatter [tilespmem:s26], [sflag:$0x4], $0x80, $0x38;
	[tilespmem:$0x16C00] =	vst v63  }
0x1f5: {  	s13 =	sadd.s32 $0xC030, s5;
	s15 =	simm.s32 $0x13658  }
0x1f6: {  	[hbm4b:s13+s3] =	stream.linear.scatter [tilespmem:s15], [sflag:$0x4], $0x80, $0x38;
	[tilespmem:$0x16C00] =	vst v63  }
0x1f7: {  	s16 =	sadd.s32 $0xC040, s5;
	s18 =	simm.s32 $0x136E0  }
0x1f8: {  	[hbm4b:s16+s3] =	stream.linear.scatter [tilespmem:s18], [sflag:$0x4], $0x80, $0x38;
	[tilespmem:$0x16C00] =	vst v63  }
0x1f9: {  	s24 =	sadd.s32 $0xC050, s5;
	s26 =	simm.s32 $0x13768  }
0x1fa: {  	[hbm4b:s24+s3] =	stream.linear.scatter [tilespmem:s26], [sflag:$0x4], $0x80, $0x38;
	[tilespmem:$0x16C00] =	vst v63  }
0x1fb: {  	s15 =	sadd.s32 $0xC060, s5;
	s16 =	simm.s32 $0x137F0  }
0x1fc: {  	[hbm4b:s15+s3] =	stream.linear.scatter [tilespmem:s16], [sflag:$0x4], $0x80, $0x38;
	[tilespmem:$0x16C00] =	vst v63  }
0x1fd: {  	s5 =	sadd.s32 $0xC070, s5;
	s18 =	simm.s32 $0x13878;
	s24 =	sor.u32 s7, s11  }
0x1fe: {  	[hbm4b:s5+s3] =	stream.linear.scatter [tilespmem:s18], [sflag:$0x4], $0x80, $0x38;
	[tilespmem:$0x16C00] =	vst v63  }
0x1ff: {  	s5 =	sshrl.u32 s24, $0x3  }
0x200: {  	s26 =	simm.s32 $0x13900;
	s5 =	sadd.s32 s2, s5  }
0x201: {  	[hbm4b:s5+s3] =	stream.linear.scatter [tilespmem:s26], [sflag:$0x4], $0x80, $0x38;
	[tilespmem:$0x16C00] =	vst v63  }
0x202: {  	s15 =	simm.s32 $0x13988;
	s13 =	sadd.s32 $0x10, s5  }
0x203: {  	[hbm4b:s13+s3] =	stream.linear.scatter [tilespmem:s15], [sflag:$0x4], $0x80, $0x38;
	[tilespmem:$0x16C00] =	vst v63  }
0x204: {  	s18 =	simm.s32 $0x13A10;
	s16 =	sadd.s32 $0x20, s5  }
0x205: {  	[hbm4b:s16+s3] =	stream.linear.scatter [tilespmem:s18], [sflag:$0x4], $0x80, $0x38;
	[tilespmem:$0x16C00] =	vst v63  }
0x206: {  	s24 =	sadd.s32 $0x30, s5;
	s26 =	simm.s32 $0x13A98  }
0x207: {  	[hbm4b:s24+s3] =	stream.linear.scatter [tilespmem:s26], [sflag:$0x4], $0x80, $0x38;
	[tilespmem:$0x16C00] =	vst v63  }
0x208: {  	s13 =	sadd.s32 $0x40, s5;
	s15 =	simm.s32 $0x13B20  }
0x209: {  	[hbm4b:s13+s3] =	stream.linear.scatter [tilespmem:s15], [sflag:$0x4], $0x80, $0x38;
	[tilespmem:$0x16C00] =	vst v63  }
0x20a: {  	s16 =	sadd.s32 $0x50, s5;
	s18 =	simm.s32 $0x13BA8  }
0x20b: {  	[hbm4b:s16+s3] =	stream.linear.scatter [tilespmem:s18], [sflag:$0x4], $0x80, $0x38;
	[tilespmem:$0x16C00] =	vst v63  }
0x20c: {  	s24 =	sadd.s32 $0x60, s5;
	s26 =	simm.s32 $0x13C30  }
0x20d: {  	[hbm4b:s24+s3] =	stream.linear.scatter [tilespmem:s26], [sflag:$0x4], $0x80, $0x38;
	[tilespmem:$0x16C00] =	vst v63  }
0x20e: {  	s13 =	sadd.s32 $0x70, s5;
	s15 =	simm.s32 $0x13CB8  }
0x20f: {  	[hbm4b:s13+s3] =	stream.linear.scatter [tilespmem:s15], [sflag:$0x4], $0x80, $0x38;
	[tilespmem:$0x16C00] =	vst v63  }
0x210: {  	s16 =	sadd.s32 $0x4000, s5;
	s18 =	simm.s32 $0x13D40  }
0x211: {  	[hbm4b:s16+s3] =	stream.linear.scatter [tilespmem:s18], [sflag:$0x4], $0x80, $0x38;
	[tilespmem:$0x16C00] =	vst v63  }
0x212: {  	s24 =	sadd.s32 $0x4010, s5;
	s26 =	simm.s32 $0x13DC8  }
0x213: {  	[hbm4b:s24+s3] =	stream.linear.scatter [tilespmem:s26], [sflag:$0x4], $0x80, $0x38;
	[tilespmem:$0x16C00] =	vst v63  }
0x214: {  	s13 =	sadd.s32 $0x4020, s5;
	s15 =	simm.s32 $0x13E50  }
0x215: {  	[hbm4b:s13+s3] =	stream.linear.scatter [tilespmem:s15], [sflag:$0x4], $0x80, $0x38;
	[tilespmem:$0x16C00] =	vst v63  }
0x216: {  	s16 =	sadd.s32 $0x4030, s5;
	s18 =	simm.s32 $0x13ED8  }
0x217: {  	[hbm4b:s16+s3] =	stream.linear.scatter [tilespmem:s18], [sflag:$0x4], $0x80, $0x38;
	[tilespmem:$0x16C00] =	vst v63  }
0x218: {  	s24 =	sadd.s32 $0x4040, s5;
	s26 =	simm.s32 $0x13F60  }
0x219: {  	[hbm4b:s24+s3] =	stream.linear.scatter [tilespmem:s26], [sflag:$0x4], $0x80, $0x38;
	[tilespmem:$0x16C00] =	vst v63  }
0x21a: {  	s13 =	sadd.s32 $0x4050, s5;
	s15 =	simm.s32 $0x13FE8  }
0x21b: {  	[hbm4b:s13+s3] =	stream.linear.scatter [tilespmem:s15], [sflag:$0x4], $0x80, $0x38;
	[tilespmem:$0x16C00] =	vst v63  }
0x21c: {  	s16 =	sadd.s32 $0x4060, s5;
	s18 =	simm.s32 $0x14070  }
0x21d: {  	[hbm4b:s16+s3] =	stream.linear.scatter [tilespmem:s18], [sflag:$0x4], $0x80, $0x38;
	[tilespmem:$0x16C00] =	vst v63  }
0x21e: {  	s24 =	sadd.s32 $0x4070, s5;
	s26 =	simm.s32 $0x140F8  }
0x21f: {  	[hbm4b:s24+s3] =	stream.linear.scatter [tilespmem:s26], [sflag:$0x4], $0x80, $0x38;
	[tilespmem:$0x16C00] =	vst v63  }
0x220: {  	s13 =	sadd.s32 $0x8000, s5;
	s15 =	simm.s32 $0x14180  }
0x221: {  	[hbm4b:s13+s3] =	stream.linear.scatter [tilespmem:s15], [sflag:$0x4], $0x80, $0x38;
	[tilespmem:$0x16C00] =	vst v63  }
0x222: {  	s16 =	sadd.s32 $0x8010, s5;
	s18 =	simm.s32 $0x14208  }
0x223: {  	[hbm4b:s16+s3] =	stream.linear.scatter [tilespmem:s18], [sflag:$0x4], $0x80, $0x38;
	[tilespmem:$0x16C00] =	vst v63  }
0x224: {  	s24 =	sadd.s32 $0x8020, s5;
	s26 =	simm.s32 $0x14290  }
0x225: {  	[hbm4b:s24+s3] =	stream.linear.scatter [tilespmem:s26], [sflag:$0x4], $0x80, $0x38;
	[tilespmem:$0x16C00] =	vst v63  }
0x226: {  	s13 =	sadd.s32 $0x8030, s5;
	s15 =	simm.s32 $0x14318  }
0x227: {  	[hbm4b:s13+s3] =	stream.linear.scatter [tilespmem:s15], [sflag:$0x4], $0x80, $0x38;
	[tilespmem:$0x16C00] =	vst v63  }
0x228: {  	s16 =	sadd.s32 $0x8040, s5;
	s18 =	simm.s32 $0x143A0  }
0x229: {  	[hbm4b:s16+s3] =	stream.linear.scatter [tilespmem:s18], [sflag:$0x4], $0x80, $0x38;
	[tilespmem:$0x16C00] =	vst v63  }
0x22a: {  	s24 =	sadd.s32 $0x8050, s5;
	s26 =	simm.s32 $0x14428  }
0x22b: {  	[hbm4b:s24+s3] =	stream.linear.scatter [tilespmem:s26], [sflag:$0x4], $0x80, $0x38;
	[tilespmem:$0x16C00] =	vst v63  }
0x22c: {  	s13 =	sadd.s32 $0x8060, s5;
	s15 =	simm.s32 $0x144B0  }
0x22d: {  	[hbm4b:s13+s3] =	stream.linear.scatter [tilespmem:s15], [sflag:$0x4], $0x80, $0x38;
	[tilespmem:$0x16C00] =	vst v63  }
0x22e: {  	s16 =	sadd.s32 $0x8070, s5;
	s18 =	simm.s32 $0x14538  }
0x22f: {  	[hbm4b:s16+s3] =	stream.linear.scatter [tilespmem:s18], [sflag:$0x4], $0x80, $0x38;
	[tilespmem:$0x16C00] =	vst v63  }
0x230: {  	s24 =	sadd.s32 $0xC000, s5;
	s26 =	simm.s32 $0x145C0  }
0x231: {  	[hbm4b:s24+s3] =	stream.linear.scatter [tilespmem:s26], [sflag:$0x4], $0x80, $0x38;
	[tilespmem:$0x16C00] =	vst v63  }
0x232: {  	s13 =	sadd.s32 $0xC010, s5;
	s15 =	simm.s32 $0x14648  }
0x233: {  	[hbm4b:s13+s3] =	stream.linear.scatter [tilespmem:s15], [sflag:$0x4], $0x80, $0x38;
	[tilespmem:$0x16C00] =	vst v63  }
0x234: {  	s16 =	sadd.s32 $0xC020, s5;
	s18 =	simm.s32 $0x146D0  }
0x235: {  	[hbm4b:s16+s3] =	stream.linear.scatter [tilespmem:s18], [sflag:$0x4], $0x80, $0x38;
	[tilespmem:$0x16C00] =	vst v63  }
0x236: {  	s24 =	sadd.s32 $0xC030, s5;
	s26 =	simm.s32 $0x14758  }
0x237: {  	[hbm4b:s24+s3] =	stream.linear.scatter [tilespmem:s26], [sflag:$0x4], $0x80, $0x38;
	[tilespmem:$0x16C00] =	vst v63  }
0x238: {  	s13 =	sadd.s32 $0xC040, s5;
	s15 =	simm.s32 $0x147E0  }
0x239: {  	[hbm4b:s13+s3] =	stream.linear.scatter [tilespmem:s15], [sflag:$0x4], $0x80, $0x38;
	[tilespmem:$0x16C00] =	vst v63  }
0x23a: {  	s16 =	sadd.s32 $0xC050, s5;
	s18 =	simm.s32 $0x14868  }
0x23b: {  	[hbm4b:s16+s3] =	stream.linear.scatter [tilespmem:s18], [sflag:$0x4], $0x80, $0x38;
	[tilespmem:$0x16C00] =	vst v63  }
0x23c: {  	s24 =	sadd.s32 $0xC060, s5;
	s26 =	simm.s32 $0x148F0  }
0x23d: {  	[hbm4b:s24+s3] =	stream.linear.scatter [tilespmem:s26], [sflag:$0x4], $0x80, $0x38;
	[tilespmem:$0x16C00] =	vst v63  }
0x23e: {  	s5 =	sadd.s32 $0xC070, s5;
	s15 =	simm.s32 $0x14978;
	s16 =	sor.u32 s8, s11  }
0x23f: {  	[hbm4b:s5+s3] =	stream.linear.scatter [tilespmem:s15], [sflag:$0x4], $0x80, $0x38;
	[tilespmem:$0x16C00] =	vst v63  }
0x240: {  	s5 =	sshrl.u32 s16, $0x3  }
0x241: {  	s18 =	simm.s32 $0x14A00;
	s5 =	sadd.s32 s2, s5  }
0x242: {  	[hbm4b:s5+s3] =	stream.linear.scatter [tilespmem:s18], [sflag:$0x4], $0x80, $0x38;
	[tilespmem:$0x16C00] =	vst v63  }
0x243: {  	s26 =	simm.s32 $0x14A88;
	s24 =	sadd.s32 $0x10, s5  }
0x244: {  	[hbm4b:s24+s3] =	stream.linear.scatter [tilespmem:s26], [sflag:$0x4], $0x80, $0x38;
	[tilespmem:$0x16C00] =	vst v63  }
0x245: {  	s15 =	simm.s32 $0x14B10;
	s13 =	sadd.s32 $0x20, s5  }
0x246: {  	[hbm4b:s13+s3] =	stream.linear.scatter [tilespmem:s15], [sflag:$0x4], $0x80, $0x38;
	[tilespmem:$0x16C00] =	vst v63  }
0x247: {  	s16 =	sadd.s32 $0x30, s5;
	s18 =	simm.s32 $0x14B98  }
0x248: {  	[hbm4b:s16+s3] =	stream.linear.scatter [tilespmem:s18], [sflag:$0x4], $0x80, $0x38;
	[tilespmem:$0x16C00] =	vst v63  }
0x249: {  	s24 =	sadd.s32 $0x40, s5;
	s26 =	simm.s32 $0x14C20  }
0x24a: {  	[hbm4b:s24+s3] =	stream.linear.scatter [tilespmem:s26], [sflag:$0x4], $0x80, $0x38;
	[tilespmem:$0x16C00] =	vst v63  }
0x24b: {  	s13 =	sadd.s32 $0x50, s5;
	s15 =	simm.s32 $0x14CA8  }
0x24c: {  	[hbm4b:s13+s3] =	stream.linear.scatter [tilespmem:s15], [sflag:$0x4], $0x80, $0x38;
	[tilespmem:$0x16C00] =	vst v63  }
0x24d: {  	s16 =	sadd.s32 $0x60, s5;
	s18 =	simm.s32 $0x14D30  }
0x24e: {  	[hbm4b:s16+s3] =	stream.linear.scatter [tilespmem:s18], [sflag:$0x4], $0x80, $0x38;
	[tilespmem:$0x16C00] =	vst v63  }
0x24f: {  	s24 =	sadd.s32 $0x70, s5;
	s26 =	simm.s32 $0x14DB8  }
0x250: {  	[hbm4b:s24+s3] =	stream.linear.scatter [tilespmem:s26], [sflag:$0x4], $0x80, $0x38;
	[tilespmem:$0x16C00] =	vst v63  }
0x251: {  	s13 =	sadd.s32 $0x4000, s5;
	s15 =	simm.s32 $0x14E40  }
0x252: {  	[hbm4b:s13+s3] =	stream.linear.scatter [tilespmem:s15], [sflag:$0x4], $0x80, $0x38;
	[tilespmem:$0x16C00] =	vst v63  }
0x253: {  	s16 =	sadd.s32 $0x4010, s5;
	s18 =	simm.s32 $0x14EC8  }
0x254: {  	[hbm4b:s16+s3] =	stream.linear.scatter [tilespmem:s18], [sflag:$0x4], $0x80, $0x38;
	[tilespmem:$0x16C00] =	vst v63  }
0x255: {  	s24 =	sadd.s32 $0x4020, s5;
	s26 =	simm.s32 $0x14F50  }
0x256: {  	[hbm4b:s24+s3] =	stream.linear.scatter [tilespmem:s26], [sflag:$0x4], $0x80, $0x38;
	[tilespmem:$0x16C00] =	vst v63  }
0x257: {  	s13 =	sadd.s32 $0x4030, s5;
	s15 =	simm.s32 $0x14FD8  }
0x258: {  	[hbm4b:s13+s3] =	stream.linear.scatter [tilespmem:s15], [sflag:$0x4], $0x80, $0x38;
	[tilespmem:$0x16C00] =	vst v63  }
0x259: {  	s16 =	sadd.s32 $0x4040, s5;
	s18 =	simm.s32 $0x15060  }
0x25a: {  	[hbm4b:s16+s3] =	stream.linear.scatter [tilespmem:s18], [sflag:$0x4], $0x80, $0x38;
	[tilespmem:$0x16C00] =	vst v63  }
0x25b: {  	s24 =	sadd.s32 $0x4050, s5;
	s26 =	simm.s32 $0x150E8  }
0x25c: {  	[hbm4b:s24+s3] =	stream.linear.scatter [tilespmem:s26], [sflag:$0x4], $0x80, $0x38;
	[tilespmem:$0x16C00] =	vst v63  }
0x25d: {  	s13 =	sadd.s32 $0x4060, s5;
	s15 =	simm.s32 $0x15170  }
0x25e: {  	[hbm4b:s13+s3] =	stream.linear.scatter [tilespmem:s15], [sflag:$0x4], $0x80, $0x38;
	[tilespmem:$0x16C00] =	vst v63  }
0x25f: {  	s16 =	sadd.s32 $0x4070, s5;
	s18 =	simm.s32 $0x151F8  }
0x260: {  	[hbm4b:s16+s3] =	stream.linear.scatter [tilespmem:s18], [sflag:$0x4], $0x80, $0x38;
	[tilespmem:$0x16C00] =	vst v63  }
0x261: {  	s24 =	sadd.s32 $0x8000, s5;
	s26 =	simm.s32 $0x15280  }
0x262: {  	[hbm4b:s24+s3] =	stream.linear.scatter [tilespmem:s26], [sflag:$0x4], $0x80, $0x38;
	[tilespmem:$0x16C00] =	vst v63  }
0x263: {  	s13 =	sadd.s32 $0x8010, s5;
	s15 =	simm.s32 $0x15308  }
0x264: {  	[hbm4b:s13+s3] =	stream.linear.scatter [tilespmem:s15], [sflag:$0x4], $0x80, $0x38;
	[tilespmem:$0x16C00] =	vst v63  }
0x265: {  	s16 =	sadd.s32 $0x8020, s5;
	s18 =	simm.s32 $0x15390  }
0x266: {  	[hbm4b:s16+s3] =	stream.linear.scatter [tilespmem:s18], [sflag:$0x4], $0x80, $0x38;
	[tilespmem:$0x16C00] =	vst v63  }
0x267: {  	s24 =	sadd.s32 $0x8030, s5;
	s26 =	simm.s32 $0x15418  }
0x268: {  	[hbm4b:s24+s3] =	stream.linear.scatter [tilespmem:s26], [sflag:$0x4], $0x80, $0x38;
	[tilespmem:$0x16C00] =	vst v63  }
0x269: {  	s13 =	sadd.s32 $0x8040, s5;
	s15 =	simm.s32 $0x154A0  }
0x26a: {  	[hbm4b:s13+s3] =	stream.linear.scatter [tilespmem:s15], [sflag:$0x4], $0x80, $0x38;
	[tilespmem:$0x16C00] =	vst v63  }
0x26b: {  	s16 =	sadd.s32 $0x8050, s5;
	s18 =	simm.s32 $0x15528  }
0x26c: {  	[hbm4b:s16+s3] =	stream.linear.scatter [tilespmem:s18], [sflag:$0x4], $0x80, $0x38;
	[tilespmem:$0x16C00] =	vst v63  }
0x26d: {  	s24 =	sadd.s32 $0x8060, s5;
	s26 =	simm.s32 $0x155B0  }
0x26e: {  	[hbm4b:s24+s3] =	stream.linear.scatter [tilespmem:s26], [sflag:$0x4], $0x80, $0x38;
	[tilespmem:$0x16C00] =	vst v63  }
0x26f: {  	s13 =	sadd.s32 $0x8070, s5;
	s15 =	simm.s32 $0x15638  }
0x270: {  	[hbm4b:s13+s3] =	stream.linear.scatter [tilespmem:s15], [sflag:$0x4], $0x80, $0x38;
	[tilespmem:$0x16C00] =	vst v63  }
0x271: {  	s16 =	sadd.s32 $0xC000, s5;
	s18 =	simm.s32 $0x156C0  }
0x272: {  	[hbm4b:s16+s3] =	stream.linear.scatter [tilespmem:s18], [sflag:$0x4], $0x80, $0x38;
	[tilespmem:$0x16C00] =	vst v63  }
0x273: {  	s24 =	sadd.s32 $0xC010, s5;
	s26 =	simm.s32 $0x15748  }
0x274: {  	[hbm4b:s24+s3] =	stream.linear.scatter [tilespmem:s26], [sflag:$0x4], $0x80, $0x38;
	[tilespmem:$0x16C00] =	vst v63  }
0x275: {  	s13 =	sadd.s32 $0xC020, s5;
	s15 =	simm.s32 $0x157D0  }
0x276: {  	[hbm4b:s13+s3] =	stream.linear.scatter [tilespmem:s15], [sflag:$0x4], $0x80, $0x38;
	[tilespmem:$0x16C00] =	vst v63  }
0x277: {  	s16 =	sadd.s32 $0xC030, s5;
	s18 =	simm.s32 $0x15858  }
0x278: {  	[hbm4b:s16+s3] =	stream.linear.scatter [tilespmem:s18], [sflag:$0x4], $0x80, $0x38;
	[tilespmem:$0x16C00] =	vst v63  }
0x279: {  	s24 =	sadd.s32 $0xC040, s5;
	s26 =	simm.s32 $0x158E0  }
0x27a: {  	[hbm4b:s24+s3] =	stream.linear.scatter [tilespmem:s26], [sflag:$0x4], $0x80, $0x38;
	[tilespmem:$0x16C00] =	vst v63  }
0x27b: {  	s15 =	sadd.s32 $0xC050, s5;
	s16 =	simm.s32 $0x15968  }
0x27c: {  	[hbm4b:s15+s3] =	stream.linear.scatter [tilespmem:s16], [sflag:$0x4], $0x80, $0x38;
	[tilespmem:$0x16C00] =	vst v63  }
0x27d: {  	s18 =	sadd.s32 $0xC060, s5;
	s24 =	simm.s32 $0x159F0  }
0x27e: {  	[hbm4b:s18+s3] =	stream.linear.scatter [tilespmem:s24], [sflag:$0x4], $0x80, $0x38;
	[tilespmem:$0x16C00] =	vst v63  }
0x27f: {  	s10 =	sor.u32 s9, s11;
	s5 =	sadd.s32 $0xC070, s5;
	s26 =	simm.s32 $0x15A78  }
0x280: {  	[hbm4b:s5+s3] =	stream.linear.scatter [tilespmem:s26], [sflag:$0x4], $0x80, $0x38;
	[tilespmem:$0x16C00] =	vst v63  }
0x281: {  	s5 =	sshrl.u32 s10, $0x3  }
0x282: {  	s11 =	simm.s32 $0x15B00;
	s5 =	sadd.s32 s2, s5  }
0x283: {  	[hbm4b:s5+s3] =	stream.linear.scatter [tilespmem:s11], [sflag:$0x4], $0x80, $0x38;
	[tilespmem:$0x16C00] =	vst v63  }
0x284: {  	s15 =	simm.s32 $0x15B88;
	s13 =	sadd.s32 $0x10, s5  }
0x285: {  	[hbm4b:s13+s3] =	stream.linear.scatter [tilespmem:s15], [sflag:$0x4], $0x80, $0x38;
	[tilespmem:$0x16C00] =	vst v63  }
0x286: {  	s18 =	simm.s32 $0x15C10;
	s16 =	sadd.s32 $0x20, s5  }
0x287: {  	[hbm4b:s16+s3] =	stream.linear.scatter [tilespmem:s18], [sflag:$0x4], $0x80, $0x38;
	[tilespmem:$0x16C00] =	vst v63  }
0x288: {  	s26 =	simm.s32 $0x15C98;
	s24 =	sadd.s32 $0x30, s5  }
0x289: {  	[hbm4b:s24+s3] =	stream.linear.scatter [tilespmem:s26], [sflag:$0x4], $0x80, $0x38;
	[tilespmem:$0x16C00] =	vst v63  }
0x28a: {  	s13 =	sadd.s32 $0x40, s5;
	s15 =	simm.s32 $0x15D20  }
0x28b: {  	[hbm4b:s13+s3] =	stream.linear.scatter [tilespmem:s15], [sflag:$0x4], $0x80, $0x38;
	[tilespmem:$0x16C00] =	vst v63  }
0x28c: {  	s16 =	sadd.s32 $0x50, s5;
	s18 =	simm.s32 $0x15DA8  }
0x28d: {  	[hbm4b:s16+s3] =	stream.linear.scatter [tilespmem:s18], [sflag:$0x4], $0x80, $0x38;
	[tilespmem:$0x16C00] =	vst v63  }
0x28e: {  	s24 =	sadd.s32 $0x60, s5;
	s26 =	simm.s32 $0x15E30  }
0x28f: {  	[hbm4b:s24+s3] =	stream.linear.scatter [tilespmem:s26], [sflag:$0x4], $0x80, $0x38;
	[tilespmem:$0x16C00] =	vst v63  }
0x290: {  	s13 =	sadd.s32 $0x70, s5;
	s15 =	simm.s32 $0x15EB8  }
0x291: {  	[hbm4b:s13+s3] =	stream.linear.scatter [tilespmem:s15], [sflag:$0x4], $0x80, $0x38;
	[tilespmem:$0x16C00] =	vst v63  }
0x292: {  	s16 =	sadd.s32 $0x4000, s5;
	s18 =	simm.s32 $0x15F40  }
0x293: {  	[hbm4b:s16+s3] =	stream.linear.scatter [tilespmem:s18], [sflag:$0x4], $0x80, $0x38;
	[tilespmem:$0x16C00] =	vst v63  }
0x294: {  	s24 =	sadd.s32 $0x4010, s5;
	s26 =	simm.s32 $0x15FC8  }
0x295: {  	[hbm4b:s24+s3] =	stream.linear.scatter [tilespmem:s26], [sflag:$0x4], $0x80, $0x38;
	[tilespmem:$0x16C00] =	vst v63  }
0x296: {  	s13 =	sadd.s32 $0x4020, s5;
	s15 =	simm.s32 $0x16050  }
0x297: {  	[hbm4b:s13+s3] =	stream.linear.scatter [tilespmem:s15], [sflag:$0x4], $0x80, $0x38;
	[tilespmem:$0x16C00] =	vst v63  }
0x298: {  	s16 =	sadd.s32 $0x4030, s5;
	s18 =	simm.s32 $0x160D8  }
0x299: {  	[hbm4b:s16+s3] =	stream.linear.scatter [tilespmem:s18], [sflag:$0x4], $0x80, $0x38;
	[tilespmem:$0x16C00] =	vst v63  }
0x29a: {  	s24 =	sadd.s32 $0x4040, s5;
	s26 =	simm.s32 $0x16160  }
0x29b: {  	[hbm4b:s24+s3] =	stream.linear.scatter [tilespmem:s26], [sflag:$0x4], $0x80, $0x38;
	[tilespmem:$0x16C00] =	vst v63  }
0x29c: {  	s13 =	sadd.s32 $0x4050, s5;
	s15 =	simm.s32 $0x161E8  }
0x29d: {  	[hbm4b:s13+s3] =	stream.linear.scatter [tilespmem:s15], [sflag:$0x4], $0x80, $0x38;
	[tilespmem:$0x16C00] =	vst v63  }
0x29e: {  	s16 =	sadd.s32 $0x4060, s5;
	s18 =	simm.s32 $0x16270  }
0x29f: {  	[hbm4b:s16+s3] =	stream.linear.scatter [tilespmem:s18], [sflag:$0x4], $0x80, $0x38;
	[tilespmem:$0x16C00] =	vst v63  }
0x2a0: {  	s24 =	sadd.s32 $0x4070, s5;
	s26 =	simm.s32 $0x162F8  }
0x2a1: {  	[hbm4b:s24+s3] =	stream.linear.scatter [tilespmem:s26], [sflag:$0x4], $0x80, $0x38;
	[tilespmem:$0x16C00] =	vst v63  }
0x2a2: {  	s13 =	sadd.s32 $0x8000, s5;
	s15 =	simm.s32 $0x16380  }
0x2a3: {  	[hbm4b:s13+s3] =	stream.linear.scatter [tilespmem:s15], [sflag:$0x4], $0x80, $0x38;
	[tilespmem:$0x16C00] =	vst v63  }
0x2a4: {  	s16 =	sadd.s32 $0x8010, s5;
	s18 =	simm.s32 $0x16408  }
0x2a5: {  	[hbm4b:s16+s3] =	stream.linear.scatter [tilespmem:s18], [sflag:$0x4], $0x80, $0x38;
	[tilespmem:$0x16C00] =	vst v63  }
0x2a6: {  	s24 =	sadd.s32 $0x8020, s5;
	s26 =	simm.s32 $0x16490  }
0x2a7: {  	[hbm4b:s24+s3] =	stream.linear.scatter [tilespmem:s26], [sflag:$0x4], $0x80, $0x38;
	[tilespmem:$0x16C00] =	vst v63  }
0x2a8: {  	s13 =	sadd.s32 $0x8030, s5;
	s15 =	simm.s32 $0x16518  }
0x2a9: {  	[hbm4b:s13+s3] =	stream.linear.scatter [tilespmem:s15], [sflag:$0x4], $0x80, $0x38;
	[tilespmem:$0x16C00] =	vst v63  }
0x2aa: {  	s16 =	sadd.s32 $0x8040, s5;
	s18 =	simm.s32 $0x165A0  }
0x2ab: {  	[hbm4b:s16+s3] =	stream.linear.scatter [tilespmem:s18], [sflag:$0x4], $0x80, $0x38;
	[tilespmem:$0x16C00] =	vst v63  }
0x2ac: {  	s24 =	sadd.s32 $0x8050, s5;
	s26 =	simm.s32 $0x16628  }
0x2ad: {  	[hbm4b:s24+s3] =	stream.linear.scatter [tilespmem:s26], [sflag:$0x4], $0x80, $0x38;
	[tilespmem:$0x16C00] =	vst v63  }
0x2ae: {  	s13 =	sadd.s32 $0x8060, s5;
	s15 =	simm.s32 $0x166B0  }
0x2af: {  	[hbm4b:s13+s3] =	stream.linear.scatter [tilespmem:s15], [sflag:$0x4], $0x80, $0x38;
	[tilespmem:$0x16C00] =	vst v63  }
0x2b0: {  	s16 =	sadd.s32 $0x8070, s5;
	s18 =	simm.s32 $0x16738  }
0x2b1: {  	[hbm4b:s16+s3] =	stream.linear.scatter [tilespmem:s18], [sflag:$0x4], $0x80, $0x38;
	[tilespmem:$0x16C00] =	vst v63  }
0x2b2: {  	s24 =	sadd.s32 $0xC000, s5;
	s26 =	simm.s32 $0x167C0  }
0x2b3: {  	[hbm4b:s24+s3] =	stream.linear.scatter [tilespmem:s26], [sflag:$0x4], $0x80, $0x38;
	[tilespmem:$0x16C00] =	vst v63  }
0x2b4: {  	s13 =	sadd.s32 $0xC010, s5  }
0x2b5: {  	[hbm4b:s13+s3] =	stream.linear.scatter [tilespmem:s20], [sflag:$0x4], $0x80, $0x38;
	[tilespmem:$0x16C00] =	vst v63  }
0x2b6: {  	s15 =	sadd.s32 $0xC020, s5  }
0x2b7: {  	[hbm4b:s15+s3] =	stream.linear.scatter [tilespmem:s21], [sflag:$0x4], $0x80, $0x38;
	[tilespmem:$0x16C00] =	vst v63  }
0x2b8: {  	s16 =	sadd.s32 $0xC030, s5  }
0x2b9: {  	[hbm4b:s16+s3] =	stream.linear.scatter [tilespmem:s23], [sflag:$0x4], $0x80, $0x38;
	[tilespmem:$0x16C00] =	vst v63  }
0x2ba: {  	s18 =	sadd.s32 $0xC040, s5  }
0x2bb: {  	[hbm4b:s18+s3] =	stream.linear.scatter [tilespmem:s25], [sflag:$0x4], $0x80, $0x38;
	[tilespmem:$0x16C00] =	vst v63  }
0x2bc: {  	p0 =	seq.s32 s19, $0x18;
	s24 =	sadd.s32 $0xC050, s5  }
0x2bd: {  	[hbm4b:s24+s3] =	stream.linear.scatter [tilespmem:s28], [sflag:$0x4], $0x80, $0x38;
	[tilespmem:$0x16C00] =	vst v63  }
.Ltmp7:
0x2be: {  	_ = 	snop;
	(pc) =	sbr.rel @p0 .LBB2_12-.Ltmp7, $4  }
0x2bf: {  	s26 =	sadd.s32 $0xC060, s5  }
0x2c0: {  	[hbm4b:s26+s3] =	stream.linear.scatter [tilespmem:s31], [sflag:$0x4], $0x80, $0x38;
	[tilespmem:$0x16C00] =	vst v63  }
0x2c1: {  	s5 =	sadd.s32 $0xC070, s5  }
0x2c2: {  	[hbm4b:s5+s3] =	stream.linear.scatter [tilespmem:s17], [sflag:$0x4], $0x80, $0x38;
	[tilespmem:$0x16C00] =	vst v63  }
0x2c3: {  	s5 =	sadd.s32 $0x600, s22;
	s10 =	simm.s32 $0xA400  }
0x2c4: {  	[tilespmem:s10], [sflag:$0x2] =	stream.indirect.gather [hbm4b:s4+s14], $0x20, s5, s14, $0xb8;
	[tilespmem:$0x16C00] =	vst v63  }
0x2c5: {  	s13 =	sadd.s32 $0x680, s22;
	s15 =	simm.s32 $0xB400  }
0x2c6: {  	[tilespmem:s15], [sflag:$0x2] =	stream.indirect.gather [hbm4b:s4+s14], $0x20, s13, s14, $0xb8;
	[tilespmem:$0x16C00] =	vst v63  }
.Ltmp8:
0x2c7: {  	_ = 	snop;
	(pc) =	sbr.rel .LBB2_2-.Ltmp8, $4  }
0x2c8: {  	s16 =	sadd.s32 $0x700, s22;
	s18 =	simm.s32 $0xC400  }
0x2c9: {  	[tilespmem:s18], [sflag:$0x2] =	stream.indirect.gather [hbm4b:s4+s14], $0x20, s16, s14, $0xb8;
	[tilespmem:$0x16C00] =	vst v63  }
0x2ca: {  	s24 =	sadd.s32 $0x780, s22;
	s26 =	simm.s32 $0xD400;
	s19 =	sadd.s32 $0x1, s19  }
0x2cb: {  	[tilespmem:s26], [sflag:$0x2] =	stream.indirect.gather [hbm4b:s4+s14], $0x20, s24, s14, $0xb8;
	[tilespmem:$0x16C00] =	vst v63  }
.LBB2_13:
0x2cc: {  	_ =	sfence.sel $0x180000  }
0x2cd: {  	[bflag:$0x0] =	sbarrier.arrive $0xFFFF  }
0x2ce: {  	_ =	strace $0x9000004A  }
0x2cf: {  	s0 =	stileid.u32;
	[bflag:$0x2] =	sbarrier.arrive $0xFFFF  }
0x2d0: {  	p0 =	sne.s32 s0, $0x0;
	s0 =	rddreg [dreg:$0x2]  }
0x2d1: {  	s0 =	sadd.s32 @!p0 $0x100000, s0  }
0x2d2: {  	[sflag:s0] =	ssyncadd.tile.s32 @!p0 $0x1;
	_ =	shalt  }
.Lfunc_end2:
_tile_overlayer_lowered:
.L_overlay_start_2:
0x2d3: {  	(tag) =	ssettag $0x2  }
0x2d4: {  	s0 =	rddreg [dreg:$0x0];
	s2 =	stileid.u32  }
0x2d5: {  	s1 =	rddreg [dreg:$0x1];
	p0 =	sne.s32 s2, $0x0  }
0x2d6: {  	s3 =	rddreg [dreg:$0x2];
	[bflag:$0x3] =	sbarrier.arrive $0xFFFF;
	s2 =	simm.s32 @!p0 $0x1C05  }
0x2d7: {  	[timem:s3], [sflag:s2] =	dma.local @!p0 [hbm:s0], s1  }
0x2d8: {  	s0 =	simm.s32 @!p0 $0x5  }
0x2d9: {  	_ =	swait.ge @!p0 [sflag:s0], s1  }
0x2da: {  	s1 =	ssub.s32 @!p0 $0x0, s1;
	[sflag:s0] =	ssyncset.done @!p0 $0x0  }
0x2db: {  	[sflag:s0] =	ssyncadd.s32 @!p0 s1  }
0x2dc: {  	[bflag:$0x3] =	sbarrier.arrive $0xFFFF  }
0x2dd: {  	_ =	shalt  }

</sc_bundles>
